<compile_context>
chip_gen: v7x
topology: tpu7x:2x2x1
jax: 0.10.2.dev20260603
libtpu: 0.0.44.dev20260713+nightly
codegen_flags: <defaults>
</compile_context>

<pallas_src>
import functools

import jax
import jax.numpy as jnp
from jax import lax
from jax.experimental import pallas as pl
from jax.experimental.pallas import tpu as pltpu
from jax.experimental.pallas import tpu_sc as plsc

_B, _L, _D, _V = 128, 512, 512, 42
_NC, _NS, _LANES = 2, 16, 16
_NW = _NC * _NS
_LPW = _L // _NW
_G = 2
_GR = _G * _LPW
_NGROUPS = _B // _G
_RING = 4
_CPR = _D // _LANES
_UNROLL = 4


def _positional_encoding():
    even_i = jnp.arange(0, _D, 2).astype(jnp.float32)
    denominator = jnp.power(10000.0, even_i / _D)
    position = jnp.arange(_L, dtype=jnp.float32).reshape(_L, 1)
    even_pe = jnp.sin(position / denominator)
    odd_pe = jnp.cos(position / denominator)
    return jnp.stack([even_pe, odd_pe], axis=2).reshape(_L, _D)


def _make_sc_kernel():
    mesh = plsc.VectorSubcoreMesh(core_axis_name="c", subcore_axis_name="s")

    @functools.partial(
        pl.kernel,
        mesh=mesh,
        out_type=jax.ShapeDtypeStruct((_B * _L, _D), jnp.float32),
        scratch_types=[
            pltpu.VMEM((_LPW, _D), jnp.float32),
            pltpu.VMEM((_B * _LPW,), jnp.int32),
            [pltpu.VMEM((_GR, _D), jnp.float32) for _ in range(_RING)],
            [pltpu.SemaphoreType.DMA for _ in range(_RING)],
            [pltpu.SemaphoreType.DMA for _ in range(_RING)],
        ],
    )
    def sc_kernel(x_hbm, table_hbm, pe_hbm, out_hbm,
                  pe_v, idx_v, bufs, gsems, osems):
        wid = lax.axis_index("s") * _NC + lax.axis_index("c")
        base = wid * _LPW
        pltpu.sync_copy(pe_hbm.at[pl.ds(base, _LPW), :], pe_v)
        pltpu.sync_copy(x_hbm.at[pl.ds(wid * _B * _LPW, _B * _LPW)], idx_v)

        def _gather(g, j):
            return pltpu.make_async_copy(
                table_hbm.at[idx_v.at[pl.ds(g * _GR, _GR)]], bufs[j], gsems[j])

        def _store(g, j, i):
            return pltpu.make_async_copy(
                bufs[j].at[pl.ds(i * _LPW, _LPW), :],
                out_hbm.at[pl.ds((g * _G + i) * _L + base, _LPW), :],
                osems[j])

        for j in range(_RING - 1):
            _gather(j, j).start()

        def k_body(k, carry):
            for j in range(_RING):
                g = k * _RING + j
                _gather(g, j).wait()
                w = (j + _RING - 1) % _RING
                nxt = g + _RING - 1

                @pl.when(g >= 1)
                def _drain_prev():
                    for i in range(_G):
                        _store(g - 1, w, i).wait()

                @pl.when(nxt < _NGROUPS)
                def _issue_next():
                    _gather(nxt, w).start()

                def r_body(r, _, j=j):
                    pr = r % _LPW

                    def c_body(c, _):
                        for u in range(_UNROLL):
                            sl = pl.ds((c * _UNROLL + u) * _LANES, _LANES)
                            bufs[j][r, sl] = bufs[j][r, sl] + pe_v[pr, sl]
                        return 0

                    lax.fori_loop(0, _CPR // _UNROLL, c_body, 0)
                    return 0

                lax.fori_loop(0, _GR, r_body, 0)
                for i in range(_G):
                    _store(g, j, i).start()
            return carry

        lax.fori_loop(0, _NGROUPS // _RING, k_body, 0)
        for i in range(_G):
            _store(_NGROUPS - 1, (_NGROUPS - 1) % _RING, i).wait()

    return sc_kernel


_SC_KERNEL = _make_sc_kernel()


def kernel(x, table, start_token, end_token):
    pe = _positional_encoding()
    xr = x.reshape(_B, _NW, _LPW).transpose(1, 0, 2).reshape(-1)
    out = _SC_KERNEL(xr, table, pe)
    return out.reshape(_B, _L, _D)

# --- scband reference (transcript-rebuilt; emitter-appended) ---
"""Pipeline reference for scband-preprocessing-12515534701305 (READ-ONLY COPY).

The authoritative reference and input builder live on the scoring server;
editing this copy changes nothing except your own understanding.
"""

import jax, jax.numpy as jnp
import numpy as np

B = 128
L = 512
D_MODEL = 512
VOCAB = 42


def positional_encoding(max_len, d_model):
    even_i = jnp.arange(0, d_model, 2).astype(jnp.float32)
    denominator = jnp.power(10000.0, even_i / d_model)
    position = jnp.arange(max_len, dtype=jnp.float32).reshape(max_len, 1)
    even_PE = jnp.sin(position / denominator)
    odd_PE = jnp.cos(position / denominator)
    stacked = jnp.stack([even_PE, odd_PE], axis=2)
    PE = stacked.reshape(max_len, d_model)
    return PE[None]  # [1, max_len, d_model]


def setup_inputs(seed: int = 0) -> dict:
    key = jax.random.key(seed)
    k1, k2 = jax.random.split(key)
    # x models the output of batch_tokens: int token ids in [0, vocab)
    x = jax.random.randint(k1, (B, L), 0, VOCAB, dtype=jnp.int32)
    # nn.Embedding default init: N(0, 1)
    table = jax.random.normal(k2, (VOCAB, D_MODEL), dtype=jnp.float32)
    return {"x": x, "table": table, "start_token": 1, "end_token": 1}


def reference(x, table, start_token=1, end_token=1):
    # TokenEmbedding: gather rows of the embedding table
    emb = jnp.take(table, x, axis=0)  # [B, L, D]
    # PositionalEncoding (dropout=0.0 -> identity)
    pe = positional_encoding(L, D_MODEL)  # [1, L, D]
    # Preprocessing: dropout(emb + pe), dropout=0.0 -> identity
    out = emb + pe
    return out

if __name__ == "__main__":
    import jax
    _d = setup_inputs()
    print(jax.jit(kernel)(*tuple(_d.values())))

</pallas_src>

<mosaic_0001>
#map = affine_map<(d0, d1) -> (0)>
#map1 = affine_map<(d0, d1) -> (0, 0)>
module attributes {stable_mosaic.version = 14 : i64} {
  func.func @sc_kernel(%arg0: i32, %arg1: i32, %arg2: memref<65536xi32, #tpu.memory_space<hbm>>, %arg3: memref<42x512xf32, #tpu.memory_space<hbm>>, %arg4: memref<512x512xf32, #tpu.memory_space<hbm>>, %arg5: memref<65536x512xf32, #tpu.memory_space<hbm>>, %arg6: memref<16x512xf32, #tpu.memory_space<vmem>>, %arg7: memref<2048xi32, #tpu.memory_space<vmem>>, %arg8: memref<32x512xf32, #tpu.memory_space<vmem>>, %arg9: memref<32x512xf32, #tpu.memory_space<vmem>>, %arg10: memref<32x512xf32, #tpu.memory_space<vmem>>, %arg11: memref<32x512xf32, #tpu.memory_space<vmem>>, %arg12: memref<!tpu.dma_semaphore, #tpu.memory_space<semaphore_mem>>, %arg13: memref<!tpu.dma_semaphore, #tpu.memory_space<semaphore_mem>>, %arg14: memref<!tpu.dma_semaphore, #tpu.memory_space<semaphore_mem>>, %arg15: memref<!tpu.dma_semaphore, #tpu.memory_space<semaphore_mem>>, %arg16: memref<!tpu.dma_semaphore, #tpu.memory_space<semaphore_mem>>, %arg17: memref<!tpu.dma_semaphore, #tpu.memory_space<semaphore_mem>>, %arg18: memref<!tpu.dma_semaphore, #tpu.memory_space<semaphore_mem>>, %arg19: memref<!tpu.dma_semaphore, #tpu.memory_space<semaphore_mem>>) attributes {dimension_semantics = [#tpu.dimension_semantics<core_parallel>, #tpu.dimension_semantics<subcore_parallel>], iteration_bounds = array<i64: 2, 16>, scalar_prefetch = 0 : i64, scratch_operands = 14 : i64, tpu.core_type = #tpu.core_type<sc_vector_subcore>, window_params = [{transform_indices = #map}, {transform_indices = #map1}, {transform_indices = #map1}, {transform_indices = #map1}]} {
    %mul3A = arith.constant 2 : i32
    %mul3A_0 = arith.muli %arg1, %mul3A : i32
    %add3A = arith.addi %mul3A_0, %arg0 : i32
    %mul3A_1 = arith.constant 16 : i32
    %mul3A_2 = arith.muli %add3A, %mul3A_1 : i32
    "tpu.region"() ({
      %run_scoped3A = tpu.sem_alloc : memref<!tpu.dma_semaphore, #tpu.memory_space<semaphore_mem>>
      %dma_start3A_49 = arith.constant 0 : i32
      %dma_start3A_50 = tpu.memref_slice %arg4[%mul3A_2, %dma_start3A_49] : memref<512x512xf32, #tpu.memory_space<hbm>> -> memref<16x512xf32, #tpu.memory_space<hbm>>
      %dma_start3A_51 = arith.constant 0 : i32
      %dma_start3A_52 = tpu.memref_slice %arg4[%mul3A_2, %dma_start3A_51] : memref<512x512xf32, #tpu.memory_space<hbm>> -> memref<16x512xf32, #tpu.memory_space<hbm>>
      tpu.enqueue_dma source(%dma_start3A_52 : memref<16x512xf32, #tpu.memory_space<hbm>>) target(%arg6 : memref<16x512xf32, #tpu.memory_space<vmem>>) target_semaphore(%run_scoped3A : memref<!tpu.dma_semaphore, #tpu.memory_space<semaphore_mem>>)
      %dma_wait3A_53 = arith.constant 0 : i32
      %dma_wait3A_54 = tpu.memref_slice %arg4[%mul3A_2, %dma_wait3A_53] : memref<512x512xf32, #tpu.memory_space<hbm>> -> memref<16x512xf32, #tpu.memory_space<hbm>>
      %dma_wait3A_55 = arith.constant 0 : i32
      %dma_wait3A_56 = tpu.memref_slice %arg4[%mul3A_2, %dma_wait3A_55] : memref<512x512xf32, #tpu.memory_space<hbm>> -> memref<16x512xf32, #tpu.memory_space<hbm>>
      tpu.wait_dma2 semaphore(%run_scoped3A : memref<!tpu.dma_semaphore, #tpu.memory_space<semaphore_mem>>) src(%dma_wait3A_56 : memref<16x512xf32, #tpu.memory_space<hbm>>) dst(%arg6 : memref<16x512xf32, #tpu.memory_space<vmem>>)
      tpu.yield
    }) : () -> ()
    %mul3A_3 = arith.constant 128 : i32
    %mul3A_4 = arith.muli %add3A, %mul3A_3 : i32
    %mul3A_5 = arith.constant 16 : i32
    %mul3A_6 = arith.muli %mul3A_4, %mul3A_5 : i32
    "tpu.region"() ({
      %run_scoped3A = tpu.sem_alloc : memref<!tpu.dma_semaphore, #tpu.memory_space<semaphore_mem>>
      %dma_start3A_49 = tpu.memref_slice %arg2[%mul3A_6] : memref<65536xi32, #tpu.memory_space<hbm>> -> memref<2048xi32, #tpu.memory_space<hbm>>
      %dma_start3A_50 = tpu.memref_slice %arg2[%mul3A_6] : memref<65536xi32, #tpu.memory_space<hbm>> -> memref<2048xi32, #tpu.memory_space<hbm>>
      tpu.enqueue_dma source(%dma_start3A_50 : memref<2048xi32, #tpu.memory_space<hbm>>) target(%arg7 : memref<2048xi32, #tpu.memory_space<vmem>>) target_semaphore(%run_scoped3A : memref<!tpu.dma_semaphore, #tpu.memory_space<semaphore_mem>>)
      %dma_wait3A_51 = tpu.memref_slice %arg2[%mul3A_6] : memref<65536xi32, #tpu.memory_space<hbm>> -> memref<2048xi32, #tpu.memory_space<hbm>>
      %dma_wait3A_52 = tpu.memref_slice %arg2[%mul3A_6] : memref<65536xi32, #tpu.memory_space<hbm>> -> memref<2048xi32, #tpu.memory_space<hbm>>
      tpu.wait_dma2 semaphore(%run_scoped3A : memref<!tpu.dma_semaphore, #tpu.memory_space<semaphore_mem>>) src(%dma_wait3A_52 : memref<2048xi32, #tpu.memory_space<hbm>>) dst(%arg7 : memref<2048xi32, #tpu.memory_space<vmem>>)
      tpu.yield
    }) : () -> ()
    %dma_start3A = arith.constant 0 : i32
    %dma_start3A_7 = tpu.memref_slice %arg7[%dma_start3A] : memref<2048xi32, #tpu.memory_space<vmem>> -> memref<32xi32, #tpu.memory_space<vmem>>
    %dma_start3A_8 = arith.constant 0 : i32
    %dma_start3A_9 = arith.constant 0 : i32
    %dma_start3A_10 = tpu.memref_slice %arg3[%dma_start3A_8, %dma_start3A_9] : memref<42x512xf32, #tpu.memory_space<hbm>> -> memref<42x512xf32, #tpu.memory_space<hbm>>
    tpu.enqueue_indirect_dma source(%dma_start3A_10 : memref<42x512xf32, #tpu.memory_space<hbm>>) target(%arg8 : memref<32x512xf32, #tpu.memory_space<vmem>>) offsets(%dma_start3A_7 : memref<32xi32, #tpu.memory_space<vmem>>) semaphore(%arg12 : memref<!tpu.dma_semaphore, #tpu.memory_space<semaphore_mem>>)
    %dma_start3A_11 = arith.constant 32 : i32
    %dma_start3A_12 = tpu.memref_slice %arg7[%dma_start3A_11] : memref<2048xi32, #tpu.memory_space<vmem>> -> memref<32xi32, #tpu.memory_space<vmem>>
    %dma_start3A_13 = arith.constant 0 : i32
    %dma_start3A_14 = arith.constant 0 : i32
    %dma_start3A_15 = tpu.memref_slice %arg3[%dma_start3A_13, %dma_start3A_14] : memref<42x512xf32, #tpu.memory_space<hbm>> -> memref<42x512xf32, #tpu.memory_space<hbm>>
    tpu.enqueue_indirect_dma source(%dma_start3A_15 : memref<42x512xf32, #tpu.memory_space<hbm>>) target(%arg9 : memref<32x512xf32, #tpu.memory_space<vmem>>) offsets(%dma_start3A_12 : memref<32xi32, #tpu.memory_space<vmem>>) semaphore(%arg13 : memref<!tpu.dma_semaphore, #tpu.memory_space<semaphore_mem>>)
    %dma_start3A_16 = arith.constant 64 : i32
    %dma_start3A_17 = tpu.memref_slice %arg7[%dma_start3A_16] : memref<2048xi32, #tpu.memory_space<vmem>> -> memref<32xi32, #tpu.memory_space<vmem>>
    %dma_start3A_18 = arith.constant 0 : i32
    %dma_start3A_19 = arith.constant 0 : i32
    %dma_start3A_20 = tpu.memref_slice %arg3[%dma_start3A_18, %dma_start3A_19] : memref<42x512xf32, #tpu.memory_space<hbm>> -> memref<42x512xf32, #tpu.memory_space<hbm>>
    tpu.enqueue_indirect_dma source(%dma_start3A_20 : memref<42x512xf32, #tpu.memory_space<hbm>>) target(%arg10 : memref<32x512xf32, #tpu.memory_space<vmem>>) offsets(%dma_start3A_17 : memref<32xi32, #tpu.memory_space<vmem>>) semaphore(%arg14 : memref<!tpu.dma_semaphore, #tpu.memory_space<semaphore_mem>>)
    %scan3A = arith.constant 0 : i32
    %scan3A_21 = arith.constant 0 : i32
    %scan3A_22 = arith.constant 16 : i32
    %scan3A_23 = arith.addi %scan3A_21, %scan3A_22 : i32
    %scan3A_24 = arith.constant 1 : i32
    scf.for %scan3A_49 = %scan3A_21 to %scan3A_23 step %scan3A_24  : i32 {
      %mul3A_50 = arith.constant 4 : i32
      %mul3A_51 = arith.muli %scan3A_49, %mul3A_50 : i32
      %add3A_52 = arith.constant 0 : i32
      %add3A_53 = arith.addi %mul3A_51, %add3A_52 : i32
      %mul3A_54 = arith.constant 32 : i32
      %mul3A_55 = arith.muli %add3A_53, %mul3A_54 : i32
      %dma_wait3A_56 = tpu.memref_slice %arg7[%mul3A_55] : memref<2048xi32, #tpu.memory_space<vmem>> -> memref<32xi32, #tpu.memory_space<vmem>>
      %dma_wait3A_57 = arith.constant 0 : i32
      %dma_wait3A_58 = arith.constant 0 : i32
      %dma_wait3A_59 = tpu.memref_slice %arg3[%dma_wait3A_57, %dma_wait3A_58] : memref<42x512xf32, #tpu.memory_space<hbm>> -> memref<42x512xf32, #tpu.memory_space<hbm>>
      tpu.wait_indirect_dma semaphore(%arg12 : memref<!tpu.dma_semaphore, #tpu.memory_space<semaphore_mem>>) src(%dma_wait3A_59 : memref<42x512xf32, #tpu.memory_space<hbm>>) dst(%arg8 : memref<32x512xf32, #tpu.memory_space<vmem>>)
      %add3A_60 = arith.constant 4 : i32
      %add3A_61 = arith.addi %add3A_53, %add3A_60 : i32
      %sub3A = arith.constant 1 : i32
      %sub3A_62 = arith.subi %add3A_61, %sub3A : i32
      %ge3A = arith.constant 1 : i32
      %ge3A_63 = arith.cmpi sge, %add3A_53, %ge3A : i32
      %convert_element_type3A = arith.extui %ge3A_63 : i1 to i32
      %cond3A = arith.constant 0 : i32
      %cond3A_64 = arith.cmpi ne, %convert_element_type3A, %cond3A : i32
      scf.if %cond3A_64 {
        %sub3A_305 = arith.constant 1 : i32
        %sub3A_306 = arith.subi %add3A_53, %sub3A_305 : i32
        %mul3A_307 = arith.constant 2 : i32
        %mul3A_308 = arith.muli %sub3A_306, %mul3A_307 : i32
        %add3A_309 = arith.constant 0 : i32
        %add3A_310 = arith.addi %mul3A_308, %add3A_309 : i32
        %mul3A_311 = arith.constant 512 : i32
        %mul3A_312 = arith.muli %add3A_310, %mul3A_311 : i32
        %add3A_313 = arith.addi %mul3A_312, %mul3A_2 : i32
        %dma_wait3A_314 = arith.constant 0 : i32
        %dma_wait3A_315 = arith.constant 0 : i32
        %dma_wait3A_316 = tpu.memref_slice %arg11[%dma_wait3A_314, %dma_wait3A_315] : memref<32x512xf32, #tpu.memory_space<vmem>> -> memref<16x512xf32, #tpu.memory_space<vmem>>
        %dma_wait3A_317 = arith.constant 0 : i32
        %dma_wait3A_318 = tpu.memref_slice %arg5[%add3A_313, %dma_wait3A_317] : memref<65536x512xf32, #tpu.memory_space<hbm>> -> memref<16x512xf32, #tpu.memory_space<hbm>>
        %dma_wait3A_319 = arith.constant 0 : i32
        %dma_wait3A_320 = tpu.memref_slice %arg5[%add3A_313, %dma_wait3A_319] : memref<65536x512xf32, #tpu.memory_space<hbm>> -> memref<16x512xf32, #tpu.memory_space<hbm>>
        %dma_wait3A_321 = arith.constant 0 : i32
        %dma_wait3A_322 = arith.constant 0 : i32
        %dma_wait3A_323 = tpu.memref_slice %arg11[%dma_wait3A_321, %dma_wait3A_322] : memref<32x512xf32, #tpu.memory_space<vmem>> -> memref<16x512xf32, #tpu.memory_space<vmem>>
        tpu.wait_dma2 semaphore(%arg19 : memref<!tpu.dma_semaphore, #tpu.memory_space<semaphore_mem>>) src(%dma_wait3A_323 : memref<16x512xf32, #tpu.memory_space<vmem>>) dst(%dma_wait3A_320 : memref<16x512xf32, #tpu.memory_space<hbm>>)
        %sub3A_324 = arith.constant 1 : i32
        %sub3A_325 = arith.subi %add3A_53, %sub3A_324 : i32
        %mul3A_326 = arith.constant 2 : i32
        %mul3A_327 = arith.muli %sub3A_325, %mul3A_326 : i32
        %add3A_328 = arith.constant 1 : i32
        %add3A_329 = arith.addi %mul3A_327, %add3A_328 : i32
        %mul3A_330 = arith.constant 512 : i32
        %mul3A_331 = arith.muli %add3A_329, %mul3A_330 : i32
        %add3A_332 = arith.addi %mul3A_331, %mul3A_2 : i32
        %dma_wait3A_333 = arith.constant 16 : i32
        %dma_wait3A_334 = arith.constant 0 : i32
        %dma_wait3A_335 = tpu.memref_slice %arg11[%dma_wait3A_333, %dma_wait3A_334] : memref<32x512xf32, #tpu.memory_space<vmem>> -> memref<16x512xf32, #tpu.memory_space<vmem>>
        %dma_wait3A_336 = arith.constant 0 : i32
        %dma_wait3A_337 = tpu.memref_slice %arg5[%add3A_332, %dma_wait3A_336] : memref<65536x512xf32, #tpu.memory_space<hbm>> -> memref<16x512xf32, #tpu.memory_space<hbm>>
        %dma_wait3A_338 = arith.constant 0 : i32
        %dma_wait3A_339 = tpu.memref_slice %arg5[%add3A_332, %dma_wait3A_338] : memref<65536x512xf32, #tpu.memory_space<hbm>> -> memref<16x512xf32, #tpu.memory_space<hbm>>
        %dma_wait3A_340 = arith.constant 16 : i32
        %dma_wait3A_341 = arith.constant 0 : i32
        %dma_wait3A_342 = tpu.memref_slice %arg11[%dma_wait3A_340, %dma_wait3A_341] : memref<32x512xf32, #tpu.memory_space<vmem>> -> memref<16x512xf32, #tpu.memory_space<vmem>>
        tpu.wait_dma2 semaphore(%arg19 : memref<!tpu.dma_semaphore, #tpu.memory_space<semaphore_mem>>) src(%dma_wait3A_342 : memref<16x512xf32, #tpu.memory_space<vmem>>) dst(%dma_wait3A_339 : memref<16x512xf32, #tpu.memory_space<hbm>>)
      } else {
      }
      %lt3A = arith.constant 64 : i32
      %lt3A_65 = arith.cmpi slt, %sub3A_62, %lt3A : i32
      %convert_element_type3A_66 = arith.extui %lt3A_65 : i1 to i32
      %cond3A_67 = arith.constant 0 : i32
      %cond3A_68 = arith.cmpi ne, %convert_element_type3A_66, %cond3A_67 : i32
      scf.if %cond3A_68 {
        %mul3A_305 = arith.constant 32 : i32
        %mul3A_306 = arith.muli %sub3A_62, %mul3A_305 : i32
        %dma_start3A_307 = tpu.memref_slice %arg7[%mul3A_306] : memref<2048xi32, #tpu.memory_space<vmem>> -> memref<32xi32, #tpu.memory_space<vmem>>
        %dma_start3A_308 = arith.constant 0 : i32
        %dma_start3A_309 = arith.constant 0 : i32
        %dma_start3A_310 = tpu.memref_slice %arg3[%dma_start3A_308, %dma_start3A_309] : memref<42x512xf32, #tpu.memory_space<hbm>> -> memref<42x512xf32, #tpu.memory_space<hbm>>
        tpu.enqueue_indirect_dma source(%dma_start3A_310 : memref<42x512xf32, #tpu.memory_space<hbm>>) target(%arg11 : memref<32x512xf32, #tpu.memory_space<vmem>>) offsets(%dma_start3A_307 : memref<32xi32, #tpu.memory_space<vmem>>) semaphore(%arg15 : memref<!tpu.dma_semaphore, #tpu.memory_space<semaphore_mem>>)
      } else {
      }
      %scan3A_69 = arith.constant 0 : i32
      %scan3A_70 = arith.constant 0 : i32
      %scan3A_71 = arith.constant 32 : i32
      %scan3A_72 = arith.addi %scan3A_70, %scan3A_71 : i32
      %scan3A_73 = arith.constant 1 : i32
      %scan3A_74 = scf.for %scan3A_305 = %scan3A_70 to %scan3A_72 step %scan3A_73 iter_args(%scan3A_306 = %scan3A_69) -> (i32)  : i32 {
        %jit3A = arith.constant 16 : i32
        %eq3A = arith.constant 0 : i32
        %eq3A_307 = arith.cmpi eq, %jit3A, %eq3A : i32
        %jit3A_308 = arith.constant 1 : i32
        %select_n3A = arith.select %eq3A_307, %jit3A_308, %jit3A : i32
        %rem3A = arith.remsi %scan3A_305, %select_n3A : i32
        %ne3A = arith.constant 0 : i32
        %ne3A_309 = arith.cmpi ne, %rem3A, %ne3A : i32
        %lt3A_310 = arith.constant 0 : i32
        %lt3A_311 = arith.cmpi slt, %rem3A, %lt3A_310 : i32
        %lt3A_312 = arith.constant 0 : i32
        %lt3A_313 = arith.cmpi slt, %select_n3A, %lt3A_312 : i32
        %ne3A_314 = arith.xori %lt3A_311, %lt3A_313 : i1
        %and3A = arith.andi %ne3A_314, %ne3A_309 : i1
        %add3A_315 = arith.addi %rem3A, %select_n3A : i32
        %select_n3A_316 = arith.select %and3A, %add3A_315, %rem3A : i32
        %scan3A_317 = arith.constant 0 : i32
        %scan3A_318 = arith.constant 0 : i32
        %scan3A_319 = arith.constant 8 : i32
        %scan3A_320 = arith.addi %scan3A_318, %scan3A_319 : i32
        %scan3A_321 = arith.constant 1 : i32
        %scan3A_322 = scf.for %scan3A_325 = %scan3A_318 to %scan3A_320 step %scan3A_321 iter_args(%scan3A_326 = %scan3A_317) -> (i32)  : i32 {
          %mul3A_327 = arith.constant 4 : i32
          %mul3A_328 = arith.muli %scan3A_325, %mul3A_327 : i32
          %add3A_329 = arith.constant 0 : i32
          %add3A_330 = arith.addi %mul3A_328, %add3A_329 : i32
          %mul3A_331 = arith.constant 16 : i32
          %mul3A_332 = arith.muli %add3A_330, %mul3A_331 : i32
          %get3A = arith.index_cast %scan3A_305 : i32 to index
          %get3A_333 = arith.index_cast %mul3A_332 : i32 to index
          %get3A_334 = tpu.vector_load %arg8[%get3A, %get3A_333] {strides = array<i32>} : memref<32x512xf32, #tpu.memory_space<vmem>>, vector<1x16xf32>,
          %get3A_335 = vector.shape_cast %get3A_334 : vector<1x16xf32> to vector<16xf32>
          %get3A_336 = arith.index_cast %select_n3A_316 : i32 to index
          %get3A_337 = arith.index_cast %mul3A_332 : i32 to index
          %get3A_338 = tpu.vector_load %arg6[%get3A_336, %get3A_337] {strides = array<i32>} : memref<16x512xf32, #tpu.memory_space<vmem>>, vector<1x16xf32>,
          %get3A_339 = vector.shape_cast %get3A_338 : vector<1x16xf32> to vector<16xf32>
          %add3A_340 = arith.addf %get3A_335, %get3A_339 : vector<16xf32>
          %swap3A = arith.index_cast %scan3A_305 : i32 to index
          %swap3A_341 = arith.index_cast %mul3A_332 : i32 to index
          %swap3A_342 = tpu.vector_load %arg8[%swap3A, %swap3A_341] {strides = array<i32>} : memref<32x512xf32, #tpu.memory_space<vmem>>, vector<1x16xf32>,
          %swap3A_343 = vector.shape_cast %swap3A_342 : vector<1x16xf32> to vector<16xf32>
          %swap3A_344 = vector.shape_cast %add3A_340 : vector<16xf32> to vector<1x16xf32>
          tpu.vector_store %arg8[%swap3A, %swap3A_341], %swap3A_344 {strides = array<i32>} : memref<32x512xf32, #tpu.memory_space<vmem>>, vector<1x16xf32>,
          %mul3A_345 = arith.constant 4 : i32
          %mul3A_346 = arith.muli %scan3A_325, %mul3A_345 : i32
          %add3A_347 = arith.constant 1 : i32
          %add3A_348 = arith.addi %mul3A_346, %add3A_347 : i32
          %mul3A_349 = arith.constant 16 : i32
          %mul3A_350 = arith.muli %add3A_348, %mul3A_349 : i32
          %get3A_351 = arith.index_cast %scan3A_305 : i32 to index
          %get3A_352 = arith.index_cast %mul3A_350 : i32 to index
          %get3A_353 = tpu.vector_load %arg8[%get3A_351, %get3A_352] {strides = array<i32>} : memref<32x512xf32, #tpu.memory_space<vmem>>, vector<1x16xf32>,
          %get3A_354 = vector.shape_cast %get3A_353 : vector<1x16xf32> to vector<16xf32>
          %get3A_355 = arith.index_cast %select_n3A_316 : i32 to index
          %get3A_356 = arith.index_cast %mul3A_350 : i32 to index
          %get3A_357 = tpu.vector_load %arg6[%get3A_355, %get3A_356] {strides = array<i32>} : memref<16x512xf32, #tpu.memory_space<vmem>>, vector<1x16xf32>,
          %get3A_358 = vector.shape_cast %get3A_357 : vector<1x16xf32> to vector<16xf32>
          %add3A_359 = arith.addf %get3A_354, %get3A_358 : vector<16xf32>
          %swap3A_360 = arith.index_cast %scan3A_305 : i32 to index
          %swap3A_361 = arith.index_cast %mul3A_350 : i32 to index
          %swap3A_362 = tpu.vector_load %arg8[%swap3A_360, %swap3A_361] {strides = array<i32>} : memref<32x512xf32, #tpu.memory_space<vmem>>, vector<1x16xf32>,
          %swap3A_363 = vector.shape_cast %swap3A_362 : vector<1x16xf32> to vector<16xf32>
          %swap3A_364 = vector.shape_cast %add3A_359 : vector<16xf32> to vector<1x16xf32>
          tpu.vector_store %arg8[%swap3A_360, %swap3A_361], %swap3A_364 {strides = array<i32>} : memref<32x512xf32, #tpu.memory_space<vmem>>, vector<1x16xf32>,
          %mul3A_365 = arith.constant 4 : i32
          %mul3A_366 = arith.muli %scan3A_325, %mul3A_365 : i32
          %add3A_367 = arith.constant 2 : i32
          %add3A_368 = arith.addi %mul3A_366, %add3A_367 : i32
          %mul3A_369 = arith.constant 16 : i32
          %mul3A_370 = arith.muli %add3A_368, %mul3A_369 : i32
          %get3A_371 = arith.index_cast %scan3A_305 : i32 to index
          %get3A_372 = arith.index_cast %mul3A_370 : i32 to index
          %get3A_373 = tpu.vector_load %arg8[%get3A_371, %get3A_372] {strides = array<i32>} : memref<32x512xf32, #tpu.memory_space<vmem>>, vector<1x16xf32>,
          %get3A_374 = vector.shape_cast %get3A_373 : vector<1x16xf32> to vector<16xf32>
          %get3A_375 = arith.index_cast %select_n3A_316 : i32 to index
          %get3A_376 = arith.index_cast %mul3A_370 : i32 to index
          %get3A_377 = tpu.vector_load %arg6[%get3A_375, %get3A_376] {strides = array<i32>} : memref<16x512xf32, #tpu.memory_space<vmem>>, vector<1x16xf32>,
          %get3A_378 = vector.shape_cast %get3A_377 : vector<1x16xf32> to vector<16xf32>
          %add3A_379 = arith.addf %get3A_374, %get3A_378 : vector<16xf32>
          %swap3A_380 = arith.index_cast %scan3A_305 : i32 to index
          %swap3A_381 = arith.index_cast %mul3A_370 : i32 to index
          %swap3A_382 = tpu.vector_load %arg8[%swap3A_380, %swap3A_381] {strides = array<i32>} : memref<32x512xf32, #tpu.memory_space<vmem>>, vector<1x16xf32>,
          %swap3A_383 = vector.shape_cast %swap3A_382 : vector<1x16xf32> to vector<16xf32>
          %swap3A_384 = vector.shape_cast %add3A_379 : vector<16xf32> to vector<1x16xf32>
          tpu.vector_store %arg8[%swap3A_380, %swap3A_381], %swap3A_384 {strides = array<i32>} : memref<32x512xf32, #tpu.memory_space<vmem>>, vector<1x16xf32>,
          %mul3A_385 = arith.constant 4 : i32
          %mul3A_386 = arith.muli %scan3A_325, %mul3A_385 : i32
          %add3A_387 = arith.constant 3 : i32
          %add3A_388 = arith.addi %mul3A_386, %add3A_387 : i32
          %mul3A_389 = arith.constant 16 : i32
          %mul3A_390 = arith.muli %add3A_388, %mul3A_389 : i32
          %get3A_391 = arith.index_cast %scan3A_305 : i32 to index
          %get3A_392 = arith.index_cast %mul3A_390 : i32 to index
          %get3A_393 = tpu.vector_load %arg8[%get3A_391, %get3A_392] {strides = array<i32>} : memref<32x512xf32, #tpu.memory_space<vmem>>, vector<1x16xf32>,
          %get3A_394 = vector.shape_cast %get3A_393 : vector<1x16xf32> to vector<16xf32>
          %get3A_395 = arith.index_cast %select_n3A_316 : i32 to index
          %get3A_396 = arith.index_cast %mul3A_390 : i32 to index
          %get3A_397 = tpu.vector_load %arg6[%get3A_395, %get3A_396] {strides = array<i32>} : memref<16x512xf32, #tpu.memory_space<vmem>>, vector<1x16xf32>,
          %get3A_398 = vector.shape_cast %get3A_397 : vector<1x16xf32> to vector<16xf32>
          %add3A_399 = arith.addf %get3A_394, %get3A_398 : vector<16xf32>
          %swap3A_400 = arith.index_cast %scan3A_305 : i32 to index
          %swap3A_401 = arith.index_cast %mul3A_390 : i32 to index
          %swap3A_402 = tpu.vector_load %arg8[%swap3A_400, %swap3A_401] {strides = array<i32>} : memref<32x512xf32, #tpu.memory_space<vmem>>, vector<1x16xf32>,
          %swap3A_403 = vector.shape_cast %swap3A_402 : vector<1x16xf32> to vector<16xf32>
          %swap3A_404 = vector.shape_cast %add3A_399 : vector<16xf32> to vector<1x16xf32>
          tpu.vector_store %arg8[%swap3A_400, %swap3A_401], %swap3A_404 {strides = array<i32>} : memref<32x512xf32, #tpu.memory_space<vmem>>, vector<1x16xf32>,
          %scan3A_405 = arith.constant 0 : i32
          scf.yield %scan3A_405 : i32
        }
        %scan3A_323 = arith.constant 8 : i32
        %scan3A_324 = arith.constant 0 : i32
        scf.yield %scan3A_324 : i32
      }
      %scan3A_75 = arith.constant 32 : i32
      %mul3A_76 = arith.constant 2 : i32
      %mul3A_77 = arith.muli %add3A_53, %mul3A_76 : i32
      %add3A_78 = arith.constant 0 : i32
      %add3A_79 = arith.addi %mul3A_77, %add3A_78 : i32
      %mul3A_80 = arith.constant 512 : i32
      %mul3A_81 = arith.muli %add3A_79, %mul3A_80 : i32
      %add3A_82 = arith.addi %mul3A_81, %mul3A_2 : i32
      %dma_start3A_83 = arith.constant 0 : i32
      %dma_start3A_84 = arith.constant 0 : i32
      %dma_start3A_85 = tpu.memref_slice %arg8[%dma_start3A_83, %dma_start3A_84] : memref<32x512xf32, #tpu.memory_space<vmem>> -> memref<16x512xf32, #tpu.memory_space<vmem>>
      %dma_start3A_86 = arith.constant 0 : i32
      %dma_start3A_87 = tpu.memref_slice %arg5[%add3A_82, %dma_start3A_86] : memref<65536x512xf32, #tpu.memory_space<hbm>> -> memref<16x512xf32, #tpu.memory_space<hbm>>
      %dma_start3A_88 = arith.constant 0 : i32
      %dma_start3A_89 = tpu.memref_slice %arg5[%add3A_82, %dma_start3A_88] : memref<65536x512xf32, #tpu.memory_space<hbm>> -> memref<16x512xf32, #tpu.memory_space<hbm>>
      %dma_start3A_90 = arith.constant 0 : i32
      %dma_start3A_91 = arith.constant 0 : i32
      %dma_start3A_92 = tpu.memref_slice %arg8[%dma_start3A_90, %dma_start3A_91] : memref<32x512xf32, #tpu.memory_space<vmem>> -> memref<16x512xf32, #tpu.memory_space<vmem>>
      tpu.enqueue_dma source(%dma_start3A_92 : memref<16x512xf32, #tpu.memory_space<vmem>>) target(%dma_start3A_89 : memref<16x512xf32, #tpu.memory_space<hbm>>) target_semaphore(%arg16 : memref<!tpu.dma_semaphore, #tpu.memory_space<semaphore_mem>>)
      %mul3A_93 = arith.constant 2 : i32
      %mul3A_94 = arith.muli %add3A_53, %mul3A_93 : i32
      %add3A_95 = arith.constant 1 : i32
      %add3A_96 = arith.addi %mul3A_94, %add3A_95 : i32
      %mul3A_97 = arith.constant 512 : i32
      %mul3A_98 = arith.muli %add3A_96, %mul3A_97 : i32
      %add3A_99 = arith.addi %mul3A_98, %mul3A_2 : i32
      %dma_start3A_100 = arith.constant 16 : i32
      %dma_start3A_101 = arith.constant 0 : i32
      %dma_start3A_102 = tpu.memref_slice %arg8[%dma_start3A_100, %dma_start3A_101] : memref<32x512xf32, #tpu.memory_space<vmem>> -> memref<16x512xf32, #tpu.memory_space<vmem>>
      %dma_start3A_103 = arith.constant 0 : i32
      %dma_start3A_104 = tpu.memref_slice %arg5[%add3A_99, %dma_start3A_103] : memref<65536x512xf32, #tpu.memory_space<hbm>> -> memref<16x512xf32, #tpu.memory_space<hbm>>
      %dma_start3A_105 = arith.constant 0 : i32
      %dma_start3A_106 = tpu.memref_slice %arg5[%add3A_99, %dma_start3A_105] : memref<65536x512xf32, #tpu.memory_space<hbm>> -> memref<16x512xf32, #tpu.memory_space<hbm>>
      %dma_start3A_107 = arith.constant 16 : i32
      %dma_start3A_108 = arith.constant 0 : i32
      %dma_start3A_109 = tpu.memref_slice %arg8[%dma_start3A_107, %dma_start3A_108] : memref<32x512xf32, #tpu.memory_space<vmem>> -> memref<16x512xf32, #tpu.memory_space<vmem>>
      tpu.enqueue_dma source(%dma_start3A_109 : memref<16x512xf32, #tpu.memory_space<vmem>>) target(%dma_start3A_106 : memref<16x512xf32, #tpu.memory_space<hbm>>) target_semaphore(%arg16 : memref<!tpu.dma_semaphore, #tpu.memory_space<semaphore_mem>>)
      %mul3A_110 = arith.constant 4 : i32
      %mul3A_111 = arith.muli %scan3A_49, %mul3A_110 : i32
      %add3A_112 = arith.constant 1 : i32
      %add3A_113 = arith.addi %mul3A_111, %add3A_112 : i32
      %mul3A_114 = arith.constant 32 : i32
      %mul3A_115 = arith.muli %add3A_113, %mul3A_114 : i32
      %dma_wait3A_116 = tpu.memref_slice %arg7[%mul3A_115] : memref<2048xi32, #tpu.memory_space<vmem>> -> memref<32xi32, #tpu.memory_space<vmem>>
      %dma_wait3A_117 = arith.constant 0 : i32
      %dma_wait3A_118 = arith.constant 0 : i32
      %dma_wait3A_119 = tpu.memref_slice %arg3[%dma_wait3A_117, %dma_wait3A_118] : memref<42x512xf32, #tpu.memory_space<hbm>> -> memref<42x512xf32, #tpu.memory_space<hbm>>
      tpu.wait_indirect_dma semaphore(%arg13 : memref<!tpu.dma_semaphore, #tpu.memory_space<semaphore_mem>>) src(%dma_wait3A_119 : memref<42x512xf32, #tpu.memory_space<hbm>>) dst(%arg9 : memref<32x512xf32, #tpu.memory_space<vmem>>)
      %add3A_120 = arith.constant 4 : i32
      %add3A_121 = arith.addi %add3A_113, %add3A_120 : i32
      %sub3A_122 = arith.constant 1 : i32
      %sub3A_123 = arith.subi %add3A_121, %sub3A_122 : i32
      %ge3A_124 = arith.constant 1 : i32
      %ge3A_125 = arith.cmpi sge, %add3A_113, %ge3A_124 : i32
      %convert_element_type3A_126 = arith.extui %ge3A_125 : i1 to i32
      %cond3A_127 = arith.constant 0 : i32
      %cond3A_128 = arith.cmpi ne, %convert_element_type3A_126, %cond3A_127 : i32
      scf.if %cond3A_128 {
        %sub3A_305 = arith.constant 1 : i32
        %sub3A_306 = arith.subi %add3A_113, %sub3A_305 : i32
        %mul3A_307 = arith.constant 2 : i32
        %mul3A_308 = arith.muli %sub3A_306, %mul3A_307 : i32
        %add3A_309 = arith.constant 0 : i32
        %add3A_310 = arith.addi %mul3A_308, %add3A_309 : i32
        %mul3A_311 = arith.constant 512 : i32
        %mul3A_312 = arith.muli %add3A_310, %mul3A_311 : i32
        %add3A_313 = arith.addi %mul3A_312, %mul3A_2 : i32
        %dma_wait3A_314 = arith.constant 0 : i32
        %dma_wait3A_315 = arith.constant 0 : i32
        %dma_wait3A_316 = tpu.memref_slice %arg8[%dma_wait3A_314, %dma_wait3A_315] : memref<32x512xf32, #tpu.memory_space<vmem>> -> memref<16x512xf32, #tpu.memory_space<vmem>>
        %dma_wait3A_317 = arith.constant 0 : i32
        %dma_wait3A_318 = tpu.memref_slice %arg5[%add3A_313, %dma_wait3A_317] : memref<65536x512xf32, #tpu.memory_space<hbm>> -> memref<16x512xf32, #tpu.memory_space<hbm>>
        %dma_wait3A_319 = arith.constant 0 : i32
        %dma_wait3A_320 = tpu.memref_slice %arg5[%add3A_313, %dma_wait3A_319] : memref<65536x512xf32, #tpu.memory_space<hbm>> -> memref<16x512xf32, #tpu.memory_space<hbm>>
        %dma_wait3A_321 = arith.constant 0 : i32
        %dma_wait3A_322 = arith.constant 0 : i32
        %dma_wait3A_323 = tpu.memref_slice %arg8[%dma_wait3A_321, %dma_wait3A_322] : memref<32x512xf32, #tpu.memory_space<vmem>> -> memref<16x512xf32, #tpu.memory_space<vmem>>
        tpu.wait_dma2 semaphore(%arg16 : memref<!tpu.dma_semaphore, #tpu.memory_space<semaphore_mem>>) src(%dma_wait3A_323 : memref<16x512xf32, #tpu.memory_space<vmem>>) dst(%dma_wait3A_320 : memref<16x512xf32, #tpu.memory_space<hbm>>)
        %sub3A_324 = arith.constant 1 : i32
        %sub3A_325 = arith.subi %add3A_113, %sub3A_324 : i32
        %mul3A_326 = arith.constant 2 : i32
        %mul3A_327 = arith.muli %sub3A_325, %mul3A_326 : i32
        %add3A_328 = arith.constant 1 : i32
        %add3A_329 = arith.addi %mul3A_327, %add3A_328 : i32
        %mul3A_330 = arith.constant 512 : i32
        %mul3A_331 = arith.muli %add3A_329, %mul3A_330 : i32
        %add3A_332 = arith.addi %mul3A_331, %mul3A_2 : i32
        %dma_wait3A_333 = arith.constant 16 : i32
        %dma_wait3A_334 = arith.constant 0 : i32
        %dma_wait3A_335 = tpu.memref_slice %arg8[%dma_wait3A_333, %dma_wait3A_334] : memref<32x512xf32, #tpu.memory_space<vmem>> -> memref<16x512xf32, #tpu.memory_space<vmem>>
        %dma_wait3A_336 = arith.constant 0 : i32
        %dma_wait3A_337 = tpu.memref_slice %arg5[%add3A_332, %dma_wait3A_336] : memref<65536x512xf32, #tpu.memory_space<hbm>> -> memref<16x512xf32, #tpu.memory_space<hbm>>
        %dma_wait3A_338 = arith.constant 0 : i32
        %dma_wait3A_339 = tpu.memref_slice %arg5[%add3A_332, %dma_wait3A_338] : memref<65536x512xf32, #tpu.memory_space<hbm>> -> memref<16x512xf32, #tpu.memory_space<hbm>>
        %dma_wait3A_340 = arith.constant 16 : i32
        %dma_wait3A_341 = arith.constant 0 : i32
        %dma_wait3A_342 = tpu.memref_slice %arg8[%dma_wait3A_340, %dma_wait3A_341] : memref<32x512xf32, #tpu.memory_space<vmem>> -> memref<16x512xf32, #tpu.memory_space<vmem>>
        tpu.wait_dma2 semaphore(%arg16 : memref<!tpu.dma_semaphore, #tpu.memory_space<semaphore_mem>>) src(%dma_wait3A_342 : memref<16x512xf32, #tpu.memory_space<vmem>>) dst(%dma_wait3A_339 : memref<16x512xf32, #tpu.memory_space<hbm>>)
      } else {
      }
      %lt3A_129 = arith.constant 64 : i32
      %lt3A_130 = arith.cmpi slt, %sub3A_123, %lt3A_129 : i32
      %convert_element_type3A_131 = arith.extui %lt3A_130 : i1 to i32
      %cond3A_132 = arith.constant 0 : i32
      %cond3A_133 = arith.cmpi ne, %convert_element_type3A_131, %cond3A_132 : i32
      scf.if %cond3A_133 {
        %mul3A_305 = arith.constant 32 : i32
        %mul3A_306 = arith.muli %sub3A_123, %mul3A_305 : i32
        %dma_start3A_307 = tpu.memref_slice %arg7[%mul3A_306] : memref<2048xi32, #tpu.memory_space<vmem>> -> memref<32xi32, #tpu.memory_space<vmem>>
        %dma_start3A_308 = arith.constant 0 : i32
        %dma_start3A_309 = arith.constant 0 : i32
        %dma_start3A_310 = tpu.memref_slice %arg3[%dma_start3A_308, %dma_start3A_309] : memref<42x512xf32, #tpu.memory_space<hbm>> -> memref<42x512xf32, #tpu.memory_space<hbm>>
        tpu.enqueue_indirect_dma source(%dma_start3A_310 : memref<42x512xf32, #tpu.memory_space<hbm>>) target(%arg8 : memref<32x512xf32, #tpu.memory_space<vmem>>) offsets(%dma_start3A_307 : memref<32xi32, #tpu.memory_space<vmem>>) semaphore(%arg12 : memref<!tpu.dma_semaphore, #tpu.memory_space<semaphore_mem>>)
      } else {
      }
      %scan3A_134 = arith.constant 0 : i32
      %scan3A_135 = arith.constant 0 : i32
      %scan3A_136 = arith.constant 32 : i32
      %scan3A_137 = arith.addi %scan3A_135, %scan3A_136 : i32
      %scan3A_138 = arith.constant 1 : i32
      %scan3A_139 = scf.for %scan3A_305 = %scan3A_135 to %scan3A_137 step %scan3A_138 iter_args(%scan3A_306 = %scan3A_134) -> (i32)  : i32 {
        %jit3A = arith.constant 16 : i32
        %eq3A = arith.constant 0 : i32
        %eq3A_307 = arith.cmpi eq, %jit3A, %eq3A : i32
        %jit3A_308 = arith.constant 1 : i32
        %select_n3A = arith.select %eq3A_307, %jit3A_308, %jit3A : i32
        %rem3A = arith.remsi %scan3A_305, %select_n3A : i32
        %ne3A = arith.constant 0 : i32
        %ne3A_309 = arith.cmpi ne, %rem3A, %ne3A : i32
        %lt3A_310 = arith.constant 0 : i32
        %lt3A_311 = arith.cmpi slt, %rem3A, %lt3A_310 : i32
        %lt3A_312 = arith.constant 0 : i32
        %lt3A_313 = arith.cmpi slt, %select_n3A, %lt3A_312 : i32
        %ne3A_314 = arith.xori %lt3A_311, %lt3A_313 : i1
        %and3A = arith.andi %ne3A_314, %ne3A_309 : i1
        %add3A_315 = arith.addi %rem3A, %select_n3A : i32
        %select_n3A_316 = arith.select %and3A, %add3A_315, %rem3A : i32
        %scan3A_317 = arith.constant 0 : i32
        %scan3A_318 = arith.constant 0 : i32
        %scan3A_319 = arith.constant 8 : i32
        %scan3A_320 = arith.addi %scan3A_318, %scan3A_319 : i32
        %scan3A_321 = arith.constant 1 : i32
        %scan3A_322 = scf.for %scan3A_325 = %scan3A_318 to %scan3A_320 step %scan3A_321 iter_args(%scan3A_326 = %scan3A_317) -> (i32)  : i32 {
          %mul3A_327 = arith.constant 4 : i32
          %mul3A_328 = arith.muli %scan3A_325, %mul3A_327 : i32
          %add3A_329 = arith.constant 0 : i32
          %add3A_330 = arith.addi %mul3A_328, %add3A_329 : i32
          %mul3A_331 = arith.constant 16 : i32
          %mul3A_332 = arith.muli %add3A_330, %mul3A_331 : i32
          %get3A = arith.index_cast %scan3A_305 : i32 to index
          %get3A_333 = arith.index_cast %mul3A_332 : i32 to index
          %get3A_334 = tpu.vector_load %arg9[%get3A, %get3A_333] {strides = array<i32>} : memref<32x512xf32, #tpu.memory_space<vmem>>, vector<1x16xf32>,
          %get3A_335 = vector.shape_cast %get3A_334 : vector<1x16xf32> to vector<16xf32>
          %get3A_336 = arith.index_cast %select_n3A_316 : i32 to index
          %get3A_337 = arith.index_cast %mul3A_332 : i32 to index
          %get3A_338 = tpu.vector_load %arg6[%get3A_336, %get3A_337] {strides = array<i32>} : memref<16x512xf32, #tpu.memory_space<vmem>>, vector<1x16xf32>,
          %get3A_339 = vector.shape_cast %get3A_338 : vector<1x16xf32> to vector<16xf32>
          %add3A_340 = arith.addf %get3A_335, %get3A_339 : vector<16xf32>
          %swap3A = arith.index_cast %scan3A_305 : i32 to index
          %swap3A_341 = arith.index_cast %mul3A_332 : i32 to index
          %swap3A_342 = tpu.vector_load %arg9[%swap3A, %swap3A_341] {strides = array<i32>} : memref<32x512xf32, #tpu.memory_space<vmem>>, vector<1x16xf32>,
          %swap3A_343 = vector.shape_cast %swap3A_342 : vector<1x16xf32> to vector<16xf32>
          %swap3A_344 = vector.shape_cast %add3A_340 : vector<16xf32> to vector<1x16xf32>
          tpu.vector_store %arg9[%swap3A, %swap3A_341], %swap3A_344 {strides = array<i32>} : memref<32x512xf32, #tpu.memory_space<vmem>>, vector<1x16xf32>,
          %mul3A_345 = arith.constant 4 : i32
          %mul3A_346 = arith.muli %scan3A_325, %mul3A_345 : i32
          %add3A_347 = arith.constant 1 : i32
          %add3A_348 = arith.addi %mul3A_346, %add3A_347 : i32
          %mul3A_349 = arith.constant 16 : i32
          %mul3A_350 = arith.muli %add3A_348, %mul3A_349 : i32
          %get3A_351 = arith.index_cast %scan3A_305 : i32 to index
          %get3A_352 = arith.index_cast %mul3A_350 : i32 to index
          %get3A_353 = tpu.vector_load %arg9[%get3A_351, %get3A_352] {strides = array<i32>} : memref<32x512xf32, #tpu.memory_space<vmem>>, vector<1x16xf32>,
          %get3A_354 = vector.shape_cast %get3A_353 : vector<1x16xf32> to vector<16xf32>
          %get3A_355 = arith.index_cast %select_n3A_316 : i32 to index
          %get3A_356 = arith.index_cast %mul3A_350 : i32 to index
          %get3A_357 = tpu.vector_load %arg6[%get3A_355, %get3A_356] {strides = array<i32>} : memref<16x512xf32, #tpu.memory_space<vmem>>, vector<1x16xf32>,
          %get3A_358 = vector.shape_cast %get3A_357 : vector<1x16xf32> to vector<16xf32>
          %add3A_359 = arith.addf %get3A_354, %get3A_358 : vector<16xf32>
          %swap3A_360 = arith.index_cast %scan3A_305 : i32 to index
          %swap3A_361 = arith.index_cast %mul3A_350 : i32 to index
          %swap3A_362 = tpu.vector_load %arg9[%swap3A_360, %swap3A_361] {strides = array<i32>} : memref<32x512xf32, #tpu.memory_space<vmem>>, vector<1x16xf32>,
          %swap3A_363 = vector.shape_cast %swap3A_362 : vector<1x16xf32> to vector<16xf32>
          %swap3A_364 = vector.shape_cast %add3A_359 : vector<16xf32> to vector<1x16xf32>
          tpu.vector_store %arg9[%swap3A_360, %swap3A_361], %swap3A_364 {strides = array<i32>} : memref<32x512xf32, #tpu.memory_space<vmem>>, vector<1x16xf32>,
          %mul3A_365 = arith.constant 4 : i32
          %mul3A_366 = arith.muli %scan3A_325, %mul3A_365 : i32
          %add3A_367 = arith.constant 2 : i32
          %add3A_368 = arith.addi %mul3A_366, %add3A_367 : i32
          %mul3A_369 = arith.constant 16 : i32
          %mul3A_370 = arith.muli %add3A_368, %mul3A_369 : i32
          %get3A_371 = arith.index_cast %scan3A_305 : i32 to index
          %get3A_372 = arith.index_cast %mul3A_370 : i32 to index
          %get3A_373 = tpu.vector_load %arg9[%get3A_371, %get3A_372] {strides = array<i32>} : memref<32x512xf32, #tpu.memory_space<vmem>>, vector<1x16xf32>,
          %get3A_374 = vector.shape_cast %get3A_373 : vector<1x16xf32> to vector<16xf32>
          %get3A_375 = arith.index_cast %select_n3A_316 : i32 to index
          %get3A_376 = arith.index_cast %mul3A_370 : i32 to index
          %get3A_377 = tpu.vector_load %arg6[%get3A_375, %get3A_376] {strides = array<i32>} : memref<16x512xf32, #tpu.memory_space<vmem>>, vector<1x16xf32>,
          %get3A_378 = vector.shape_cast %get3A_377 : vector<1x16xf32> to vector<16xf32>
          %add3A_379 = arith.addf %get3A_374, %get3A_378 : vector<16xf32>
          %swap3A_380 = arith.index_cast %scan3A_305 : i32 to index
          %swap3A_381 = arith.index_cast %mul3A_370 : i32 to index
          %swap3A_382 = tpu.vector_load %arg9[%swap3A_380, %swap3A_381] {strides = array<i32>} : memref<32x512xf32, #tpu.memory_space<vmem>>, vector<1x16xf32>,
          %swap3A_383 = vector.shape_cast %swap3A_382 : vector<1x16xf32> to vector<16xf32>
          %swap3A_384 = vector.shape_cast %add3A_379 : vector<16xf32> to vector<1x16xf32>
          tpu.vector_store %arg9[%swap3A_380, %swap3A_381], %swap3A_384 {strides = array<i32>} : memref<32x512xf32, #tpu.memory_space<vmem>>, vector<1x16xf32>,
          %mul3A_385 = arith.constant 4 : i32
          %mul3A_386 = arith.muli %scan3A_325, %mul3A_385 : i32
          %add3A_387 = arith.constant 3 : i32
          %add3A_388 = arith.addi %mul3A_386, %add3A_387 : i32
          %mul3A_389 = arith.constant 16 : i32
          %mul3A_390 = arith.muli %add3A_388, %mul3A_389 : i32
          %get3A_391 = arith.index_cast %scan3A_305 : i32 to index
          %get3A_392 = arith.index_cast %mul3A_390 : i32 to index
          %get3A_393 = tpu.vector_load %arg9[%get3A_391, %get3A_392] {strides = array<i32>} : memref<32x512xf32, #tpu.memory_space<vmem>>, vector<1x16xf32>,
          %get3A_394 = vector.shape_cast %get3A_393 : vector<1x16xf32> to vector<16xf32>
          %get3A_395 = arith.index_cast %select_n3A_316 : i32 to index
          %get3A_396 = arith.index_cast %mul3A_390 : i32 to index
          %get3A_397 = tpu.vector_load %arg6[%get3A_395, %get3A_396] {strides = array<i32>} : memref<16x512xf32, #tpu.memory_space<vmem>>, vector<1x16xf32>,
          %get3A_398 = vector.shape_cast %get3A_397 : vector<1x16xf32> to vector<16xf32>
          %add3A_399 = arith.addf %get3A_394, %get3A_398 : vector<16xf32>
          %swap3A_400 = arith.index_cast %scan3A_305 : i32 to index
          %swap3A_401 = arith.index_cast %mul3A_390 : i32 to index
          %swap3A_402 = tpu.vector_load %arg9[%swap3A_400, %swap3A_401] {strides = array<i32>} : memref<32x512xf32, #tpu.memory_space<vmem>>, vector<1x16xf32>,
          %swap3A_403 = vector.shape_cast %swap3A_402 : vector<1x16xf32> to vector<16xf32>
          %swap3A_404 = vector.shape_cast %add3A_399 : vector<16xf32> to vector<1x16xf32>
          tpu.vector_store %arg9[%swap3A_400, %swap3A_401], %swap3A_404 {strides = array<i32>} : memref<32x512xf32, #tpu.memory_space<vmem>>, vector<1x16xf32>,
          %scan3A_405 = arith.constant 0 : i32
          scf.yield %scan3A_405 : i32
        }
        %scan3A_323 = arith.constant 8 : i32
        %scan3A_324 = arith.constant 0 : i32
        scf.yield %scan3A_324 : i32
      }
      %scan3A_140 = arith.constant 32 : i32
      %mul3A_141 = arith.constant 2 : i32
      %mul3A_142 = arith.muli %add3A_113, %mul3A_141 : i32
      %add3A_143 = arith.constant 0 : i32
      %add3A_144 = arith.addi %mul3A_142, %add3A_143 : i32
      %mul3A_145 = arith.constant 512 : i32
      %mul3A_146 = arith.muli %add3A_144, %mul3A_145 : i32
      %add3A_147 = arith.addi %mul3A_146, %mul3A_2 : i32
      %dma_start3A_148 = arith.constant 0 : i32
      %dma_start3A_149 = arith.constant 0 : i32
      %dma_start3A_150 = tpu.memref_slice %arg9[%dma_start3A_148, %dma_start3A_149] : memref<32x512xf32, #tpu.memory_space<vmem>> -> memref<16x512xf32, #tpu.memory_space<vmem>>
      %dma_start3A_151 = arith.constant 0 : i32
      %dma_start3A_152 = tpu.memref_slice %arg5[%add3A_147, %dma_start3A_151] : memref<65536x512xf32, #tpu.memory_space<hbm>> -> memref<16x512xf32, #tpu.memory_space<hbm>>
      %dma_start3A_153 = arith.constant 0 : i32
      %dma_start3A_154 = tpu.memref_slice %arg5[%add3A_147, %dma_start3A_153] : memref<65536x512xf32, #tpu.memory_space<hbm>> -> memref<16x512xf32, #tpu.memory_space<hbm>>
      %dma_start3A_155 = arith.constant 0 : i32
      %dma_start3A_156 = arith.constant 0 : i32
      %dma_start3A_157 = tpu.memref_slice %arg9[%dma_start3A_155, %dma_start3A_156] : memref<32x512xf32, #tpu.memory_space<vmem>> -> memref<16x512xf32, #tpu.memory_space<vmem>>
      tpu.enqueue_dma source(%dma_start3A_157 : memref<16x512xf32, #tpu.memory_space<vmem>>) target(%dma_start3A_154 : memref<16x512xf32, #tpu.memory_space<hbm>>) target_semaphore(%arg17 : memref<!tpu.dma_semaphore, #tpu.memory_space<semaphore_mem>>)
      %mul3A_158 = arith.constant 2 : i32
      %mul3A_159 = arith.muli %add3A_113, %mul3A_158 : i32
      %add3A_160 = arith.constant 1 : i32
      %add3A_161 = arith.addi %mul3A_159, %add3A_160 : i32
      %mul3A_162 = arith.constant 512 : i32
      %mul3A_163 = arith.muli %add3A_161, %mul3A_162 : i32
      %add3A_164 = arith.addi %mul3A_163, %mul3A_2 : i32
      %dma_start3A_165 = arith.constant 16 : i32
      %dma_start3A_166 = arith.constant 0 : i32
      %dma_start3A_167 = tpu.memref_slice %arg9[%dma_start3A_165, %dma_start3A_166] : memref<32x512xf32, #tpu.memory_space<vmem>> -> memref<16x512xf32, #tpu.memory_space<vmem>>
      %dma_start3A_168 = arith.constant 0 : i32
      %dma_start3A_169 = tpu.memref_slice %arg5[%add3A_164, %dma_start3A_168] : memref<65536x512xf32, #tpu.memory_space<hbm>> -> memref<16x512xf32, #tpu.memory_space<hbm>>
      %dma_start3A_170 = arith.constant 0 : i32
      %dma_start3A_171 = tpu.memref_slice %arg5[%add3A_164, %dma_start3A_170] : memref<65536x512xf32, #tpu.memory_space<hbm>> -> memref<16x512xf32, #tpu.memory_space<hbm>>
      %dma_start3A_172 = arith.constant 16 : i32
      %dma_start3A_173 = arith.constant 0 : i32
      %dma_start3A_174 = tpu.memref_slice %arg9[%dma_start3A_172, %dma_start3A_173] : memref<32x512xf32, #tpu.memory_space<vmem>> -> memref<16x512xf32, #tpu.memory_space<vmem>>
      tpu.enqueue_dma source(%dma_start3A_174 : memref<16x512xf32, #tpu.memory_space<vmem>>) target(%dma_start3A_171 : memref<16x512xf32, #tpu.memory_space<hbm>>) target_semaphore(%arg17 : memref<!tpu.dma_semaphore, #tpu.memory_space<semaphore_mem>>)
      %mul3A_175 = arith.constant 4 : i32
      %mul3A_176 = arith.muli %scan3A_49, %mul3A_175 : i32
      %add3A_177 = arith.constant 2 : i32
      %add3A_178 = arith.addi %mul3A_176, %add3A_177 : i32
      %mul3A_179 = arith.constant 32 : i32
      %mul3A_180 = arith.muli %add3A_178, %mul3A_179 : i32
      %dma_wait3A_181 = tpu.memref_slice %arg7[%mul3A_180] : memref<2048xi32, #tpu.memory_space<vmem>> -> memref<32xi32, #tpu.memory_space<vmem>>
      %dma_wait3A_182 = arith.constant 0 : i32
      %dma_wait3A_183 = arith.constant 0 : i32
      %dma_wait3A_184 = tpu.memref_slice %arg3[%dma_wait3A_182, %dma_wait3A_183] : memref<42x512xf32, #tpu.memory_space<hbm>> -> memref<42x512xf32, #tpu.memory_space<hbm>>
      tpu.wait_indirect_dma semaphore(%arg14 : memref<!tpu.dma_semaphore, #tpu.memory_space<semaphore_mem>>) src(%dma_wait3A_184 : memref<42x512xf32, #tpu.memory_space<hbm>>) dst(%arg10 : memref<32x512xf32, #tpu.memory_space<vmem>>)
      %add3A_185 = arith.constant 4 : i32
      %add3A_186 = arith.addi %add3A_178, %add3A_185 : i32
      %sub3A_187 = arith.constant 1 : i32
      %sub3A_188 = arith.subi %add3A_186, %sub3A_187 : i32
      %ge3A_189 = arith.constant 1 : i32
      %ge3A_190 = arith.cmpi sge, %add3A_178, %ge3A_189 : i32
      %convert_element_type3A_191 = arith.extui %ge3A_190 : i1 to i32
      %cond3A_192 = arith.constant 0 : i32
      %cond3A_193 = arith.cmpi ne, %convert_element_type3A_191, %cond3A_192 : i32
      scf.if %cond3A_193 {
        %sub3A_305 = arith.constant 1 : i32
        %sub3A_306 = arith.subi %add3A_178, %sub3A_305 : i32
        %mul3A_307 = arith.constant 2 : i32
        %mul3A_308 = arith.muli %sub3A_306, %mul3A_307 : i32
        %add3A_309 = arith.constant 0 : i32
        %add3A_310 = arith.addi %mul3A_308, %add3A_309 : i32
        %mul3A_311 = arith.constant 512 : i32
        %mul3A_312 = arith.muli %add3A_310, %mul3A_311 : i32
        %add3A_313 = arith.addi %mul3A_312, %mul3A_2 : i32
        %dma_wait3A_314 = arith.constant 0 : i32
        %dma_wait3A_315 = arith.constant 0 : i32
        %dma_wait3A_316 = tpu.memref_slice %arg9[%dma_wait3A_314, %dma_wait3A_315] : memref<32x512xf32, #tpu.memory_space<vmem>> -> memref<16x512xf32, #tpu.memory_space<vmem>>
        %dma_wait3A_317 = arith.constant 0 : i32
        %dma_wait3A_318 = tpu.memref_slice %arg5[%add3A_313, %dma_wait3A_317] : memref<65536x512xf32, #tpu.memory_space<hbm>> -> memref<16x512xf32, #tpu.memory_space<hbm>>
        %dma_wait3A_319 = arith.constant 0 : i32
        %dma_wait3A_320 = tpu.memref_slice %arg5[%add3A_313, %dma_wait3A_319] : memref<65536x512xf32, #tpu.memory_space<hbm>> -> memref<16x512xf32, #tpu.memory_space<hbm>>
        %dma_wait3A_321 = arith.constant 0 : i32
        %dma_wait3A_322 = arith.constant 0 : i32
        %dma_wait3A_323 = tpu.memref_slice %arg9[%dma_wait3A_321, %dma_wait3A_322] : memref<32x512xf32, #tpu.memory_space<vmem>> -> memref<16x512xf32, #tpu.memory_space<vmem>>
        tpu.wait_dma2 semaphore(%arg17 : memref<!tpu.dma_semaphore, #tpu.memory_space<semaphore_mem>>) src(%dma_wait3A_323 : memref<16x512xf32, #tpu.memory_space<vmem>>) dst(%dma_wait3A_320 : memref<16x512xf32, #tpu.memory_space<hbm>>)
        %sub3A_324 = arith.constant 1 : i32
        %sub3A_325 = arith.subi %add3A_178, %sub3A_324 : i32
        %mul3A_326 = arith.constant 2 : i32
        %mul3A_327 = arith.muli %sub3A_325, %mul3A_326 : i32
        %add3A_328 = arith.constant 1 : i32
        %add3A_329 = arith.addi %mul3A_327, %add3A_328 : i32
        %mul3A_330 = arith.constant 512 : i32
        %mul3A_331 = arith.muli %add3A_329, %mul3A_330 : i32
        %add3A_332 = arith.addi %mul3A_331, %mul3A_2 : i32
        %dma_wait3A_333 = arith.constant 16 : i32
        %dma_wait3A_334 = arith.constant 0 : i32
        %dma_wait3A_335 = tpu.memref_slice %arg9[%dma_wait3A_333, %dma_wait3A_334] : memref<32x512xf32, #tpu.memory_space<vmem>> -> memref<16x512xf32, #tpu.memory_space<vmem>>
        %dma_wait3A_336 = arith.constant 0 : i32
        %dma_wait3A_337 = tpu.memref_slice %arg5[%add3A_332, %dma_wait3A_336] : memref<65536x512xf32, #tpu.memory_space<hbm>> -> memref<16x512xf32, #tpu.memory_space<hbm>>
        %dma_wait3A_338 = arith.constant 0 : i32
        %dma_wait3A_339 = tpu.memref_slice %arg5[%add3A_332, %dma_wait3A_338] : memref<65536x512xf32, #tpu.memory_space<hbm>> -> memref<16x512xf32, #tpu.memory_space<hbm>>
        %dma_wait3A_340 = arith.constant 16 : i32
        %dma_wait3A_341 = arith.constant 0 : i32
        %dma_wait3A_342 = tpu.memref_slice %arg9[%dma_wait3A_340, %dma_wait3A_341] : memref<32x512xf32, #tpu.memory_space<vmem>> -> memref<16x512xf32, #tpu.memory_space<vmem>>
        tpu.wait_dma2 semaphore(%arg17 : memref<!tpu.dma_semaphore, #tpu.memory_space<semaphore_mem>>) src(%dma_wait3A_342 : memref<16x512xf32, #tpu.memory_space<vmem>>) dst(%dma_wait3A_339 : memref<16x512xf32, #tpu.memory_space<hbm>>)
      } else {
      }
      %lt3A_194 = arith.constant 64 : i32
      %lt3A_195 = arith.cmpi slt, %sub3A_188, %lt3A_194 : i32
      %convert_element_type3A_196 = arith.extui %lt3A_195 : i1 to i32
      %cond3A_197 = arith.constant 0 : i32
      %cond3A_198 = arith.cmpi ne, %convert_element_type3A_196, %cond3A_197 : i32
      scf.if %cond3A_198 {
        %mul3A_305 = arith.constant 32 : i32
        %mul3A_306 = arith.muli %sub3A_188, %mul3A_305 : i32
        %dma_start3A_307 = tpu.memref_slice %arg7[%mul3A_306] : memref<2048xi32, #tpu.memory_space<vmem>> -> memref<32xi32, #tpu.memory_space<vmem>>
        %dma_start3A_308 = arith.constant 0 : i32
        %dma_start3A_309 = arith.constant 0 : i32
        %dma_start3A_310 = tpu.memref_slice %arg3[%dma_start3A_308, %dma_start3A_309] : memref<42x512xf32, #tpu.memory_space<hbm>> -> memref<42x512xf32, #tpu.memory_space<hbm>>
        tpu.enqueue_indirect_dma source(%dma_start3A_310 : memref<42x512xf32, #tpu.memory_space<hbm>>) target(%arg9 : memref<32x512xf32, #tpu.memory_space<vmem>>) offsets(%dma_start3A_307 : memref<32xi32, #tpu.memory_space<vmem>>) semaphore(%arg13 : memref<!tpu.dma_semaphore, #tpu.memory_space<semaphore_mem>>)
      } else {
      }
      %scan3A_199 = arith.constant 0 : i32
      %scan3A_200 = arith.constant 0 : i32
      %scan3A_201 = arith.constant 32 : i32
      %scan3A_202 = arith.addi %scan3A_200, %scan3A_201 : i32
      %scan3A_203 = arith.constant 1 : i32
      %scan3A_204 = scf.for %scan3A_305 = %scan3A_200 to %scan3A_202 step %scan3A_203 iter_args(%scan3A_306 = %scan3A_199) -> (i32)  : i32 {
        %jit3A = arith.constant 16 : i32
        %eq3A = arith.constant 0 : i32
        %eq3A_307 = arith.cmpi eq, %jit3A, %eq3A : i32
        %jit3A_308 = arith.constant 1 : i32
        %select_n3A = arith.select %eq3A_307, %jit3A_308, %jit3A : i32
        %rem3A = arith.remsi %scan3A_305, %select_n3A : i32
        %ne3A = arith.constant 0 : i32
        %ne3A_309 = arith.cmpi ne, %rem3A, %ne3A : i32
        %lt3A_310 = arith.constant 0 : i32
        %lt3A_311 = arith.cmpi slt, %rem3A, %lt3A_310 : i32
        %lt3A_312 = arith.constant 0 : i32
        %lt3A_313 = arith.cmpi slt, %select_n3A, %lt3A_312 : i32
        %ne3A_314 = arith.xori %lt3A_311, %lt3A_313 : i1
        %and3A = arith.andi %ne3A_314, %ne3A_309 : i1
        %add3A_315 = arith.addi %rem3A, %select_n3A : i32
        %select_n3A_316 = arith.select %and3A, %add3A_315, %rem3A : i32
        %scan3A_317 = arith.constant 0 : i32
        %scan3A_318 = arith.constant 0 : i32
        %scan3A_319 = arith.constant 8 : i32
        %scan3A_320 = arith.addi %scan3A_318, %scan3A_319 : i32
        %scan3A_321 = arith.constant 1 : i32
        %scan3A_322 = scf.for %scan3A_325 = %scan3A_318 to %scan3A_320 step %scan3A_321 iter_args(%scan3A_326 = %scan3A_317) -> (i32)  : i32 {
          %mul3A_327 = arith.constant 4 : i32
          %mul3A_328 = arith.muli %scan3A_325, %mul3A_327 : i32
          %add3A_329 = arith.constant 0 : i32
          %add3A_330 = arith.addi %mul3A_328, %add3A_329 : i32
          %mul3A_331 = arith.constant 16 : i32
          %mul3A_332 = arith.muli %add3A_330, %mul3A_331 : i32
          %get3A = arith.index_cast %scan3A_305 : i32 to index
          %get3A_333 = arith.index_cast %mul3A_332 : i32 to index
          %get3A_334 = tpu.vector_load %arg10[%get3A, %get3A_333] {strides = array<i32>} : memref<32x512xf32, #tpu.memory_space<vmem>>, vector<1x16xf32>,
          %get3A_335 = vector.shape_cast %get3A_334 : vector<1x16xf32> to vector<16xf32>
          %get3A_336 = arith.index_cast %select_n3A_316 : i32 to index
          %get3A_337 = arith.index_cast %mul3A_332 : i32 to index
          %get3A_338 = tpu.vector_load %arg6[%get3A_336, %get3A_337] {strides = array<i32>} : memref<16x512xf32, #tpu.memory_space<vmem>>, vector<1x16xf32>,
          %get3A_339 = vector.shape_cast %get3A_338 : vector<1x16xf32> to vector<16xf32>
          %add3A_340 = arith.addf %get3A_335, %get3A_339 : vector<16xf32>
          %swap3A = arith.index_cast %scan3A_305 : i32 to index
          %swap3A_341 = arith.index_cast %mul3A_332 : i32 to index
          %swap3A_342 = tpu.vector_load %arg10[%swap3A, %swap3A_341] {strides = array<i32>} : memref<32x512xf32, #tpu.memory_space<vmem>>, vector<1x16xf32>,
          %swap3A_343 = vector.shape_cast %swap3A_342 : vector<1x16xf32> to vector<16xf32>
          %swap3A_344 = vector.shape_cast %add3A_340 : vector<16xf32> to vector<1x16xf32>
          tpu.vector_store %arg10[%swap3A, %swap3A_341], %swap3A_344 {strides = array<i32>} : memref<32x512xf32, #tpu.memory_space<vmem>>, vector<1x16xf32>,
          %mul3A_345 = arith.constant 4 : i32
          %mul3A_346 = arith.muli %scan3A_325, %mul3A_345 : i32
          %add3A_347 = arith.constant 1 : i32
          %add3A_348 = arith.addi %mul3A_346, %add3A_347 : i32
          %mul3A_349 = arith.constant 16 : i32
          %mul3A_350 = arith.muli %add3A_348, %mul3A_349 : i32
          %get3A_351 = arith.index_cast %scan3A_305 : i32 to index
          %get3A_352 = arith.index_cast %mul3A_350 : i32 to index
          %get3A_353 = tpu.vector_load %arg10[%get3A_351, %get3A_352] {strides = array<i32>} : memref<32x512xf32, #tpu.memory_space<vmem>>, vector<1x16xf32>,
          %get3A_354 = vector.shape_cast %get3A_353 : vector<1x16xf32> to vector<16xf32>
          %get3A_355 = arith.index_cast %select_n3A_316 : i32 to index
          %get3A_356 = arith.index_cast %mul3A_350 : i32 to index
          %get3A_357 = tpu.vector_load %arg6[%get3A_355, %get3A_356] {strides = array<i32>} : memref<16x512xf32, #tpu.memory_space<vmem>>, vector<1x16xf32>,
          %get3A_358 = vector.shape_cast %get3A_357 : vector<1x16xf32> to vector<16xf32>
          %add3A_359 = arith.addf %get3A_354, %get3A_358 : vector<16xf32>
          %swap3A_360 = arith.index_cast %scan3A_305 : i32 to index
          %swap3A_361 = arith.index_cast %mul3A_350 : i32 to index
          %swap3A_362 = tpu.vector_load %arg10[%swap3A_360, %swap3A_361] {strides = array<i32>} : memref<32x512xf32, #tpu.memory_space<vmem>>, vector<1x16xf32>,
          %swap3A_363 = vector.shape_cast %swap3A_362 : vector<1x16xf32> to vector<16xf32>
          %swap3A_364 = vector.shape_cast %add3A_359 : vector<16xf32> to vector<1x16xf32>
          tpu.vector_store %arg10[%swap3A_360, %swap3A_361], %swap3A_364 {strides = array<i32>} : memref<32x512xf32, #tpu.memory_space<vmem>>, vector<1x16xf32>,
          %mul3A_365 = arith.constant 4 : i32
          %mul3A_366 = arith.muli %scan3A_325, %mul3A_365 : i32
          %add3A_367 = arith.constant 2 : i32
          %add3A_368 = arith.addi %mul3A_366, %add3A_367 : i32
          %mul3A_369 = arith.constant 16 : i32
          %mul3A_370 = arith.muli %add3A_368, %mul3A_369 : i32
          %get3A_371 = arith.index_cast %scan3A_305 : i32 to index
          %get3A_372 = arith.index_cast %mul3A_370 : i32 to index
          %get3A_373 = tpu.vector_load %arg10[%get3A_371, %get3A_372] {strides = array<i32>} : memref<32x512xf32, #tpu.memory_space<vmem>>, vector<1x16xf32>,
          %get3A_374 = vector.shape_cast %get3A_373 : vector<1x16xf32> to vector<16xf32>
          %get3A_375 = arith.index_cast %select_n3A_316 : i32 to index
          %get3A_376 = arith.index_cast %mul3A_370 : i32 to index
          %get3A_377 = tpu.vector_load %arg6[%get3A_375, %get3A_376] {strides = array<i32>} : memref<16x512xf32, #tpu.memory_space<vmem>>, vector<1x16xf32>,
          %get3A_378 = vector.shape_cast %get3A_377 : vector<1x16xf32> to vector<16xf32>
          %add3A_379 = arith.addf %get3A_374, %get3A_378 : vector<16xf32>
          %swap3A_380 = arith.index_cast %scan3A_305 : i32 to index
          %swap3A_381 = arith.index_cast %mul3A_370 : i32 to index
          %swap3A_382 = tpu.vector_load %arg10[%swap3A_380, %swap3A_381] {strides = array<i32>} : memref<32x512xf32, #tpu.memory_space<vmem>>, vector<1x16xf32>,
          %swap3A_383 = vector.shape_cast %swap3A_382 : vector<1x16xf32> to vector<16xf32>
          %swap3A_384 = vector.shape_cast %add3A_379 : vector<16xf32> to vector<1x16xf32>
          tpu.vector_store %arg10[%swap3A_380, %swap3A_381], %swap3A_384 {strides = array<i32>} : memref<32x512xf32, #tpu.memory_space<vmem>>, vector<1x16xf32>,
          %mul3A_385 = arith.constant 4 : i32
          %mul3A_386 = arith.muli %scan3A_325, %mul3A_385 : i32
          %add3A_387 = arith.constant 3 : i32
          %add3A_388 = arith.addi %mul3A_386, %add3A_387 : i32
          %mul3A_389 = arith.constant 16 : i32
          %mul3A_390 = arith.muli %add3A_388, %mul3A_389 : i32
          %get3A_391 = arith.index_cast %scan3A_305 : i32 to index
          %get3A_392 = arith.index_cast %mul3A_390 : i32 to index
          %get3A_393 = tpu.vector_load %arg10[%get3A_391, %get3A_392] {strides = array<i32>} : memref<32x512xf32, #tpu.memory_space<vmem>>, vector<1x16xf32>,
          %get3A_394 = vector.shape_cast %get3A_393 : vector<1x16xf32> to vector<16xf32>
          %get3A_395 = arith.index_cast %select_n3A_316 : i32 to index
          %get3A_396 = arith.index_cast %mul3A_390 : i32 to index
          %get3A_397 = tpu.vector_load %arg6[%get3A_395, %get3A_396] {strides = array<i32>} : memref<16x512xf32, #tpu.memory_space<vmem>>, vector<1x16xf32>,
          %get3A_398 = vector.shape_cast %get3A_397 : vector<1x16xf32> to vector<16xf32>
          %add3A_399 = arith.addf %get3A_394, %get3A_398 : vector<16xf32>
          %swap3A_400 = arith.index_cast %scan3A_305 : i32 to index
          %swap3A_401 = arith.index_cast %mul3A_390 : i32 to index
          %swap3A_402 = tpu.vector_load %arg10[%swap3A_400, %swap3A_401] {strides = array<i32>} : memref<32x512xf32, #tpu.memory_space<vmem>>, vector<1x16xf32>,
          %swap3A_403 = vector.shape_cast %swap3A_402 : vector<1x16xf32> to vector<16xf32>
          %swap3A_404 = vector.shape_cast %add3A_399 : vector<16xf32> to vector<1x16xf32>
          tpu.vector_store %arg10[%swap3A_400, %swap3A_401], %swap3A_404 {strides = array<i32>} : memref<32x512xf32, #tpu.memory_space<vmem>>, vector<1x16xf32>,
          %scan3A_405 = arith.constant 0 : i32
          scf.yield %scan3A_405 : i32
        }
        %scan3A_323 = arith.constant 8 : i32
        %scan3A_324 = arith.constant 0 : i32
        scf.yield %scan3A_324 : i32
      }
      %scan3A_205 = arith.constant 32 : i32
      %mul3A_206 = arith.constant 2 : i32
      %mul3A_207 = arith.muli %add3A_178, %mul3A_206 : i32
      %add3A_208 = arith.constant 0 : i32
      %add3A_209 = arith.addi %mul3A_207, %add3A_208 : i32
      %mul3A_210 = arith.constant 512 : i32
      %mul3A_211 = arith.muli %add3A_209, %mul3A_210 : i32
      %add3A_212 = arith.addi %mul3A_211, %mul3A_2 : i32
      %dma_start3A_213 = arith.constant 0 : i32
      %dma_start3A_214 = arith.constant 0 : i32
      %dma_start3A_215 = tpu.memref_slice %arg10[%dma_start3A_213, %dma_start3A_214] : memref<32x512xf32, #tpu.memory_space<vmem>> -> memref<16x512xf32, #tpu.memory_space<vmem>>
      %dma_start3A_216 = arith.constant 0 : i32
      %dma_start3A_217 = tpu.memref_slice %arg5[%add3A_212, %dma_start3A_216] : memref<65536x512xf32, #tpu.memory_space<hbm>> -> memref<16x512xf32, #tpu.memory_space<hbm>>
      %dma_start3A_218 = arith.constant 0 : i32
      %dma_start3A_219 = tpu.memref_slice %arg5[%add3A_212, %dma_start3A_218] : memref<65536x512xf32, #tpu.memory_space<hbm>> -> memref<16x512xf32, #tpu.memory_space<hbm>>
      %dma_start3A_220 = arith.constant 0 : i32
      %dma_start3A_221 = arith.constant 0 : i32
      %dma_start3A_222 = tpu.memref_slice %arg10[%dma_start3A_220, %dma_start3A_221] : memref<32x512xf32, #tpu.memory_space<vmem>> -> memref<16x512xf32, #tpu.memory_space<vmem>>
      tpu.enqueue_dma source(%dma_start3A_222 : memref<16x512xf32, #tpu.memory_space<vmem>>) target(%dma_start3A_219 : memref<16x512xf32, #tpu.memory_space<hbm>>) target_semaphore(%arg18 : memref<!tpu.dma_semaphore, #tpu.memory_space<semaphore_mem>>)
      %mul3A_223 = arith.constant 2 : i32
      %mul3A_224 = arith.muli %add3A_178, %mul3A_223 : i32
      %add3A_225 = arith.constant 1 : i32
      %add3A_226 = arith.addi %mul3A_224, %add3A_225 : i32
      %mul3A_227 = arith.constant 512 : i32
      %mul3A_228 = arith.muli %add3A_226, %mul3A_227 : i32
      %add3A_229 = arith.addi %mul3A_228, %mul3A_2 : i32
      %dma_start3A_230 = arith.constant 16 : i32
      %dma_start3A_231 = arith.constant 0 : i32
      %dma_start3A_232 = tpu.memref_slice %arg10[%dma_start3A_230, %dma_start3A_231] : memref<32x512xf32, #tpu.memory_space<vmem>> -> memref<16x512xf32, #tpu.memory_space<vmem>>
      %dma_start3A_233 = arith.constant 0 : i32
      %dma_start3A_234 = tpu.memref_slice %arg5[%add3A_229, %dma_start3A_233] : memref<65536x512xf32, #tpu.memory_space<hbm>> -> memref<16x512xf32, #tpu.memory_space<hbm>>
      %dma_start3A_235 = arith.constant 0 : i32
      %dma_start3A_236 = tpu.memref_slice %arg5[%add3A_229, %dma_start3A_235] : memref<65536x512xf32, #tpu.memory_space<hbm>> -> memref<16x512xf32, #tpu.memory_space<hbm>>
      %dma_start3A_237 = arith.constant 16 : i32
      %dma_start3A_238 = arith.constant 0 : i32
      %dma_start3A_239 = tpu.memref_slice %arg10[%dma_start3A_237, %dma_start3A_238] : memref<32x512xf32, #tpu.memory_space<vmem>> -> memref<16x512xf32, #tpu.memory_space<vmem>>
      tpu.enqueue_dma source(%dma_start3A_239 : memref<16x512xf32, #tpu.memory_space<vmem>>) target(%dma_start3A_236 : memref<16x512xf32, #tpu.memory_space<hbm>>) target_semaphore(%arg18 : memref<!tpu.dma_semaphore, #tpu.memory_space<semaphore_mem>>)
      %mul3A_240 = arith.constant 4 : i32
      %mul3A_241 = arith.muli %scan3A_49, %mul3A_240 : i32
      %add3A_242 = arith.constant 3 : i32
      %add3A_243 = arith.addi %mul3A_241, %add3A_242 : i32
      %mul3A_244 = arith.constant 32 : i32
      %mul3A_245 = arith.muli %add3A_243, %mul3A_244 : i32
      %dma_wait3A_246 = tpu.memref_slice %arg7[%mul3A_245] : memref<2048xi32, #tpu.memory_space<vmem>> -> memref<32xi32, #tpu.memory_space<vmem>>
      %dma_wait3A_247 = arith.constant 0 : i32
      %dma_wait3A_248 = arith.constant 0 : i32
      %dma_wait3A_249 = tpu.memref_slice %arg3[%dma_wait3A_247, %dma_wait3A_248] : memref<42x512xf32, #tpu.memory_space<hbm>> -> memref<42x512xf32, #tpu.memory_space<hbm>>
      tpu.wait_indirect_dma semaphore(%arg15 : memref<!tpu.dma_semaphore, #tpu.memory_space<semaphore_mem>>) src(%dma_wait3A_249 : memref<42x512xf32, #tpu.memory_space<hbm>>) dst(%arg11 : memref<32x512xf32, #tpu.memory_space<vmem>>)
      %add3A_250 = arith.constant 4 : i32
      %add3A_251 = arith.addi %add3A_243, %add3A_250 : i32
      %sub3A_252 = arith.constant 1 : i32
      %sub3A_253 = arith.subi %add3A_251, %sub3A_252 : i32
      %ge3A_254 = arith.constant 1 : i32
      %ge3A_255 = arith.cmpi sge, %add3A_243, %ge3A_254 : i32
      %convert_element_type3A_256 = arith.extui %ge3A_255 : i1 to i32
      %cond3A_257 = arith.constant 0 : i32
      %cond3A_258 = arith.cmpi ne, %convert_element_type3A_256, %cond3A_257 : i32
      scf.if %cond3A_258 {
        %sub3A_305 = arith.constant 1 : i32
        %sub3A_306 = arith.subi %add3A_243, %sub3A_305 : i32
        %mul3A_307 = arith.constant 2 : i32
        %mul3A_308 = arith.muli %sub3A_306, %mul3A_307 : i32
        %add3A_309 = arith.constant 0 : i32
        %add3A_310 = arith.addi %mul3A_308, %add3A_309 : i32
        %mul3A_311 = arith.constant 512 : i32
        %mul3A_312 = arith.muli %add3A_310, %mul3A_311 : i32
        %add3A_313 = arith.addi %mul3A_312, %mul3A_2 : i32
        %dma_wait3A_314 = arith.constant 0 : i32
        %dma_wait3A_315 = arith.constant 0 : i32
        %dma_wait3A_316 = tpu.memref_slice %arg10[%dma_wait3A_314, %dma_wait3A_315] : memref<32x512xf32, #tpu.memory_space<vmem>> -> memref<16x512xf32, #tpu.memory_space<vmem>>
        %dma_wait3A_317 = arith.constant 0 : i32
        %dma_wait3A_318 = tpu.memref_slice %arg5[%add3A_313, %dma_wait3A_317] : memref<65536x512xf32, #tpu.memory_space<hbm>> -> memref<16x512xf32, #tpu.memory_space<hbm>>
        %dma_wait3A_319 = arith.constant 0 : i32
        %dma_wait3A_320 = tpu.memref_slice %arg5[%add3A_313, %dma_wait3A_319] : memref<65536x512xf32, #tpu.memory_space<hbm>> -> memref<16x512xf32, #tpu.memory_space<hbm>>
        %dma_wait3A_321 = arith.constant 0 : i32
        %dma_wait3A_322 = arith.constant 0 : i32
        %dma_wait3A_323 = tpu.memref_slice %arg10[%dma_wait3A_321, %dma_wait3A_322] : memref<32x512xf32, #tpu.memory_space<vmem>> -> memref<16x512xf32, #tpu.memory_space<vmem>>
        tpu.wait_dma2 semaphore(%arg18 : memref<!tpu.dma_semaphore, #tpu.memory_space<semaphore_mem>>) src(%dma_wait3A_323 : memref<16x512xf32, #tpu.memory_space<vmem>>) dst(%dma_wait3A_320 : memref<16x512xf32, #tpu.memory_space<hbm>>)
        %sub3A_324 = arith.constant 1 : i32
        %sub3A_325 = arith.subi %add3A_243, %sub3A_324 : i32
        %mul3A_326 = arith.constant 2 : i32
        %mul3A_327 = arith.muli %sub3A_325, %mul3A_326 : i32
        %add3A_328 = arith.constant 1 : i32
        %add3A_329 = arith.addi %mul3A_327, %add3A_328 : i32
        %mul3A_330 = arith.constant 512 : i32
        %mul3A_331 = arith.muli %add3A_329, %mul3A_330 : i32
        %add3A_332 = arith.addi %mul3A_331, %mul3A_2 : i32
        %dma_wait3A_333 = arith.constant 16 : i32
        %dma_wait3A_334 = arith.constant 0 : i32
        %dma_wait3A_335 = tpu.memref_slice %arg10[%dma_wait3A_333, %dma_wait3A_334] : memref<32x512xf32, #tpu.memory_space<vmem>> -> memref<16x512xf32, #tpu.memory_space<vmem>>
        %dma_wait3A_336 = arith.constant 0 : i32
        %dma_wait3A_337 = tpu.memref_slice %arg5[%add3A_332, %dma_wait3A_336] : memref<65536x512xf32, #tpu.memory_space<hbm>> -> memref<16x512xf32, #tpu.memory_space<hbm>>
        %dma_wait3A_338 = arith.constant 0 : i32
        %dma_wait3A_339 = tpu.memref_slice %arg5[%add3A_332, %dma_wait3A_338] : memref<65536x512xf32, #tpu.memory_space<hbm>> -> memref<16x512xf32, #tpu.memory_space<hbm>>
        %dma_wait3A_340 = arith.constant 16 : i32
        %dma_wait3A_341 = arith.constant 0 : i32
        %dma_wait3A_342 = tpu.memref_slice %arg10[%dma_wait3A_340, %dma_wait3A_341] : memref<32x512xf32, #tpu.memory_space<vmem>> -> memref<16x512xf32, #tpu.memory_space<vmem>>
        tpu.wait_dma2 semaphore(%arg18 : memref<!tpu.dma_semaphore, #tpu.memory_space<semaphore_mem>>) src(%dma_wait3A_342 : memref<16x512xf32, #tpu.memory_space<vmem>>) dst(%dma_wait3A_339 : memref<16x512xf32, #tpu.memory_space<hbm>>)
      } else {
      }
      %lt3A_259 = arith.constant 64 : i32
      %lt3A_260 = arith.cmpi slt, %sub3A_253, %lt3A_259 : i32
      %convert_element_type3A_261 = arith.extui %lt3A_260 : i1 to i32
      %cond3A_262 = arith.constant 0 : i32
      %cond3A_263 = arith.cmpi ne, %convert_element_type3A_261, %cond3A_262 : i32
      scf.if %cond3A_263 {
        %mul3A_305 = arith.constant 32 : i32
        %mul3A_306 = arith.muli %sub3A_253, %mul3A_305 : i32
        %dma_start3A_307 = tpu.memref_slice %arg7[%mul3A_306] : memref<2048xi32, #tpu.memory_space<vmem>> -> memref<32xi32, #tpu.memory_space<vmem>>
        %dma_start3A_308 = arith.constant 0 : i32
        %dma_start3A_309 = arith.constant 0 : i32
        %dma_start3A_310 = tpu.memref_slice %arg3[%dma_start3A_308, %dma_start3A_309] : memref<42x512xf32, #tpu.memory_space<hbm>> -> memref<42x512xf32, #tpu.memory_space<hbm>>
        tpu.enqueue_indirect_dma source(%dma_start3A_310 : memref<42x512xf32, #tpu.memory_space<hbm>>) target(%arg10 : memref<32x512xf32, #tpu.memory_space<vmem>>) offsets(%dma_start3A_307 : memref<32xi32, #tpu.memory_space<vmem>>) semaphore(%arg14 : memref<!tpu.dma_semaphore, #tpu.memory_space<semaphore_mem>>)
      } else {
      }
      %scan3A_264 = arith.constant 0 : i32
      %scan3A_265 = arith.constant 0 : i32
      %scan3A_266 = arith.constant 32 : i32
      %scan3A_267 = arith.addi %scan3A_265, %scan3A_266 : i32
      %scan3A_268 = arith.constant 1 : i32
      %scan3A_269 = scf.for %scan3A_305 = %scan3A_265 to %scan3A_267 step %scan3A_268 iter_args(%scan3A_306 = %scan3A_264) -> (i32)  : i32 {
        %jit3A = arith.constant 16 : i32
        %eq3A = arith.constant 0 : i32
        %eq3A_307 = arith.cmpi eq, %jit3A, %eq3A : i32
        %jit3A_308 = arith.constant 1 : i32
        %select_n3A = arith.select %eq3A_307, %jit3A_308, %jit3A : i32
        %rem3A = arith.remsi %scan3A_305, %select_n3A : i32
        %ne3A = arith.constant 0 : i32
        %ne3A_309 = arith.cmpi ne, %rem3A, %ne3A : i32
        %lt3A_310 = arith.constant 0 : i32
        %lt3A_311 = arith.cmpi slt, %rem3A, %lt3A_310 : i32
        %lt3A_312 = arith.constant 0 : i32
        %lt3A_313 = arith.cmpi slt, %select_n3A, %lt3A_312 : i32
        %ne3A_314 = arith.xori %lt3A_311, %lt3A_313 : i1
        %and3A = arith.andi %ne3A_314, %ne3A_309 : i1
        %add3A_315 = arith.addi %rem3A, %select_n3A : i32
        %select_n3A_316 = arith.select %and3A, %add3A_315, %rem3A : i32
        %scan3A_317 = arith.constant 0 : i32
        %scan3A_318 = arith.constant 0 : i32
        %scan3A_319 = arith.constant 8 : i32
        %scan3A_320 = arith.addi %scan3A_318, %scan3A_319 : i32
        %scan3A_321 = arith.constant 1 : i32
        %scan3A_322 = scf.for %scan3A_325 = %scan3A_318 to %scan3A_320 step %scan3A_321 iter_args(%scan3A_326 = %scan3A_317) -> (i32)  : i32 {
          %mul3A_327 = arith.constant 4 : i32
          %mul3A_328 = arith.muli %scan3A_325, %mul3A_327 : i32
          %add3A_329 = arith.constant 0 : i32
          %add3A_330 = arith.addi %mul3A_328, %add3A_329 : i32
          %mul3A_331 = arith.constant 16 : i32
          %mul3A_332 = arith.muli %add3A_330, %mul3A_331 : i32
          %get3A = arith.index_cast %scan3A_305 : i32 to index
          %get3A_333 = arith.index_cast %mul3A_332 : i32 to index
          %get3A_334 = tpu.vector_load %arg11[%get3A, %get3A_333] {strides = array<i32>} : memref<32x512xf32, #tpu.memory_space<vmem>>, vector<1x16xf32>,
          %get3A_335 = vector.shape_cast %get3A_334 : vector<1x16xf32> to vector<16xf32>
          %get3A_336 = arith.index_cast %select_n3A_316 : i32 to index
          %get3A_337 = arith.index_cast %mul3A_332 : i32 to index
          %get3A_338 = tpu.vector_load %arg6[%get3A_336, %get3A_337] {strides = array<i32>} : memref<16x512xf32, #tpu.memory_space<vmem>>, vector<1x16xf32>,
          %get3A_339 = vector.shape_cast %get3A_338 : vector<1x16xf32> to vector<16xf32>
          %add3A_340 = arith.addf %get3A_335, %get3A_339 : vector<16xf32>
          %swap3A = arith.index_cast %scan3A_305 : i32 to index
          %swap3A_341 = arith.index_cast %mul3A_332 : i32 to index
          %swap3A_342 = tpu.vector_load %arg11[%swap3A, %swap3A_341] {strides = array<i32>} : memref<32x512xf32, #tpu.memory_space<vmem>>, vector<1x16xf32>,
          %swap3A_343 = vector.shape_cast %swap3A_342 : vector<1x16xf32> to vector<16xf32>
          %swap3A_344 = vector.shape_cast %add3A_340 : vector<16xf32> to vector<1x16xf32>
          tpu.vector_store %arg11[%swap3A, %swap3A_341], %swap3A_344 {strides = array<i32>} : memref<32x512xf32, #tpu.memory_space<vmem>>, vector<1x16xf32>,
          %mul3A_345 = arith.constant 4 : i32
          %mul3A_346 = arith.muli %scan3A_325, %mul3A_345 : i32
          %add3A_347 = arith.constant 1 : i32
          %add3A_348 = arith.addi %mul3A_346, %add3A_347 : i32
          %mul3A_349 = arith.constant 16 : i32
          %mul3A_350 = arith.muli %add3A_348, %mul3A_349 : i32
          %get3A_351 = arith.index_cast %scan3A_305 : i32 to index
          %get3A_352 = arith.index_cast %mul3A_350 : i32 to index
          %get3A_353 = tpu.vector_load %arg11[%get3A_351, %get3A_352] {strides = array<i32>} : memref<32x512xf32, #tpu.memory_space<vmem>>, vector<1x16xf32>,
          %get3A_354 = vector.shape_cast %get3A_353 : vector<1x16xf32> to vector<16xf32>
          %get3A_355 = arith.index_cast %select_n3A_316 : i32 to index
          %get3A_356 = arith.index_cast %mul3A_350 : i32 to index
          %get3A_357 = tpu.vector_load %arg6[%get3A_355, %get3A_356] {strides = array<i32>} : memref<16x512xf32, #tpu.memory_space<vmem>>, vector<1x16xf32>,
          %get3A_358 = vector.shape_cast %get3A_357 : vector<1x16xf32> to vector<16xf32>
          %add3A_359 = arith.addf %get3A_354, %get3A_358 : vector<16xf32>
          %swap3A_360 = arith.index_cast %scan3A_305 : i32 to index
          %swap3A_361 = arith.index_cast %mul3A_350 : i32 to index
          %swap3A_362 = tpu.vector_load %arg11[%swap3A_360, %swap3A_361] {strides = array<i32>} : memref<32x512xf32, #tpu.memory_space<vmem>>, vector<1x16xf32>,
          %swap3A_363 = vector.shape_cast %swap3A_362 : vector<1x16xf32> to vector<16xf32>
          %swap3A_364 = vector.shape_cast %add3A_359 : vector<16xf32> to vector<1x16xf32>
          tpu.vector_store %arg11[%swap3A_360, %swap3A_361], %swap3A_364 {strides = array<i32>} : memref<32x512xf32, #tpu.memory_space<vmem>>, vector<1x16xf32>,
          %mul3A_365 = arith.constant 4 : i32
          %mul3A_366 = arith.muli %scan3A_325, %mul3A_365 : i32
          %add3A_367 = arith.constant 2 : i32
          %add3A_368 = arith.addi %mul3A_366, %add3A_367 : i32
          %mul3A_369 = arith.constant 16 : i32
          %mul3A_370 = arith.muli %add3A_368, %mul3A_369 : i32
          %get3A_371 = arith.index_cast %scan3A_305 : i32 to index
          %get3A_372 = arith.index_cast %mul3A_370 : i32 to index
          %get3A_373 = tpu.vector_load %arg11[%get3A_371, %get3A_372] {strides = array<i32>} : memref<32x512xf32, #tpu.memory_space<vmem>>, vector<1x16xf32>,
          %get3A_374 = vector.shape_cast %get3A_373 : vector<1x16xf32> to vector<16xf32>
          %get3A_375 = arith.index_cast %select_n3A_316 : i32 to index
          %get3A_376 = arith.index_cast %mul3A_370 : i32 to index
          %get3A_377 = tpu.vector_load %arg6[%get3A_375, %get3A_376] {strides = array<i32>} : memref<16x512xf32, #tpu.memory_space<vmem>>, vector<1x16xf32>,
          %get3A_378 = vector.shape_cast %get3A_377 : vector<1x16xf32> to vector<16xf32>
          %add3A_379 = arith.addf %get3A_374, %get3A_378 : vector<16xf32>
          %swap3A_380 = arith.index_cast %scan3A_305 : i32 to index
          %swap3A_381 = arith.index_cast %mul3A_370 : i32 to index
          %swap3A_382 = tpu.vector_load %arg11[%swap3A_380, %swap3A_381] {strides = array<i32>} : memref<32x512xf32, #tpu.memory_space<vmem>>, vector<1x16xf32>,
          %swap3A_383 = vector.shape_cast %swap3A_382 : vector<1x16xf32> to vector<16xf32>
          %swap3A_384 = vector.shape_cast %add3A_379 : vector<16xf32> to vector<1x16xf32>
          tpu.vector_store %arg11[%swap3A_380, %swap3A_381], %swap3A_384 {strides = array<i32>} : memref<32x512xf32, #tpu.memory_space<vmem>>, vector<1x16xf32>,
          %mul3A_385 = arith.constant 4 : i32
          %mul3A_386 = arith.muli %scan3A_325, %mul3A_385 : i32
          %add3A_387 = arith.constant 3 : i32
          %add3A_388 = arith.addi %mul3A_386, %add3A_387 : i32
          %mul3A_389 = arith.constant 16 : i32
          %mul3A_390 = arith.muli %add3A_388, %mul3A_389 : i32
          %get3A_391 = arith.index_cast %scan3A_305 : i32 to index
          %get3A_392 = arith.index_cast %mul3A_390 : i32 to index
          %get3A_393 = tpu.vector_load %arg11[%get3A_391, %get3A_392] {strides = array<i32>} : memref<32x512xf32, #tpu.memory_space<vmem>>, vector<1x16xf32>,
          %get3A_394 = vector.shape_cast %get3A_393 : vector<1x16xf32> to vector<16xf32>
          %get3A_395 = arith.index_cast %select_n3A_316 : i32 to index
          %get3A_396 = arith.index_cast %mul3A_390 : i32 to index
          %get3A_397 = tpu.vector_load %arg6[%get3A_395, %get3A_396] {strides = array<i32>} : memref<16x512xf32, #tpu.memory_space<vmem>>, vector<1x16xf32>,
          %get3A_398 = vector.shape_cast %get3A_397 : vector<1x16xf32> to vector<16xf32>
          %add3A_399 = arith.addf %get3A_394, %get3A_398 : vector<16xf32>
          %swap3A_400 = arith.index_cast %scan3A_305 : i32 to index
          %swap3A_401 = arith.index_cast %mul3A_390 : i32 to index
          %swap3A_402 = tpu.vector_load %arg11[%swap3A_400, %swap3A_401] {strides = array<i32>} : memref<32x512xf32, #tpu.memory_space<vmem>>, vector<1x16xf32>,
          %swap3A_403 = vector.shape_cast %swap3A_402 : vector<1x16xf32> to vector<16xf32>
          %swap3A_404 = vector.shape_cast %add3A_399 : vector<16xf32> to vector<1x16xf32>
          tpu.vector_store %arg11[%swap3A_400, %swap3A_401], %swap3A_404 {strides = array<i32>} : memref<32x512xf32, #tpu.memory_space<vmem>>, vector<1x16xf32>,
          %scan3A_405 = arith.constant 0 : i32
          scf.yield %scan3A_405 : i32
        }
        %scan3A_323 = arith.constant 8 : i32
        %scan3A_324 = arith.constant 0 : i32
        scf.yield %scan3A_324 : i32
      }
      %scan3A_270 = arith.constant 32 : i32
      %mul3A_271 = arith.constant 2 : i32
      %mul3A_272 = arith.muli %add3A_243, %mul3A_271 : i32
      %add3A_273 = arith.constant 0 : i32
      %add3A_274 = arith.addi %mul3A_272, %add3A_273 : i32
      %mul3A_275 = arith.constant 512 : i32
      %mul3A_276 = arith.muli %add3A_274, %mul3A_275 : i32
      %add3A_277 = arith.addi %mul3A_276, %mul3A_2 : i32
      %dma_start3A_278 = arith.constant 0 : i32
      %dma_start3A_279 = arith.constant 0 : i32
      %dma_start3A_280 = tpu.memref_slice %arg11[%dma_start3A_278, %dma_start3A_279] : memref<32x512xf32, #tpu.memory_space<vmem>> -> memref<16x512xf32, #tpu.memory_space<vmem>>
      %dma_start3A_281 = arith.constant 0 : i32
      %dma_start3A_282 = tpu.memref_slice %arg5[%add3A_277, %dma_start3A_281] : memref<65536x512xf32, #tpu.memory_space<hbm>> -> memref<16x512xf32, #tpu.memory_space<hbm>>
      %dma_start3A_283 = arith.constant 0 : i32
      %dma_start3A_284 = tpu.memref_slice %arg5[%add3A_277, %dma_start3A_283] : memref<65536x512xf32, #tpu.memory_space<hbm>> -> memref<16x512xf32, #tpu.memory_space<hbm>>
      %dma_start3A_285 = arith.constant 0 : i32
      %dma_start3A_286 = arith.constant 0 : i32
      %dma_start3A_287 = tpu.memref_slice %arg11[%dma_start3A_285, %dma_start3A_286] : memref<32x512xf32, #tpu.memory_space<vmem>> -> memref<16x512xf32, #tpu.memory_space<vmem>>
      tpu.enqueue_dma source(%dma_start3A_287 : memref<16x512xf32, #tpu.memory_space<vmem>>) target(%dma_start3A_284 : memref<16x512xf32, #tpu.memory_space<hbm>>) target_semaphore(%arg19 : memref<!tpu.dma_semaphore, #tpu.memory_space<semaphore_mem>>)
      %mul3A_288 = arith.constant 2 : i32
      %mul3A_289 = arith.muli %add3A_243, %mul3A_288 : i32
      %add3A_290 = arith.constant 1 : i32
      %add3A_291 = arith.addi %mul3A_289, %add3A_290 : i32
      %mul3A_292 = arith.constant 512 : i32
      %mul3A_293 = arith.muli %add3A_291, %mul3A_292 : i32
      %add3A_294 = arith.addi %mul3A_293, %mul3A_2 : i32
      %dma_start3A_295 = arith.constant 16 : i32
      %dma_start3A_296 = arith.constant 0 : i32
      %dma_start3A_297 = tpu.memref_slice %arg11[%dma_start3A_295, %dma_start3A_296] : memref<32x512xf32, #tpu.memory_space<vmem>> -> memref<16x512xf32, #tpu.memory_space<vmem>>
      %dma_start3A_298 = arith.constant 0 : i32
      %dma_start3A_299 = tpu.memref_slice %arg5[%add3A_294, %dma_start3A_298] : memref<65536x512xf32, #tpu.memory_space<hbm>> -> memref<16x512xf32, #tpu.memory_space<hbm>>
      %dma_start3A_300 = arith.constant 0 : i32
      %dma_start3A_301 = tpu.memref_slice %arg5[%add3A_294, %dma_start3A_300] : memref<65536x512xf32, #tpu.memory_space<hbm>> -> memref<16x512xf32, #tpu.memory_space<hbm>>
      %dma_start3A_302 = arith.constant 16 : i32
      %dma_start3A_303 = arith.constant 0 : i32
      %dma_start3A_304 = tpu.memref_slice %arg11[%dma_start3A_302, %dma_start3A_303] : memref<32x512xf32, #tpu.memory_space<vmem>> -> memref<16x512xf32, #tpu.memory_space<vmem>>
      tpu.enqueue_dma source(%dma_start3A_304 : memref<16x512xf32, #tpu.memory_space<vmem>>) target(%dma_start3A_301 : memref<16x512xf32, #tpu.memory_space<hbm>>) target_semaphore(%arg19 : memref<!tpu.dma_semaphore, #tpu.memory_space<semaphore_mem>>)
    }
    %scan3A_25 = arith.constant 16 : i32
    %add3A_26 = arith.constant 64512 : i32
    %add3A_27 = arith.addi %add3A_26, %mul3A_2 : i32
    %dma_wait3A = arith.constant 0 : i32
    %dma_wait3A_28 = arith.constant 0 : i32
    %dma_wait3A_29 = tpu.memref_slice %arg11[%dma_wait3A, %dma_wait3A_28] : memref<32x512xf32, #tpu.memory_space<vmem>> -> memref<16x512xf32, #tpu.memory_space<vmem>>
    %dma_wait3A_30 = arith.constant 0 : i32
    %dma_wait3A_31 = tpu.memref_slice %arg5[%add3A_27, %dma_wait3A_30] : memref<65536x512xf32, #tpu.memory_space<hbm>> -> memref<16x512xf32, #tpu.memory_space<hbm>>
    %dma_wait3A_32 = arith.constant 0 : i32
    %dma_wait3A_33 = tpu.memref_slice %arg5[%add3A_27, %dma_wait3A_32] : memref<65536x512xf32, #tpu.memory_space<hbm>> -> memref<16x512xf32, #tpu.memory_space<hbm>>
    %dma_wait3A_34 = arith.constant 0 : i32
    %dma_wait3A_35 = arith.constant 0 : i32
    %dma_wait3A_36 = tpu.memref_slice %arg11[%dma_wait3A_34, %dma_wait3A_35] : memref<32x512xf32, #tpu.memory_space<vmem>> -> memref<16x512xf32, #tpu.memory_space<vmem>>
    tpu.wait_dma2 semaphore(%arg19 : memref<!tpu.dma_semaphore, #tpu.memory_space<semaphore_mem>>) src(%dma_wait3A_36 : memref<16x512xf32, #tpu.memory_space<vmem>>) dst(%dma_wait3A_33 : memref<16x512xf32, #tpu.memory_space<hbm>>)
    %add3A_37 = arith.constant 65024 : i32
    %add3A_38 = arith.addi %add3A_37, %mul3A_2 : i32
    %dma_wait3A_39 = arith.constant 16 : i32
    %dma_wait3A_40 = arith.constant 0 : i32
    %dma_wait3A_41 = tpu.memref_slice %arg11[%dma_wait3A_39, %dma_wait3A_40] : memref<32x512xf32, #tpu.memory_space<vmem>> -> memref<16x512xf32, #tpu.memory_space<vmem>>
    %dma_wait3A_42 = arith.constant 0 : i32
    %dma_wait3A_43 = tpu.memref_slice %arg5[%add3A_38, %dma_wait3A_42] : memref<65536x512xf32, #tpu.memory_space<hbm>> -> memref<16x512xf32, #tpu.memory_space<hbm>>
    %dma_wait3A_44 = arith.constant 0 : i32
    %dma_wait3A_45 = tpu.memref_slice %arg5[%add3A_38, %dma_wait3A_44] : memref<65536x512xf32, #tpu.memory_space<hbm>> -> memref<16x512xf32, #tpu.memory_space<hbm>>
    %dma_wait3A_46 = arith.constant 16 : i32
    %dma_wait3A_47 = arith.constant 0 : i32
    %dma_wait3A_48 = tpu.memref_slice %arg11[%dma_wait3A_46, %dma_wait3A_47] : memref<32x512xf32, #tpu.memory_space<vmem>> -> memref<16x512xf32, #tpu.memory_space<vmem>>
    tpu.wait_dma2 semaphore(%arg19 : memref<!tpu.dma_semaphore, #tpu.memory_space<semaphore_mem>>) src(%dma_wait3A_48 : memref<16x512xf32, #tpu.memory_space<vmem>>) dst(%dma_wait3A_45 : memref<16x512xf32, #tpu.memory_space<hbm>>)
    return
  }
}

</mosaic_0001>

<sc_bundles>
// kernel: kernel.3.cloned.1.call-start
scs
__scs_entry_jumppad:
0x0: {  	(pc) =	sbr.rel $0x88, $3  }
0x1: {  	(tag) =	ssettag $0x0;
	lr =	simm.s32 $0x1  }
0x2: {  	[smem:$0x3F9F] =	sst lr;
	_ =	strace $0xD0000000  }
0x3: {  	_ = 	snop  }
0x4: {  	_ = 	snop  }
0x5: {  	_ = 	snop  }
0x6: {  	_ = 	snop  }
0x7: {  	_ = 	snop  }
__scs_overlays_trampoline_lowered:
0x8: {  	[smem:$0x3FAE] =	sst s0  }
0x9: {  	[smem:$0x3FAF] =	sst s1  }
0xa: {  	[smem:$0x3FB0] =	sst s2  }
0xb: {  	[smem:$0x3FB1] =	sst s3  }
0xc: {  	[smem:$0x3FB2] =	sst s4  }
0xd: {  	[smem:$0x3FB3] =	sst s5  }
0xe: {  	[smem:$0x3FB4] =	sst s6  }
0xf: {  	[smem:$0x3FB5] =	sst s7  }
0x10: {  	[smem:$0x3FB6] =	sst s8  }
0x11: {  	[smem:$0x3FB7] =	sst s9;
	s0 =	simm.s32 @!p0 $0x0  }
0x12: {  	s1 =	sld [smem:$0x3F9D];
	s0 =	simm.s32 @p0 $0x1  }
0x13: {  	[smem:$0x3FB8] =	sst s0;
	s0 =	simm.s32 @!p1 $0x0  }
0x14: {  	s2 =	sld [smem:$0x3F9C];
	s0 =	simm.s32 @p1 $0x1  }
0x15: {  	[smem:$0x3FB9] =	sst s0;
	s0 =	simm.s32 @!p2 $0x0  }
0x16: {  	s3 =	sld [smem:$0x3FDB];
	s0 =	simm.s32 @p2 $0x1  }
0x17: {  	s4 =	simm.s32 $0x1BF5;
	[smem:$0x3FBB] =	sst s0  }
0x18: {  	s0 =	sld [smem:$0x3F9E];
	_ =	swait.ge [sflag:s4], $0x0  }
0x19: {  	s7 =	sld [smem:$0x3F9F]  }
0x1a: {  	s8 =	sadd.s32 $0xFFFFE003, lr  }
0x1b: {  	s9 =	sadd.s32 $0xFFFFFEF7, lr;
	s5 =	simm.s32 $0xFFFFFFFF;
	p2 =	slt.u32 s8, $0xFFFFF086  }
0x1c: {  	p1 =	slt.u32 s9, $0xF7A;
	s5 =	simm.s32 @!p2 $0x0  }
0x1d: {  	s5 =	simm.s32 @p1 $0x1;
	p0 =	seq.s32 s7, s2  }
0x1e: {  	s7 =	smul.u32 @!p0 $0xF7A, s2;
	p2 =	seq.s32 @!p0 s5, $0x0  }
0x1f: {  	s9 =	smul.u32 $0xF7A, s1;
	s8 =	simm.s32 @!p0 $0x1BF5;
	p2 =	por !p2, p0  }
0x20: {  	[sflag:s8] =	ssyncset.s32 @!p0 $0xFFFFF086;
	s6 =	sadd.s32 @!p0 s3, s7;
	s7 =	simm.s32 @!p0 $0x108  }
0x21: {  	s3 =	sadd.s32 s3, s9;
	s6 =	sadd.s32 @!p0 $0x88, s6;
	s7 =	simm.s32 @p2 $0x1082  }
0x22: {  	[simem:s7], [sflag:s8] =	dma.local @!p0 [hbm:s6], $0xF7A  }
0x23: {  	s9 =	sor.u32 $0xD0000000, s2;
	s6 =	simm.s32 $0x108;
	_ =	swait.ge @!p0 [sflag:s8], $0x0  }
0x24: {  	s3 =	sadd.s32 $0x88, s3;
	s6 =	simm.s32 @!p1 $0x1082;
	[sflag:s4] =	ssyncset.s32 $0xFFFFF086  }
0x25: {  	[simem:s6], [sflag:s4] =	dma.local [hbm:s3], $0xF7A  }
0x26: {  	[smem:$0x3F9F] =	sst s1;
	(tag) =	ssettag s2;
	_ =	strace s9  }
0x27: {  	s1 =	sld [smem:$0x3FAF]  }
0x28: {  	s2 =	sld [smem:$0x3FB0]  }
0x29: {  	s4 =	sld [smem:$0x3FB2]  }
0x2a: {  	p0 =	seq.s32 s5, $0x0;
	s5 =	sld [smem:$0x3FB3]  }
0x2b: {  	s6 =	sld [smem:$0x3FB4]  }
0x2c: {  	s7 =	sld [smem:$0x3FB5]  }
0x2d: {  	s3 =	simm.s32 $0x108;
	s8 =	sld [smem:$0x3FB6]  }
0x2e: {  	s3 =	simm.s32 @!p0 $0x1082;
	s9 =	sld [smem:$0x3FB7]  }
0x2f: {  	lr =	sadd.s32 s0, s3;
	s0 =	sld [smem:$0x3FAE]  }
0x30: {  	s3 =	sld [smem:$0x3FB1]  }
0x31: {  	[smem:$0x3FBA] =	sst s10  }
0x32: {  	s10 =	sld [smem:$0x3FB8];
	_ =	sdelay $0x3  }
0x33: {  	p0 =	seq.s32 s10, $0x1;
	s10 =	sld [smem:$0x3FBA];
	_ =	sdelay $0x3  }
0x34: {  	[smem:$0x3FBA] =	sst s10  }
0x35: {  	s10 =	sld [smem:$0x3FB9];
	_ =	sdelay $0x3  }
0x36: {  	p1 =	seq.s32 s10, $0x1;
	s10 =	sld [smem:$0x3FBA];
	_ =	sdelay $0x3  }
0x37: {  	[smem:$0x3FBA] =	sst s10  }
0x38: {  	s10 =	sld [smem:$0x3FBB]  }
0x39: {  	_ = 	snop;
	(pc) =	sbr.ind lr, $3  }
0x3a: {  	_ = 	snop  }
0x3b: {  	_ = 	snop  }
0x3c: {  	p2 =	seq.s32 s10, $0x1;
	s10 =	sld [smem:$0x3FBA]  }
0x3d: {  	_ =	shalt  }
0x3e: {  	_ =	shalt  }
0x3f: {  	_ =	shalt  }
0x40: {  	_ =	shalt  }
0x41: {  	_ =	shalt  }
0x42: {  	_ =	shalt  }
0x43: {  	_ =	shalt  }
0x44: {  	_ =	shalt  }
0x45: {  	_ =	shalt  }
0x46: {  	_ =	shalt  }
0x47: {  	_ =	shalt  }
0x48: {  	_ =	shalt  }
0x49: {  	_ =	shalt  }
0x4a: {  	_ =	shalt  }
0x4b: {  	_ =	shalt  }
0x4c: {  	_ =	shalt  }
0x4d: {  	_ =	shalt  }
0x4e: {  	_ =	shalt  }
0x4f: {  	_ =	shalt  }
0x50: {  	_ =	shalt  }
0x51: {  	_ =	shalt  }
0x52: {  	_ =	shalt  }
0x53: {  	_ =	shalt  }
0x54: {  	_ =	shalt  }
0x55: {  	_ =	shalt  }
0x56: {  	_ =	shalt  }
0x57: {  	_ =	shalt  }
0x58: {  	_ =	shalt  }
0x59: {  	_ =	shalt  }
0x5a: {  	_ =	shalt  }
0x5b: {  	_ =	shalt  }
0x5c: {  	_ =	shalt  }
0x5d: {  	_ =	shalt  }
0x5e: {  	_ =	shalt  }
0x5f: {  	_ =	shalt  }
0x60: {  	_ =	shalt  }
0x61: {  	_ =	shalt  }
0x62: {  	_ =	shalt  }
0x63: {  	_ =	shalt  }
0x64: {  	_ =	shalt  }
0x65: {  	_ =	shalt  }
0x66: {  	_ =	shalt  }
0x67: {  	_ =	shalt  }
0x68: {  	_ =	shalt  }
0x69: {  	_ =	shalt  }
0x6a: {  	_ =	shalt  }
0x6b: {  	_ =	shalt  }
0x6c: {  	_ =	shalt  }
0x6d: {  	_ =	shalt  }
0x6e: {  	_ =	shalt  }
0x6f: {  	_ =	shalt  }
0x70: {  	_ =	shalt  }
0x71: {  	_ =	shalt  }
0x72: {  	_ =	shalt  }
0x73: {  	_ =	shalt  }
0x74: {  	_ =	shalt  }
0x75: {  	_ =	shalt  }
0x76: {  	_ =	shalt  }
0x77: {  	_ =	shalt  }
0x78: {  	_ =	shalt  }
0x79: {  	_ =	shalt  }
0x7a: {  	_ =	shalt  }
0x7b: {  	_ =	shalt  }
0x7c: {  	_ =	shalt  }
0x7d: {  	_ =	shalt  }
0x7e: {  	_ =	shalt  }
0x7f: {  	_ =	shalt  }
0x80: {  	_ =	shalt  }
0x81: {  	_ =	shalt  }
0x82: {  	_ =	shalt  }
0x83: {  	_ =	shalt  }
0x84: {  	_ =	shalt  }
0x85: {  	_ =	shalt  }
0x86: {  	_ =	shalt  }
0x87: {  	_ =	shalt  }
.Lfunc_end0:
.L_simem_size_0:
called_computation_lowered:
.L_overlay_start_0:
0x88: {  	s2 =	sld [smem:$0x3FD9]  }
0x89: {  	s3 =	sld [smem:$0x3FFE];
	_ =	sdelay $0x1  }
0x8a: {  	s1 =	srdreg.scid  }
0x8b: {  	s0 =	sand.u32 $0x1, s1  }
0x8c: {  	s17 =	sshll.u32 s0, $0xA;
	s2 =	sadd.s32 s3, s2  }
0x8d: {  	s2 =	sadd.s32 s2, s17  }
0x8e: {  	[smem:$0x3FC6] =	sst s2  }
0x8f: {  	_ = 	snop  }
0x90: {  	s2 =	sld [smem:$0x3FC8]  }
0x91: {  	s18 =	sld [smem:$0x3FD0];
	(tm) =	ssettm $0x1  }
0x92: {  	s4 =	sld [smem:$0x3FFB];
	_ =	sdelay $0x3  }
0x93: {  	_ =	strace s4  }
0x94: {  	s4 =	sld [smem:$0x3FFC];
	_ =	sdelay $0x3  }
0x95: {  	_ =	strace s4  }
0x96: {  	s4 =	sld [smem:$0x3FFD];
	_ =	sdelay $0x3  }
0x97: {  	_ =	strace s4  }
0x98: {  	_ =	strace $0x8FFFFFFF  }
0x99: {  	s19 =	sld [smem:$0x3FDB];
	_ =	sdelay $0x1  }
0x9a: {  	s5 =	simm.s32 $_scs_section_size  }
0x9b: {  	s6 =	simm.s32 $_size__tile_overlayer_lowered;
	s7 =	simm.s32 $_tile_overlayer_lowered  }
0x9c: {  	s22 =	simm.s32 $0x1BFF;
	s21 =	sshll.u32 s7, $0x1;
	s4 =	sadd.s32 s5, s19  }
0x9d: {  	s8 =	simm.s32 $0x0;
	s20 =	sshll.u32 s6, $0x1;
	s6 =	sadd.s32 s21, s4  }
0x9e: {  	[timem:s8], [sflag:s22] =	dma.local [hbm:s6], s20  }
0x9f: {  	_ =	swait.ge [sflag:s22], s20  }
0xa0: {  	s5 =	ssub.s32 $0x0, s20;
	[sflag:s22] =	ssyncset.done $0x0  }
0xa1: {  	[sflag:s22] =	ssyncadd.s32 s5;
	_ =	sdelay $0x1  }
0xa2: {  	s23 =	simm.s32 $0x1B8B  }
0xa3: {  	_ =	swait.ge [sflag:s23], $0x1  }
0xa4: {  	[sflag:s23] =	ssyncset.done $0x0  }
0xa5: {  	s25 =	simm.s32 $0x1B8E;
	s24 =	sld [smem:$0x3FFE];
	[sflag:s23] =	ssyncadd.s32 $0xFFFFFFFF  }
0xa6: {  	s26 =	simm.s32 $execute0_lowered;
	[smem:$0x3FD2] =	sst s25  }
0xa7: {  	s6 =	sshll.u32 s26, $0x1;
	_ =	strace $0x80000046;
	[dreg:$0x1] =	wrdreg $0xFFFFFFFF  }
0xa8: {  	s28 =	simm.s32 $_size_execute0_lowered;
	s4 =	sadd.s32 s4, s6;
	[dreg:$0x0] =	wrdreg $0x0  }
0xa9: {  	s6 =	sshll.u32 s28, $0x1;
	[dreg:$0x2] =	wrdreg s4  }
0xaa: {  	[dreg:$0x3] =	wrdreg s6  }
0xab: {  	[dreg:$0x4] =	wrdreg $0xC0  }
0xac: {  	_ =	task [dreg:s8], $0x5FFFF  }
0xad: {  	[dreg:$0x1] =	wrdreg $0xFFFFFFFF  }
0xae: {  	[dreg:$0x0] =	wrdreg $0x60  }
0xaf: {  	[dreg:$0x2] =	wrdreg s24  }
0xb0: {  	[dreg:$0x3] =	wrdreg s2  }
0xb1: {  	[dreg:$0x4] =	wrdreg s18  }
0xb2: {  	[dreg:$0x5] =	wrdreg $0x9  }
0xb3: {  	_ =	task.clear_ibuf [dreg:s8], $0x6FFFF;
	_ =	strace $0x90000046  }
0xb4: {  	s29 =	simm.s32 $0x9;
	_ =	strace $0x80000048  }
0xb5: {  	_ =	swait.ge [sflag:s29], $0x1  }
0xb6: {  	[sflag:s29] =	ssyncadd.s32 $0xFFFFFFFF  }
0xb7: {  	_ =	strace $0x90000048  }
0xb8: {  	_ =	sfence  }
0xb9: {  	s30 =	sld [smem:$0x0];
	_ =	sdelay $0x2  }
0xba: {  	s31 =	sshll.u32 s1, $0xD;
	s1 =	sshrl.u32 s1, $0x2  }
0xbb: {  	s3 =	sand.u32 $0x4000, s31;
	s1 =	sadd.s32 s1, s30  }
0xbc: {  	s0 =	sor.u32 s3, s0;
	s1 =	sshll.u32 s1, $0x11  }
0xbd: {  	s0 =	sor.u32 s1, s0  }
0xbe: {  	s0 =	sadd.s32 $0x8F2B, s0  }
0xbf: {  	[sflag:s0] =	ssyncadd.remote.s32 $0x1  }
0xc0: {  	_ =	sfence.sel $0xFFFF  }
0xc1: {  	[dreg:$0x0] =	wrdreg $0xFFFFFFFF;
	(pc) =	sbr.abs _section_cstart, $3  }
0xc2: {  	[dreg:$0x1] =	wrdreg $0xFFFFFFFF  }
0xc3: {  	_ =	task.clear_ibuf [dreg:s8], $0x2FFFF;
	_ =	strace $0x9FFFFFFF  }
0xc4: {  	(tm) =	ssettm $0x7FFFFFFF  }
0xc5: {  	_ =	shalt  }
tec
execute0_lowered:
.L_overlay_start_1:
0x0: {  	(tag) =	ssettag $0x1  }
0x1: {  	s0 =	rddreg [dreg:$0x0]  }
0x2: {  	s2 =	rddreg [dreg:$0x1]  }
0x3: {  	s3 =	rddreg [dreg:$0x2]  }
0x4: {  	s1 =	srdreg.scid;
	s5 =	stileid.u32;
	s4 =	simm.s32 $0x0  }
0x5: {  	s16 =	simm.s32 $0xA800;
	s22 =	simm.s32 $0xC800;
	s28 =	simm.s32 $0x1  }
0x6: {  	s29 =	simm.s32 $0xE800;
	s18 =	simm.s32 $0x10800;
	s24 =	simm.s32 $0x2  }
0x7: {  	s26 =	simm.s32 $0x5;
	s14 =	simm.s32 $0x4;
	s15 =	simm.s32 $0x7  }
0x8: {  	s17 =	simm.s32 $0x0;
	s1 =	sand.u32 $0x1, s1;
	s5 =	sshll.u32 s5, $0x1  }
0x9: {  	[smem:$0x7FF] =	sst s4;
	s9 =	sadd.s32 $0x8000, s3;
	s10 =	sadd.s32 $0x10000, s3  }
0xa: {  	s11 =	sadd.s32 $0x18000, s3;
	s12 =	sadd.s32 $0x20000, s3;
	s6 =	sor.u32 s1, s5  }
0xb: {  	s13 =	sadd.s32 $0x28000, s3;
	_ =	strace $0x80000047;
	s5 =	sshll.u32 s6, $0xA  }
0xc: {  	s1 =	ssub.s32 $0x2, s1;
	s6 =	sshll.u32 s6, $0x8;
	s7 =	sadd.s32 s5, s0  }
0xd: {  	s8 =	sshrl.u32 s1, $0x1;
	s0 =	sadd.s32 s6, s0;
	s30 =	sadd.s32 $0x600, s7  }
0xe: {  	v2 =	vlaneseq.u32;
	s1 =	ssub.s32 s1, s8;
	s0 =	sadd.s32 $0x8600, s0;
	[dreg:$0x4] =	wrdreg s30  }
0xf: {  	vm0 =	vmmov $0xffff;
	v1 =	vshrl.u32 v2, $0x3;
	s8 =	sadd.s32 $0x100, s2;
	s31 =	smax.u32 s1, $0x1;
	[dreg:$0x5] =	wrdreg s0  }
0x10: {  	v0 =	vand.u32 $0x7, v2;
	v2 =	vor.u32 $0x8, v2;
	v1 =	vmul.u32 $0x8, v1;
	s6 =	simm.s32 $0x3;
	s7 =	simm.s32 $0x6;
	[dreg:$0x6] =	wrdreg s31  }
.LBB2_1:
0x11: {  	[dreg:$0x7] =	wrdreg s17  }
0x12: {  	s0 =	rddreg [dreg:$0x4];
	s1 =	simm.s32 $0x9  }
0x13: {  	[tilespmem:s4], [sflag:$0x9] =	stream.linear.gather [hbm4b:s0+s4], $0x2000, $0x38;
	[tilespmem:$0x12800] =	vst v63  }
0x14: {  	_ =	swait.ge [sflag:s1], $0x2000  }
0x15: {  	[sflag:s1] =	ssyncset.done $0x0  }
0x16: {  	s30 =	simm.s32 $0x2000;
	s25 =	rddreg [dreg:$0x5];
	[sflag:s1] =	ssyncadd.s32 $0xFFFFE000  }
0x17: {  	[tilespmem:s30], [sflag:$0x9] =	stream.linear.gather [hbm4b:s25+s4], $0x800, $0x38;
	[tilespmem:$0x12800] =	vst v63  }
0x18: {  	_ =	swait.ge [sflag:s1], $0x800  }
0x19: {  	[sflag:s1] =	ssyncset.done $0x0  }
0x1a: {  	[sflag:s1] =	ssyncadd.s32 $0xFFFFF800  }
0x1b: {  	v3 =	vld [tilespmem:$0x2000];
	_ =	sdelay $0x4  }
0x1c: {  	v4 =	vshll.u32 v3, $0x2  }
0x1d: {  	v3 =	vand.u32 $0x7, v3;
	v4 =	vand.u32 $0xFFFFFFE0, v4  }
0x1e: {  	v3 =	vor.u32 v3, v4  }
0x1f: {  	v4 =	vperm.xlane v3, v0;
	_ =	sdelay $0x1  }
0x20: {  	v4 =	vadd.s32 v1, v4;
	_ =	sdelay $0x1  }
0x21: {  	v3 =	vperm.xlane v3, v2;
	_ =	sdelay $0x1  }
0x22: {  	s19 =	simm.s32 $0x2800;
	v3 =	vadd.s32 v1, v3  }
0x23: {  	[tilespmem:s19], [sflag:$0x1] =	stream.indirect_vreg.gather [hbm4b:s2+s4], $0x80, v4, vm0, $0xb8;
	[tilespmem:$0x12800] =	vst v63  }
0x24: {  	s20 =	simm.s32 $0x3000  }
0x25: {  	[tilespmem:s20], [sflag:$0x1] =	stream.indirect_vreg.gather [hbm4b:s8+s4], $0x80, v4, vm0, $0xb8;
	[tilespmem:$0x12800] =	vst v63  }
0x26: {  	s21 =	simm.s32 $0x3800  }
0x27: {  	[tilespmem:s21], [sflag:$0x1] =	stream.indirect_vreg.gather [hbm4b:s2+s4], $0x80, v3, vm0, $0xb8;
	[tilespmem:$0x12800] =	vst v63  }
0x28: {  	s23 =	simm.s32 $0x4000  }
0x29: {  	[tilespmem:s23], [sflag:$0x1] =	stream.indirect_vreg.gather [hbm4b:s8+s4], $0x80, v3, vm0, $0xb8;
	[tilespmem:$0x12800] =	vst v63  }
0x2a: {  	v3 =	vld [tilespmem:$0x2010];
	_ =	sdelay $0x4  }
0x2b: {  	v59 =	vshll.u32 v3, $0x2  }
0x2c: {  	v3 =	vand.u32 $0x7, v3;
	v4 =	vand.u32 $0xFFFFFFE0, v59  }
0x2d: {  	v3 =	vor.u32 v3, v4  }
0x2e: {  	v4 =	vperm.xlane v3, v0;
	_ =	sdelay $0x1  }
0x2f: {  	v4 =	vadd.s32 v1, v4;
	_ =	sdelay $0x1  }
0x30: {  	v3 =	vperm.xlane v3, v2;
	_ =	sdelay $0x1  }
0x31: {  	s25 =	simm.s32 $0x4800;
	v3 =	vadd.s32 v1, v3  }
0x32: {  	[tilespmem:s25], [sflag:$0x1] =	stream.indirect_vreg.gather [hbm4b:s2+s4], $0x80, v4, vm0, $0xb8;
	[tilespmem:$0x12800] =	vst v63  }
0x33: {  	s30 =	simm.s32 $0x5000  }
0x34: {  	[tilespmem:s30], [sflag:$0x1] =	stream.indirect_vreg.gather [hbm4b:s8+s4], $0x80, v4, vm0, $0xb8;
	[tilespmem:$0x12800] =	vst v63  }
0x35: {  	s1 =	simm.s32 $0x5800  }
0x36: {  	[tilespmem:s1], [sflag:$0x1] =	stream.indirect_vreg.gather [hbm4b:s2+s4], $0x80, v3, vm0, $0xb8;
	[tilespmem:$0x12800] =	vst v63  }
0x37: {  	s17 =	simm.s32 $0x6000  }
0x38: {  	[tilespmem:s17], [sflag:$0x1] =	stream.indirect_vreg.gather [hbm4b:s8+s4], $0x80, v3, vm0, $0xb8;
	[tilespmem:$0x12800] =	vst v63  }
0x39: {  	v3 =	vld [tilespmem:$0x2020];
	_ =	sdelay $0x4  }
0x3a: {  	v60 =	vshll.u32 v3, $0x2  }
0x3b: {  	v3 =	vand.u32 $0x7, v3;
	v4 =	vand.u32 $0xFFFFFFE0, v60  }
0x3c: {  	v3 =	vor.u32 v3, v4  }
0x3d: {  	v4 =	vperm.xlane v3, v0;
	_ =	sdelay $0x1  }
0x3e: {  	v4 =	vadd.s32 v1, v4;
	_ =	sdelay $0x1  }
0x3f: {  	v3 =	vperm.xlane v3, v2;
	_ =	sdelay $0x1  }
0x40: {  	s19 =	simm.s32 $0x6800;
	v3 =	vadd.s32 v1, v3  }
0x41: {  	[tilespmem:s19], [sflag:$0x2] =	stream.indirect_vreg.gather [hbm4b:s2+s4], $0x80, v4, vm0, $0xb8;
	[tilespmem:$0x12800] =	vst v63  }
0x42: {  	s20 =	simm.s32 $0x7000  }
0x43: {  	[tilespmem:s20], [sflag:$0x2] =	stream.indirect_vreg.gather [hbm4b:s8+s4], $0x80, v4, vm0, $0xb8;
	[tilespmem:$0x12800] =	vst v63  }
0x44: {  	s21 =	simm.s32 $0x7800  }
0x45: {  	[tilespmem:s21], [sflag:$0x2] =	stream.indirect_vreg.gather [hbm4b:s2+s4], $0x80, v3, vm0, $0xb8;
	[tilespmem:$0x12800] =	vst v63  }
0x46: {  	s23 =	simm.s32 $0x8000  }
0x47: {  	[tilespmem:s23], [sflag:$0x2] =	stream.indirect_vreg.gather [hbm4b:s8+s4], $0x80, v3, vm0, $0xb8;
	[tilespmem:$0x12800] =	vst v63  }
0x48: {  	v3 =	vld [tilespmem:$0x2030];
	_ =	sdelay $0x4  }
0x49: {  	v61 =	vshll.u32 v3, $0x2  }
0x4a: {  	v3 =	vand.u32 $0x7, v3;
	v4 =	vand.u32 $0xFFFFFFE0, v61  }
0x4b: {  	v3 =	vor.u32 v3, v4  }
0x4c: {  	v4 =	vperm.xlane v3, v0;
	_ =	sdelay $0x1  }
0x4d: {  	v4 =	vadd.s32 v1, v4;
	_ =	sdelay $0x1  }
0x4e: {  	v3 =	vperm.xlane v3, v2;
	_ =	sdelay $0x1  }
0x4f: {  	s25 =	simm.s32 $0x8800;
	v3 =	vadd.s32 v1, v3  }
0x50: {  	[tilespmem:s25], [sflag:$0x2] =	stream.indirect_vreg.gather [hbm4b:s2+s4], $0x80, v4, vm0, $0xb8;
	[tilespmem:$0x12800] =	vst v63  }
0x51: {  	s30 =	simm.s32 $0x9000  }
0x52: {  	[tilespmem:s30], [sflag:$0x2] =	stream.indirect_vreg.gather [hbm4b:s8+s4], $0x80, v4, vm0, $0xb8;
	[tilespmem:$0x12800] =	vst v63  }
0x53: {  	s1 =	simm.s32 $0x9800  }
0x54: {  	[tilespmem:s1], [sflag:$0x2] =	stream.indirect_vreg.gather [hbm4b:s2+s4], $0x80, v3, vm0, $0xb8;
	[tilespmem:$0x12800] =	vst v63  }
0x55: {  	s17 =	simm.s32 $0xA000  }
0x56: {  	[tilespmem:s17], [sflag:$0x2] =	stream.indirect_vreg.gather [hbm4b:s8+s4], $0x80, v3, vm0, $0xb8;
	[tilespmem:$0x12800] =	vst v63  }
0x57: {  	v3 =	vld [tilespmem:$0x2040];
	_ =	sdelay $0x4  }
0x58: {  	v62 =	vshll.u32 v3, $0x2  }
0x59: {  	v3 =	vand.u32 $0x7, v3;
	v4 =	vand.u32 $0xFFFFFFE0, v62  }
0x5a: {  	v3 =	vor.u32 v3, v4  }
0x5b: {  	v4 =	vperm.xlane v3, v0;
	_ =	sdelay $0x1  }
0x5c: {  	v4 =	vadd.s32 v1, v4;
	_ =	sdelay $0x1  }
0x5d: {  	v3 =	vperm.xlane v3, v2;
	_ =	sdelay $0x1  }
0x5e: {  	v3 =	vadd.s32 v1, v3  }
0x5f: {  	[tilespmem:s16], [sflag:$0x3] =	stream.indirect_vreg.gather [hbm4b:s2+s4], $0x80, v4, vm0, $0xb8;
	[tilespmem:$0x12800] =	vst v63  }
0x60: {  	s19 =	simm.s32 $0xB000  }
0x61: {  	[tilespmem:s19], [sflag:$0x3] =	stream.indirect_vreg.gather [hbm4b:s8+s4], $0x80, v4, vm0, $0xb8;
	[tilespmem:$0x12800] =	vst v63  }
0x62: {  	s20 =	simm.s32 $0xB800  }
0x63: {  	[tilespmem:s20], [sflag:$0x3] =	stream.indirect_vreg.gather [hbm4b:s2+s4], $0x80, v3, vm0, $0xb8;
	[tilespmem:$0x12800] =	vst v63  }
0x64: {  	s21 =	simm.s32 $0xC000  }
0x65: {  	[tilespmem:s21], [sflag:$0x3] =	stream.indirect_vreg.gather [hbm4b:s8+s4], $0x80, v3, vm0, $0xb8;
	[tilespmem:$0x12800] =	vst v63  }
0x66: {  	v3 =	vld [tilespmem:$0x2050];
	_ =	sdelay $0x4  }
0x67: {  	v63 =	vshll.u32 v3, $0x2  }
0x68: {  	v3 =	vand.u32 $0x7, v3;
	v4 =	vand.u32 $0xFFFFFFE0, v63  }
0x69: {  	v3 =	vor.u32 v3, v4  }
0x6a: {  	v4 =	vperm.xlane v3, v0;
	_ =	sdelay $0x1  }
0x6b: {  	v4 =	vadd.s32 v1, v4;
	_ =	sdelay $0x1  }
0x6c: {  	v3 =	vperm.xlane v3, v2;
	_ =	sdelay $0x1  }
0x6d: {  	v3 =	vadd.s32 v1, v3  }
0x6e: {  	[tilespmem:s22], [sflag:$0x3] =	stream.indirect_vreg.gather [hbm4b:s2+s4], $0x80, v4, vm0, $0xb8;
	[tilespmem:$0x12800] =	vst v63  }
0x6f: {  	s23 =	simm.s32 $0xD000  }
0x70: {  	[tilespmem:s23], [sflag:$0x3] =	stream.indirect_vreg.gather [hbm4b:s8+s4], $0x80, v4, vm0, $0xb8;
	[tilespmem:$0x12800] =	vst v63  }
0x71: {  	s25 =	simm.s32 $0xD800  }
0x72: {  	[tilespmem:s25], [sflag:$0x3] =	stream.indirect_vreg.gather [hbm4b:s2+s4], $0x80, v3, vm0, $0xb8;
	[tilespmem:$0x12800] =	vst v63  }
0x73: {  	s31 =	simm.s32 $0x0;
	s30 =	simm.s32 $0xE000  }
0x74: {  	[tilespmem:s30], [sflag:$0x3] =	stream.indirect_vreg.gather [hbm4b:s8+s4], $0x80, v3, vm0, $0xb8;
	[tilespmem:$0x12800] =	vst v63  }
.LBB2_2:
0x75: {  	_ =	swait.ge [sflag:s28], $0x4000  }
0x76: {  	p0 =	seq.s32 s31, $0x0;
	[sflag:s28] =	ssyncset.done $0x0  }
0x77: {  	s1 =	simm.s32 @!p0 $0x8;
	[sflag:s28] =	ssyncadd.s32 $0xFFFFC000  }
0x78: {  	_ =	swait.ge @!p0 [sflag:s1], $0x2000  }
0x79: {  	[sflag:s1] =	ssyncset.done @!p0 $0x0  }
0x7a: {  	[sflag:s1] =	ssyncadd.s32 @!p0 $0xFFFFE000  }
0x7b: {  	s0 =	sshllo.u32 s31, $0x2;
	_ =	swait.ge @!p0 [sflag:s1], $0x2000  }
0x7c: {  	s17 =	sshll.u32 s0, $0x5;
	[sflag:s1] =	ssyncset.done @!p0 $0x0  }
0x7d: {  	s23 =	sand.u32 $0x3FFFFFE0, s17;
	[sflag:s1] =	ssyncadd.s32 @!p0 $0xFFFFE000  }
0x7e: {  	v3 =	vld [tilespmem:s23+$0x2000];
	_ =	sdelay $0x4  }
0x7f: {  	v4 =	vshll.u32 v3, $0x2  }
0x80: {  	v3 =	vand.u32 $0x7, v3;
	v4 =	vand.u32 $0xFFFFFFE0, v4  }
0x81: {  	v3 =	vor.u32 v3, v4  }
0x82: {  	v4 =	vperm.xlane v3, v0;
	_ =	sdelay $0x1  }
0x83: {  	v4 =	vadd.s32 v1, v4;
	_ =	sdelay $0x1  }
0x84: {  	v3 =	vperm.xlane v3, v2;
	_ =	sdelay $0x1  }
0x85: {  	s17 =	simm.s32 $0x0;
	v3 =	vadd.s32 v1, v3  }
0x86: {  	[tilespmem:s29], [sflag:$0x4] =	stream.indirect_vreg.gather [hbm4b:s2+s17], $0x80, v4, vm0, $0xb8;
	[tilespmem:$0x12800] =	vst v63  }
0x87: {  	s19 =	simm.s32 $0xF000  }
0x88: {  	[tilespmem:s19], [sflag:$0x4] =	stream.indirect_vreg.gather [hbm4b:s8+s17], $0x80, v4, vm0, $0xb8;
	[tilespmem:$0x12800] =	vst v63  }
0x89: {  	s25 =	simm.s32 $0xF800  }
0x8a: {  	[tilespmem:s25], [sflag:$0x4] =	stream.indirect_vreg.gather [hbm4b:s2+s17], $0x80, v3, vm0, $0xb8;
	[tilespmem:$0x12800] =	vst v63  }
0x8b: {  	s30 =	simm.s32 $0x10000  }
0x8c: {  	[tilespmem:s30], [sflag:$0x4] =	stream.indirect_vreg.gather [hbm4b:s8+s17], $0x80, v3, vm0, $0xb8;
	[tilespmem:$0x12800] =	vst v63  }
0x8d: {  	v3 =	vld [tilespmem:s23+$0x2010];
	_ =	sdelay $0x4  }
0x8e: {  	v4 =	vshll.u32 v3, $0x2  }
0x8f: {  	v3 =	vand.u32 $0x7, v3;
	v4 =	vand.u32 $0xFFFFFFE0, v4  }
0x90: {  	v3 =	vor.u32 v3, v4  }
0x91: {  	v4 =	vperm.xlane v3, v0;
	_ =	sdelay $0x1  }
0x92: {  	v4 =	vadd.s32 v1, v4;
	_ =	sdelay $0x1  }
0x93: {  	v3 =	vperm.xlane v3, v2;
	_ =	sdelay $0x1  }
0x94: {  	v3 =	vadd.s32 v1, v3  }
0x95: {  	[tilespmem:s18], [sflag:$0x4] =	stream.indirect_vreg.gather [hbm4b:s2+s17], $0x80, v4, vm0, $0xb8;
	[tilespmem:$0x12800] =	vst v63  }
0x96: {  	s20 =	simm.s32 $0x11000  }
0x97: {  	[tilespmem:s20], [sflag:$0x4] =	stream.indirect_vreg.gather [hbm4b:s8+s17], $0x80, v4, vm0, $0xb8;
	[tilespmem:$0x12800] =	vst v63  }
0x98: {  	s21 =	simm.s32 $0x11800  }
0x99: {  	[tilespmem:s21], [sflag:$0x4] =	stream.indirect_vreg.gather [hbm4b:s2+s17], $0x80, v3, vm0, $0xb8;
	[tilespmem:$0x12800] =	vst v63  }
0x9a: {  	s25 =	sand.u32 $0x3000, s17;
	s30 =	sand.u32 $0x380, s17;
	s23 =	simm.s32 $0x12000  }
0x9b: {  	[tilespmem:s23], [sflag:$0x4] =	stream.indirect_vreg.gather [hbm4b:s8+s17], $0x80, v3, vm0, $0xb8;
	[tilespmem:$0x12800] =	vst v63  }
0x9c: {  	s1 =	sor.u32 s30, s25;
	s17 =	sand.u32 $0x1000, s17  }
0x9d: {  	s17 =	sor.u32 s30, s17;
	v3 =	vld [tilespmem:s1+$0x2800]  }
0x9e: {  	v4 =	vld [tilespmem:s17+$0x0];
	_ =	sdelay $0x4  }
0x9f: {  	v3 =	vadd.f32 v4, v3;
	_ =	sdelay $0x1  }
0xa0: {  	[tilespmem:s1+$0x2800] =	vst v3;
	v3 =	vld [tilespmem:s1+$0x2810]  }
0xa1: {  	v4 =	vld [tilespmem:s17+$0x10];
	_ =	sdelay $0x4  }
0xa2: {  	v3 =	vadd.f32 v4, v3;
	_ =	sdelay $0x1  }
0xa3: {  	[tilespmem:s1+$0x2810] =	vst v3;
	v3 =	vld [tilespmem:s1+$0x2820]  }
0xa4: {  	v4 =	vld [tilespmem:s17+$0x20];
	_ =	sdelay $0x4  }
0xa5: {  	v3 =	vadd.f32 v4, v3;
	_ =	sdelay $0x1  }
0xa6: {  	[tilespmem:s1+$0x2820] =	vst v3;
	v3 =	vld [tilespmem:s1+$0x2830]  }
0xa7: {  	v4 =	vld [tilespmem:s17+$0x30];
	_ =	sdelay $0x4  }
0xa8: {  	v3 =	vadd.f32 v4, v3;
	_ =	sdelay $0x1  }
0xa9: {  	[tilespmem:s1+$0x2830] =	vst v3;
	v3 =	vld [tilespmem:s1+$0x2840]  }
0xaa: {  	v4 =	vld [tilespmem:s17+$0x40];
	_ =	sdelay $0x4  }
0xab: {  	v3 =	vadd.f32 v4, v3;
	_ =	sdelay $0x1  }
0xac: {  	[tilespmem:s1+$0x2840] =	vst v3;
	v3 =	vld [tilespmem:s1+$0x2850]  }
0xad: {  	v4 =	vld [tilespmem:s17+$0x50];
	_ =	sdelay $0x4  }
0xae: {  	v3 =	vadd.f32 v4, v3;
	_ =	sdelay $0x1  }
0xaf: {  	[tilespmem:s1+$0x2850] =	vst v3;
	v3 =	vld [tilespmem:s1+$0x2860]  }
0xb0: {  	v4 =	vld [tilespmem:s17+$0x60];
	_ =	sdelay $0x4  }
0xb1: {  	v3 =	vadd.f32 v4, v3;
	_ =	sdelay $0x1  }
0xb2: {  	[tilespmem:s1+$0x2860] =	vst v3;
	v3 =	vld [tilespmem:s1+$0x2870]  }
0xb3: {  	v4 =	vld [tilespmem:s17+$0x70];
	_ =	sdelay $0x4  }
0xb4: {  	v3 =	vadd.f32 v4, v3;
	_ =	sdelay $0x1  }
0xb5: {  	[tilespmem:s1+$0x2870] =	vst v3;
	v3 =	vld [tilespmem:s1+$0x2C00]  }
0xb6: {  	v4 =	vld [tilespmem:s17+$0x400];
	_ =	sdelay $0x4  }
0xb7: {  	v3 =	vadd.f32 v4, v3;
	_ =	sdelay $0x1  }
0xb8: {  	[tilespmem:s1+$0x2C00] =	vst v3;
	v3 =	vld [tilespmem:s1+$0x2C10]  }
0xb9: {  	v4 =	vld [tilespmem:s17+$0x410];
	_ =	sdelay $0x4  }
0xba: {  	v3 =	vadd.f32 v4, v3;
	_ =	sdelay $0x1  }
0xbb: {  	[tilespmem:s1+$0x2C10] =	vst v3;
	v3 =	vld [tilespmem:s1+$0x2C20]  }
0xbc: {  	v4 =	vld [tilespmem:s17+$0x420];
	_ =	sdelay $0x4  }
0xbd: {  	v3 =	vadd.f32 v4, v3;
	_ =	sdelay $0x1  }
0xbe: {  	[tilespmem:s1+$0x2C20] =	vst v3;
	v3 =	vld [tilespmem:s1+$0x2C30]  }
0xbf: {  	v4 =	vld [tilespmem:s17+$0x430];
	_ =	sdelay $0x4  }
0xc0: {  	v3 =	vadd.f32 v4, v3;
	_ =	sdelay $0x1  }
0xc1: {  	[tilespmem:s1+$0x2C30] =	vst v3;
	v3 =	vld [tilespmem:s1+$0x2C40]  }
0xc2: {  	v4 =	vld [tilespmem:s17+$0x440];
	_ =	sdelay $0x4  }
0xc3: {  	v3 =	vadd.f32 v4, v3;
	_ =	sdelay $0x1  }
0xc4: {  	[tilespmem:s1+$0x2C40] =	vst v3;
	v3 =	vld [tilespmem:s1+$0x2C50]  }
0xc5: {  	v4 =	vld [tilespmem:s17+$0x450];
	_ =	sdelay $0x4  }
0xc6: {  	v3 =	vadd.f32 v4, v3;
	_ =	sdelay $0x1  }
0xc7: {  	[tilespmem:s1+$0x2C50] =	vst v3;
	v3 =	vld [tilespmem:s1+$0x2C60]  }
0xc8: {  	v4 =	vld [tilespmem:s17+$0x460];
	_ =	sdelay $0x4  }
0xc9: {  	v3 =	vadd.f32 v4, v3;
	_ =	sdelay $0x1  }
0xca: {  	[tilespmem:s1+$0x2C60] =	vst v3;
	v3 =	vld [tilespmem:s1+$0x2C70]  }
0xcb: {  	v4 =	vld [tilespmem:s17+$0x470];
	_ =	sdelay $0x4  }
0xcc: {  	v3 =	vadd.f32 v4, v3;
	_ =	sdelay $0x1  }
0xcd: {  	[tilespmem:s1+$0x2C70] =	vst v3;
	v3 =	vld [tilespmem:s1+$0x3000]  }
0xce: {  	v4 =	vld [tilespmem:s17+$0x800];
	_ =	sdelay $0x4  }
0xcf: {  	v3 =	vadd.f32 v4, v3;
	_ =	sdelay $0x1  }
0xd0: {  	[tilespmem:s1+$0x3000] =	vst v3;
	v3 =	vld [tilespmem:s1+$0x3010]  }
0xd1: {  	v4 =	vld [tilespmem:s17+$0x810];
	_ =	sdelay $0x4  }
0xd2: {  	v3 =	vadd.f32 v4, v3;
	_ =	sdelay $0x1  }
0xd3: {  	[tilespmem:s1+$0x3010] =	vst v3;
	v3 =	vld [tilespmem:s1+$0x3020]  }
0xd4: {  	v4 =	vld [tilespmem:s17+$0x820];
	_ =	sdelay $0x4  }
0xd5: {  	v3 =	vadd.f32 v4, v3;
	_ =	sdelay $0x1  }
0xd6: {  	[tilespmem:s1+$0x3020] =	vst v3;
	v3 =	vld [tilespmem:s1+$0x3030]  }
0xd7: {  	v4 =	vld [tilespmem:s17+$0x830];
	_ =	sdelay $0x4  }
0xd8: {  	v3 =	vadd.f32 v4, v3;
	_ =	sdelay $0x1  }
0xd9: {  	[tilespmem:s1+$0x3030] =	vst v3;
	v3 =	vld [tilespmem:s1+$0x3040]  }
0xda: {  	v4 =	vld [tilespmem:s17+$0x840];
	_ =	sdelay $0x4  }
0xdb: {  	v3 =	vadd.f32 v4, v3;
	_ =	sdelay $0x1  }
0xdc: {  	[tilespmem:s1+$0x3040] =	vst v3;
	v3 =	vld [tilespmem:s1+$0x3050]  }
0xdd: {  	v4 =	vld [tilespmem:s17+$0x850];
	_ =	sdelay $0x4  }
0xde: {  	v3 =	vadd.f32 v4, v3;
	_ =	sdelay $0x1  }
0xdf: {  	[tilespmem:s1+$0x3050] =	vst v3;
	v3 =	vld [tilespmem:s1+$0x3060]  }
0xe0: {  	v4 =	vld [tilespmem:s17+$0x860];
	_ =	sdelay $0x4  }
0xe1: {  	v3 =	vadd.f32 v4, v3;
	_ =	sdelay $0x1  }
0xe2: {  	[tilespmem:s1+$0x3060] =	vst v3;
	v3 =	vld [tilespmem:s1+$0x3070]  }
0xe3: {  	v4 =	vld [tilespmem:s17+$0x870];
	_ =	sdelay $0x4  }
0xe4: {  	v3 =	vadd.f32 v4, v3;
	_ =	sdelay $0x1  }
0xe5: {  	[tilespmem:s1+$0x3070] =	vst v3;
	v3 =	vld [tilespmem:s1+$0x3400]  }
0xe6: {  	v4 =	vld [tilespmem:s17+$0xC00];
	_ =	sdelay $0x4  }
0xe7: {  	v3 =	vadd.f32 v4, v3;
	_ =	sdelay $0x1  }
0xe8: {  	[tilespmem:s1+$0x3400] =	vst v3;
	v3 =	vld [tilespmem:s1+$0x3410]  }
0xe9: {  	v4 =	vld [tilespmem:s17+$0xC10];
	_ =	sdelay $0x4  }
0xea: {  	v3 =	vadd.f32 v4, v3;
	_ =	sdelay $0x1  }
0xeb: {  	[tilespmem:s1+$0x3410] =	vst v3;
	v3 =	vld [tilespmem:s1+$0x3420]  }
0xec: {  	v4 =	vld [tilespmem:s17+$0xC20];
	_ =	sdelay $0x4  }
0xed: {  	v3 =	vadd.f32 v4, v3;
	_ =	sdelay $0x1  }
0xee: {  	[tilespmem:s1+$0x3420] =	vst v3;
	v3 =	vld [tilespmem:s1+$0x3430]  }
0xef: {  	v4 =	vld [tilespmem:s17+$0xC30];
	_ =	sdelay $0x4  }
0xf0: {  	v3 =	vadd.f32 v4, v3;
	_ =	sdelay $0x1  }
0xf1: {  	[tilespmem:s1+$0x3430] =	vst v3;
	v3 =	vld [tilespmem:s1+$0x3440]  }
0xf2: {  	v4 =	vld [tilespmem:s17+$0xC40];
	_ =	sdelay $0x4  }
0xf3: {  	v3 =	vadd.f32 v4, v3;
	_ =	sdelay $0x1  }
0xf4: {  	[tilespmem:s1+$0x3440] =	vst v3;
	v3 =	vld [tilespmem:s1+$0x3450]  }
0xf5: {  	v4 =	vld [tilespmem:s17+$0xC50];
	_ =	sdelay $0x4  }
0xf6: {  	v3 =	vadd.f32 v4, v3;
	_ =	sdelay $0x1  }
0xf7: {  	[tilespmem:s1+$0x3450] =	vst v3;
	v3 =	vld [tilespmem:s1+$0x3460]  }
0xf8: {  	v4 =	vld [tilespmem:s17+$0xC60];
	_ =	sdelay $0x4  }
0xf9: {  	v3 =	vadd.f32 v4, v3;
	_ =	sdelay $0x1  }
0xfa: {  	[tilespmem:s1+$0x3460] =	vst v3;
	v3 =	vld [tilespmem:s1+$0x3470]  }
0xfb: {  	v4 =	vld [tilespmem:s17+$0xC70];
	_ =	sdelay $0x3  }
0xfc: {  	s19 =	simm.s32 $0x80;
	s20 =	simm.s32 $0x200  }
0xfd: {  	s21 =	sand.u32 $0x3000, s20;
	s17 =	sand.u32 $0x380, s19;
	v3 =	vadd.f32 v4, v3  }
0xfe: {  	s23 =	sand.u32 $0x1000, s20;
	s20 =	simm.s32 $0x400;
	s21 =	sor.u32 s17, s21  }
.LBB2_3:
0xff: {  	p0 =	sne.s32 s20, $0x3E00;
	s17 =	sor.u32 s17, s23;
	v4 =	vld [tilespmem:s21+$0x2800];
	[tilespmem:s1+$0x3470] =	vst v3;
	s1 =	smov.u32 s21  }
0x100: {  	v3 =	vld [tilespmem:s17+$0x0];
	_ =	sdelay $0x4  }
0x101: {  	v3 =	vadd.f32 v3, v4;
	_ =	sdelay $0x1  }
0x102: {  	[tilespmem:s1+$0x2800] =	vst v3;
	v3 =	vld [tilespmem:s1+$0x2810]  }
0x103: {  	v4 =	vld [tilespmem:s17+$0x10];
	_ =	sdelay $0x4  }
0x104: {  	v3 =	vadd.f32 v4, v3;
	_ =	sdelay $0x1  }
0x105: {  	[tilespmem:s1+$0x2810] =	vst v3;
	v3 =	vld [tilespmem:s1+$0x2820]  }
0x106: {  	v4 =	vld [tilespmem:s17+$0x20];
	_ =	sdelay $0x4  }
0x107: {  	v3 =	vadd.f32 v4, v3;
	_ =	sdelay $0x1  }
0x108: {  	[tilespmem:s1+$0x2820] =	vst v3;
	v3 =	vld [tilespmem:s1+$0x2830]  }
0x109: {  	v4 =	vld [tilespmem:s17+$0x30];
	_ =	sdelay $0x4  }
0x10a: {  	v3 =	vadd.f32 v4, v3;
	_ =	sdelay $0x1  }
0x10b: {  	[tilespmem:s1+$0x2830] =	vst v3;
	v3 =	vld [tilespmem:s1+$0x2840]  }
0x10c: {  	v4 =	vld [tilespmem:s17+$0x40];
	_ =	sdelay $0x4  }
0x10d: {  	v3 =	vadd.f32 v4, v3;
	_ =	sdelay $0x1  }
0x10e: {  	[tilespmem:s1+$0x2840] =	vst v3;
	v3 =	vld [tilespmem:s1+$0x2850]  }
0x10f: {  	v4 =	vld [tilespmem:s17+$0x50];
	_ =	sdelay $0x4  }
0x110: {  	v3 =	vadd.f32 v4, v3;
	_ =	sdelay $0x1  }
0x111: {  	[tilespmem:s1+$0x2850] =	vst v3;
	v3 =	vld [tilespmem:s1+$0x2860]  }
0x112: {  	v4 =	vld [tilespmem:s17+$0x60];
	_ =	sdelay $0x4  }
0x113: {  	v3 =	vadd.f32 v4, v3;
	_ =	sdelay $0x1  }
0x114: {  	[tilespmem:s1+$0x2860] =	vst v3;
	v3 =	vld [tilespmem:s1+$0x2870]  }
0x115: {  	v4 =	vld [tilespmem:s17+$0x70];
	_ =	sdelay $0x4  }
0x116: {  	v3 =	vadd.f32 v4, v3;
	_ =	sdelay $0x1  }
0x117: {  	[tilespmem:s1+$0x2870] =	vst v3;
	v3 =	vld [tilespmem:s1+$0x2C00]  }
0x118: {  	v4 =	vld [tilespmem:s17+$0x400];
	_ =	sdelay $0x4  }
0x119: {  	v3 =	vadd.f32 v4, v3;
	_ =	sdelay $0x1  }
0x11a: {  	[tilespmem:s1+$0x2C00] =	vst v3;
	v3 =	vld [tilespmem:s1+$0x2C10]  }
0x11b: {  	v4 =	vld [tilespmem:s17+$0x410];
	_ =	sdelay $0x4  }
0x11c: {  	v3 =	vadd.f32 v4, v3;
	_ =	sdelay $0x1  }
0x11d: {  	[tilespmem:s1+$0x2C10] =	vst v3;
	v3 =	vld [tilespmem:s1+$0x2C20]  }
0x11e: {  	v4 =	vld [tilespmem:s17+$0x420];
	_ =	sdelay $0x4  }
0x11f: {  	v3 =	vadd.f32 v4, v3;
	_ =	sdelay $0x1  }
0x120: {  	[tilespmem:s1+$0x2C20] =	vst v3;
	v3 =	vld [tilespmem:s1+$0x2C30]  }
0x121: {  	v4 =	vld [tilespmem:s17+$0x430];
	_ =	sdelay $0x4  }
0x122: {  	v3 =	vadd.f32 v4, v3;
	_ =	sdelay $0x1  }
0x123: {  	[tilespmem:s1+$0x2C30] =	vst v3;
	v3 =	vld [tilespmem:s1+$0x2C40]  }
0x124: {  	v4 =	vld [tilespmem:s17+$0x440];
	_ =	sdelay $0x4  }
0x125: {  	v3 =	vadd.f32 v4, v3;
	_ =	sdelay $0x1  }
0x126: {  	[tilespmem:s1+$0x2C40] =	vst v3;
	v3 =	vld [tilespmem:s1+$0x2C50]  }
0x127: {  	v4 =	vld [tilespmem:s17+$0x450];
	_ =	sdelay $0x4  }
0x128: {  	v3 =	vadd.f32 v4, v3;
	_ =	sdelay $0x1  }
0x129: {  	[tilespmem:s1+$0x2C50] =	vst v3;
	v3 =	vld [tilespmem:s1+$0x2C60]  }
0x12a: {  	v4 =	vld [tilespmem:s17+$0x460];
	_ =	sdelay $0x4  }
0x12b: {  	v3 =	vadd.f32 v4, v3;
	_ =	sdelay $0x1  }
0x12c: {  	[tilespmem:s1+$0x2C60] =	vst v3;
	v3 =	vld [tilespmem:s1+$0x2C70]  }
0x12d: {  	v4 =	vld [tilespmem:s17+$0x470];
	_ =	sdelay $0x4  }
0x12e: {  	v3 =	vadd.f32 v4, v3;
	_ =	sdelay $0x1  }
0x12f: {  	[tilespmem:s1+$0x2C70] =	vst v3;
	v3 =	vld [tilespmem:s1+$0x3000]  }
0x130: {  	v4 =	vld [tilespmem:s17+$0x800];
	_ =	sdelay $0x4  }
0x131: {  	v3 =	vadd.f32 v4, v3;
	_ =	sdelay $0x1  }
0x132: {  	[tilespmem:s1+$0x3000] =	vst v3;
	v3 =	vld [tilespmem:s1+$0x3010]  }
0x133: {  	v4 =	vld [tilespmem:s17+$0x810];
	_ =	sdelay $0x4  }
0x134: {  	v3 =	vadd.f32 v4, v3;
	_ =	sdelay $0x1  }
0x135: {  	[tilespmem:s1+$0x3010] =	vst v3;
	v3 =	vld [tilespmem:s1+$0x3020]  }
0x136: {  	v4 =	vld [tilespmem:s17+$0x820];
	_ =	sdelay $0x4  }
0x137: {  	v3 =	vadd.f32 v4, v3;
	_ =	sdelay $0x1  }
0x138: {  	[tilespmem:s1+$0x3020] =	vst v3;
	v3 =	vld [tilespmem:s1+$0x3030]  }
0x139: {  	v4 =	vld [tilespmem:s17+$0x830];
	_ =	sdelay $0x4  }
0x13a: {  	v3 =	vadd.f32 v4, v3;
	_ =	sdelay $0x1  }
0x13b: {  	[tilespmem:s1+$0x3030] =	vst v3;
	v3 =	vld [tilespmem:s1+$0x3040]  }
0x13c: {  	v4 =	vld [tilespmem:s17+$0x840];
	_ =	sdelay $0x4  }
0x13d: {  	v3 =	vadd.f32 v4, v3;
	_ =	sdelay $0x1  }
0x13e: {  	[tilespmem:s1+$0x3040] =	vst v3;
	v3 =	vld [tilespmem:s1+$0x3050]  }
0x13f: {  	v4 =	vld [tilespmem:s17+$0x850];
	_ =	sdelay $0x4  }
0x140: {  	v3 =	vadd.f32 v4, v3;
	_ =	sdelay $0x1  }
0x141: {  	[tilespmem:s1+$0x3050] =	vst v3;
	v3 =	vld [tilespmem:s1+$0x3060]  }
0x142: {  	v4 =	vld [tilespmem:s17+$0x860];
	_ =	sdelay $0x4  }
0x143: {  	v3 =	vadd.f32 v4, v3;
	_ =	sdelay $0x1  }
0x144: {  	[tilespmem:s1+$0x3060] =	vst v3;
	v3 =	vld [tilespmem:s1+$0x3070]  }
0x145: {  	v4 =	vld [tilespmem:s17+$0x870];
	_ =	sdelay $0x4  }
0x146: {  	v3 =	vadd.f32 v4, v3;
	_ =	sdelay $0x1  }
0x147: {  	[tilespmem:s1+$0x3070] =	vst v3;
	v3 =	vld [tilespmem:s1+$0x3400]  }
0x148: {  	v4 =	vld [tilespmem:s17+$0xC00];
	_ =	sdelay $0x4  }
0x149: {  	v3 =	vadd.f32 v4, v3;
	_ =	sdelay $0x1  }
0x14a: {  	[tilespmem:s1+$0x3400] =	vst v3;
	v3 =	vld [tilespmem:s1+$0x3410]  }
0x14b: {  	v4 =	vld [tilespmem:s17+$0xC10];
	_ =	sdelay $0x4  }
0x14c: {  	v3 =	vadd.f32 v4, v3;
	_ =	sdelay $0x1  }
0x14d: {  	[tilespmem:s1+$0x3410] =	vst v3;
	v3 =	vld [tilespmem:s1+$0x3420]  }
0x14e: {  	v4 =	vld [tilespmem:s17+$0xC20];
	_ =	sdelay $0x4  }
0x14f: {  	v3 =	vadd.f32 v4, v3;
	_ =	sdelay $0x1  }
0x150: {  	[tilespmem:s1+$0x3420] =	vst v3;
	v3 =	vld [tilespmem:s1+$0x3430]  }
0x151: {  	v4 =	vld [tilespmem:s17+$0xC30];
	_ =	sdelay $0x4  }
0x152: {  	v3 =	vadd.f32 v4, v3;
	_ =	sdelay $0x1  }
0x153: {  	[tilespmem:s1+$0x3430] =	vst v3;
	v3 =	vld [tilespmem:s1+$0x3440]  }
0x154: {  	v4 =	vld [tilespmem:s17+$0xC40];
	_ =	sdelay $0x4  }
0x155: {  	v3 =	vadd.f32 v4, v3;
	_ =	sdelay $0x1  }
0x156: {  	[tilespmem:s1+$0x3440] =	vst v3;
	v3 =	vld [tilespmem:s1+$0x3450]  }
0x157: {  	v4 =	vld [tilespmem:s17+$0xC50];
	_ =	sdelay $0x4  }
0x158: {  	v3 =	vadd.f32 v4, v3;
	_ =	sdelay $0x1  }
0x159: {  	[tilespmem:s1+$0x3450] =	vst v3;
	v3 =	vld [tilespmem:s1+$0x3460]  }
0x15a: {  	v4 =	vld [tilespmem:s17+$0xC60];
	_ =	sdelay $0x4  }
0x15b: {  	v3 =	vadd.f32 v4, v3;
	_ =	sdelay $0x1  }
0x15c: {  	[tilespmem:s1+$0x3460] =	vst v3;
	v3 =	vld [tilespmem:s1+$0x3470]  }
0x15d: {  	v4 =	vld [tilespmem:s17+$0xC70];
	_ =	sdelay $0x1  }
.Ltmp0:
0x15e: {  	(pc) =	sbr.rel @p0 .LBB2_3-.Ltmp0, $4  }
0x15f: {  	_ = 	snop  }
0x160: {  	s19 =	sadd.s32 $0x80, s19  }
0x161: {  	s21 =	sand.u32 $0x3000, s20;
	s17 =	sand.u32 $0x380, s19;
	v3 =	vadd.f32 v4, v3  }
0x162: {  	s23 =	sand.u32 $0x1000, s20;
	s20 =	sadd.s32 $0x200, s20;
	s21 =	sor.u32 s17, s21  }
0x163: {  	s17 =	sor.u32 s17, s23;
	v4 =	vld [tilespmem:s21+$0x2800];
	[tilespmem:s1+$0x3470] =	vst v3  }
0x164: {  	v3 =	vld [tilespmem:s17+$0x0];
	_ =	sdelay $0x4  }
0x165: {  	v3 =	vadd.f32 v3, v4;
	_ =	sdelay $0x1  }
0x166: {  	[tilespmem:s21+$0x2800] =	vst v3;
	v3 =	vld [tilespmem:s21+$0x2810]  }
0x167: {  	v4 =	vld [tilespmem:s17+$0x10];
	_ =	sdelay $0x4  }
0x168: {  	v3 =	vadd.f32 v4, v3;
	_ =	sdelay $0x1  }
0x169: {  	[tilespmem:s21+$0x2810] =	vst v3;
	v3 =	vld [tilespmem:s21+$0x2820]  }
0x16a: {  	v4 =	vld [tilespmem:s17+$0x20];
	_ =	sdelay $0x4  }
0x16b: {  	v3 =	vadd.f32 v4, v3;
	_ =	sdelay $0x1  }
0x16c: {  	[tilespmem:s21+$0x2820] =	vst v3;
	v3 =	vld [tilespmem:s21+$0x2830]  }
0x16d: {  	v4 =	vld [tilespmem:s17+$0x30];
	_ =	sdelay $0x4  }
0x16e: {  	v3 =	vadd.f32 v4, v3;
	_ =	sdelay $0x1  }
0x16f: {  	[tilespmem:s21+$0x2830] =	vst v3;
	v3 =	vld [tilespmem:s21+$0x2840]  }
0x170: {  	v4 =	vld [tilespmem:s17+$0x40];
	_ =	sdelay $0x4  }
0x171: {  	v3 =	vadd.f32 v4, v3;
	_ =	sdelay $0x1  }
0x172: {  	[tilespmem:s21+$0x2840] =	vst v3;
	v3 =	vld [tilespmem:s21+$0x2850]  }
0x173: {  	v4 =	vld [tilespmem:s17+$0x50];
	_ =	sdelay $0x4  }
0x174: {  	v3 =	vadd.f32 v4, v3;
	_ =	sdelay $0x1  }
0x175: {  	[tilespmem:s21+$0x2850] =	vst v3;
	v3 =	vld [tilespmem:s21+$0x2860]  }
0x176: {  	v4 =	vld [tilespmem:s17+$0x60];
	_ =	sdelay $0x4  }
0x177: {  	v3 =	vadd.f32 v4, v3;
	_ =	sdelay $0x1  }
0x178: {  	[tilespmem:s21+$0x2860] =	vst v3;
	v3 =	vld [tilespmem:s21+$0x2870]  }
0x179: {  	v4 =	vld [tilespmem:s17+$0x70];
	_ =	sdelay $0x4  }
0x17a: {  	v3 =	vadd.f32 v4, v3;
	_ =	sdelay $0x1  }
0x17b: {  	[tilespmem:s21+$0x2870] =	vst v3;
	v3 =	vld [tilespmem:s21+$0x2C00]  }
0x17c: {  	v4 =	vld [tilespmem:s17+$0x400];
	_ =	sdelay $0x4  }
0x17d: {  	v3 =	vadd.f32 v4, v3;
	_ =	sdelay $0x1  }
0x17e: {  	[tilespmem:s21+$0x2C00] =	vst v3;
	v3 =	vld [tilespmem:s21+$0x2C10]  }
0x17f: {  	v4 =	vld [tilespmem:s17+$0x410];
	_ =	sdelay $0x4  }
0x180: {  	v3 =	vadd.f32 v4, v3;
	_ =	sdelay $0x1  }
0x181: {  	[tilespmem:s21+$0x2C10] =	vst v3;
	v3 =	vld [tilespmem:s21+$0x2C20]  }
0x182: {  	v4 =	vld [tilespmem:s17+$0x420];
	_ =	sdelay $0x4  }
0x183: {  	v3 =	vadd.f32 v4, v3;
	_ =	sdelay $0x1  }
0x184: {  	[tilespmem:s21+$0x2C20] =	vst v3;
	v3 =	vld [tilespmem:s21+$0x2C30]  }
0x185: {  	v4 =	vld [tilespmem:s17+$0x430];
	_ =	sdelay $0x4  }
0x186: {  	v3 =	vadd.f32 v4, v3;
	_ =	sdelay $0x1  }
0x187: {  	[tilespmem:s21+$0x2C30] =	vst v3;
	v3 =	vld [tilespmem:s21+$0x2C40]  }
0x188: {  	v4 =	vld [tilespmem:s17+$0x440];
	_ =	sdelay $0x4  }
0x189: {  	v3 =	vadd.f32 v4, v3;
	_ =	sdelay $0x1  }
0x18a: {  	[tilespmem:s21+$0x2C40] =	vst v3;
	v3 =	vld [tilespmem:s21+$0x2C50]  }
0x18b: {  	v4 =	vld [tilespmem:s17+$0x450];
	_ =	sdelay $0x4  }
0x18c: {  	v3 =	vadd.f32 v4, v3;
	_ =	sdelay $0x1  }
0x18d: {  	[tilespmem:s21+$0x2C50] =	vst v3;
	v3 =	vld [tilespmem:s21+$0x2C60]  }
0x18e: {  	v4 =	vld [tilespmem:s17+$0x460];
	_ =	sdelay $0x4  }
0x18f: {  	v3 =	vadd.f32 v4, v3;
	_ =	sdelay $0x1  }
0x190: {  	[tilespmem:s21+$0x2C60] =	vst v3;
	v3 =	vld [tilespmem:s21+$0x2C70]  }
0x191: {  	v4 =	vld [tilespmem:s17+$0x470];
	_ =	sdelay $0x4  }
0x192: {  	v3 =	vadd.f32 v4, v3;
	_ =	sdelay $0x1  }
0x193: {  	[tilespmem:s21+$0x2C70] =	vst v3;
	v3 =	vld [tilespmem:s21+$0x3000]  }
0x194: {  	v4 =	vld [tilespmem:s17+$0x800];
	_ =	sdelay $0x4  }
0x195: {  	v3 =	vadd.f32 v4, v3;
	_ =	sdelay $0x1  }
0x196: {  	[tilespmem:s21+$0x3000] =	vst v3;
	v3 =	vld [tilespmem:s21+$0x3010]  }
0x197: {  	v4 =	vld [tilespmem:s17+$0x810];
	_ =	sdelay $0x4  }
0x198: {  	v3 =	vadd.f32 v4, v3;
	_ =	sdelay $0x1  }
0x199: {  	[tilespmem:s21+$0x3010] =	vst v3;
	v3 =	vld [tilespmem:s21+$0x3020]  }
0x19a: {  	v4 =	vld [tilespmem:s17+$0x820];
	_ =	sdelay $0x4  }
0x19b: {  	v3 =	vadd.f32 v4, v3;
	_ =	sdelay $0x1  }
0x19c: {  	[tilespmem:s21+$0x3020] =	vst v3;
	v3 =	vld [tilespmem:s21+$0x3030]  }
0x19d: {  	v4 =	vld [tilespmem:s17+$0x830];
	_ =	sdelay $0x4  }
0x19e: {  	v3 =	vadd.f32 v4, v3;
	_ =	sdelay $0x1  }
0x19f: {  	[tilespmem:s21+$0x3030] =	vst v3;
	v3 =	vld [tilespmem:s21+$0x3040]  }
0x1a0: {  	v4 =	vld [tilespmem:s17+$0x840];
	_ =	sdelay $0x4  }
0x1a1: {  	v3 =	vadd.f32 v4, v3;
	_ =	sdelay $0x1  }
0x1a2: {  	[tilespmem:s21+$0x3040] =	vst v3;
	v3 =	vld [tilespmem:s21+$0x3050]  }
0x1a3: {  	v4 =	vld [tilespmem:s17+$0x850];
	_ =	sdelay $0x4  }
0x1a4: {  	v3 =	vadd.f32 v4, v3;
	_ =	sdelay $0x1  }
0x1a5: {  	[tilespmem:s21+$0x3050] =	vst v3;
	v3 =	vld [tilespmem:s21+$0x3060]  }
0x1a6: {  	v4 =	vld [tilespmem:s17+$0x860];
	_ =	sdelay $0x4  }
0x1a7: {  	v3 =	vadd.f32 v4, v3;
	_ =	sdelay $0x1  }
0x1a8: {  	[tilespmem:s21+$0x3060] =	vst v3;
	v3 =	vld [tilespmem:s21+$0x3070]  }
0x1a9: {  	v4 =	vld [tilespmem:s17+$0x870];
	_ =	sdelay $0x4  }
0x1aa: {  	v3 =	vadd.f32 v4, v3;
	_ =	sdelay $0x1  }
0x1ab: {  	[tilespmem:s21+$0x3070] =	vst v3;
	v3 =	vld [tilespmem:s21+$0x3400]  }
0x1ac: {  	v4 =	vld [tilespmem:s17+$0xC00];
	_ =	sdelay $0x4  }
0x1ad: {  	v3 =	vadd.f32 v4, v3;
	_ =	sdelay $0x1  }
0x1ae: {  	[tilespmem:s21+$0x3400] =	vst v3;
	v3 =	vld [tilespmem:s21+$0x3410]  }
0x1af: {  	v4 =	vld [tilespmem:s17+$0xC10];
	_ =	sdelay $0x4  }
0x1b0: {  	v3 =	vadd.f32 v4, v3;
	_ =	sdelay $0x1  }
0x1b1: {  	[tilespmem:s21+$0x3410] =	vst v3;
	v3 =	vld [tilespmem:s21+$0x3420]  }
0x1b2: {  	v4 =	vld [tilespmem:s17+$0xC20];
	_ =	sdelay $0x4  }
0x1b3: {  	v3 =	vadd.f32 v4, v3;
	_ =	sdelay $0x1  }
0x1b4: {  	[tilespmem:s21+$0x3420] =	vst v3;
	v3 =	vld [tilespmem:s21+$0x3430]  }
0x1b5: {  	v4 =	vld [tilespmem:s17+$0xC30];
	_ =	sdelay $0x4  }
0x1b6: {  	v3 =	vadd.f32 v4, v3;
	_ =	sdelay $0x1  }
0x1b7: {  	[tilespmem:s21+$0x3430] =	vst v3;
	v3 =	vld [tilespmem:s21+$0x3440]  }
0x1b8: {  	v4 =	vld [tilespmem:s17+$0xC40];
	_ =	sdelay $0x4  }
0x1b9: {  	v3 =	vadd.f32 v4, v3;
	_ =	sdelay $0x1  }
0x1ba: {  	[tilespmem:s21+$0x3440] =	vst v3;
	v3 =	vld [tilespmem:s21+$0x3450]  }
0x1bb: {  	v4 =	vld [tilespmem:s17+$0xC50];
	_ =	sdelay $0x4  }
0x1bc: {  	v3 =	vadd.f32 v4, v3;
	_ =	sdelay $0x1  }
0x1bd: {  	[tilespmem:s21+$0x3450] =	vst v3;
	v3 =	vld [tilespmem:s21+$0x3460]  }
0x1be: {  	v4 =	vld [tilespmem:s17+$0xC60];
	_ =	sdelay $0x4  }
0x1bf: {  	v3 =	vadd.f32 v4, v3;
	_ =	sdelay $0x1  }
0x1c0: {  	[tilespmem:s21+$0x3460] =	vst v3;
	v3 =	vld [tilespmem:s21+$0x3470]  }
0x1c1: {  	v4 =	vld [tilespmem:s17+$0xC70];
	_ =	sdelay $0x4  }
0x1c2: {  	s23 =	sshll.u32 s31, $0x12;
	v3 =	vadd.f32 v4, v3  }
0x1c3: {  	s19 =	sor.u32 s5, s23  }
0x1c4: {  	s25 =	simm.s32 $0x2800;
	s1 =	sadd.s32 s3, s19;
	[tilespmem:s21+$0x3470] =	vst v3  }
0x1c5: {  	[hbm4b:s1+s4] =	stream.linear.scatter [tilespmem:s25], [sflag:$0x5], $0x2000, $0x38;
	[tilespmem:$0x12800] =	vst v63  }
0x1c6: {  	s20 =	simm.s32 $0x4800;
	s17 =	sadd.s32 s19, s9  }
0x1c7: {  	[hbm4b:s17+s4] =	stream.linear.scatter [tilespmem:s20], [sflag:$0x5], $0x2000, $0x38;
	[tilespmem:$0x12800] =	vst v63  }
0x1c8: {  	_ =	swait.ge [sflag:s24], $0x4000  }
0x1c9: {  	[sflag:s24] =	ssyncset.done $0x0  }
0x1ca: {  	[sflag:s24] =	ssyncadd.s32 $0xFFFFC000  }
0x1cb: {  	_ =	swait.ge [sflag:s26], $0x2000  }
0x1cc: {  	[sflag:s26] =	ssyncset.done $0x0  }
0x1cd: {  	[sflag:s26] =	ssyncadd.s32 $0xFFFFE000  }
0x1ce: {  	p0 =	seq.s32 s31, $0xF;
	_ =	swait.ge [sflag:s26], $0x2000  }
0x1cf: {  	s1 =	sshll.u32 @!p0 s31, $0x7;
	[sflag:s26] =	ssyncset.done $0x0  }
0x1d0: {  	s1 =	sand.u32 @!p0 $0x3FFFFF80, s1;
	[sflag:s26] =	ssyncadd.s32 $0xFFFFE000  }
0x1d1: {  	v3 =	vld @!p0 [tilespmem:s1+$0x2080];
	_ =	sdelay $0x4  }
0x1d2: {  	v4 =	vshll.u32 @!p0 v3, $0x2  }
0x1d3: {  	v5 =	vlaneseq.u32 @!p0;
	v3 =	vand.u32 @!p0 $0x7, v3;
	v4 =	vand.u32 @!p0 $0xFFFFFFE0, v4  }
0x1d4: {  	v6 =	vshrl.u32 @!p0 v5, $0x3;
	v3 =	vor.u32 @!p0 v3, v4;
	v4 =	vand.u32 @!p0 $0x7, v5  }
0x1d5: {  	v6 =	vmul.u32 @!p0 $0x8, v6;
	v7 =	vperm.xlane @!p0 v3, v4;
	_ =	sdelay $0x1  }
0x1d6: {  	v7 =	vadd.s32 @!p0 v6, v7  }
0x1d7: {  	v5 =	vor.u32 @!p0 $0x8, v5  }
0x1d8: {  	v3 =	vperm.xlane @!p0 v3, v5;
	_ =	sdelay $0x1  }
0x1d9: {  	vm1 =	vmmov @!p0 $0xffff;
	s17 =	simm.s32 @!p0 $0x0;
	s20 =	simm.s32 @!p0 $0x2800;
	v3 =	vadd.s32 @!p0 v6, v3  }
0x1da: {  	[tilespmem:s20], [sflag:$0x1] =	stream.indirect_vreg.gather @!p0 [hbm4b:s2+s17], $0x80, v7, vm1, $0xb8;
	[tilespmem:$0x12800] =	vst v63  }
0x1db: {  	s20 =	simm.s32 @!p0 $0x3000  }
0x1dc: {  	[tilespmem:s20], [sflag:$0x1] =	stream.indirect_vreg.gather @!p0 [hbm4b:s8+s17], $0x80, v7, vm1, $0xb8;
	[tilespmem:$0x12800] =	vst v63  }
0x1dd: {  	s20 =	simm.s32 @!p0 $0x3800  }
0x1de: {  	[tilespmem:s20], [sflag:$0x1] =	stream.indirect_vreg.gather @!p0 [hbm4b:s2+s17], $0x80, v3, vm1, $0xb8;
	[tilespmem:$0x12800] =	vst v63  }
0x1df: {  	s20 =	simm.s32 @!p0 $0x4000  }
0x1e0: {  	[tilespmem:s20], [sflag:$0x1] =	stream.indirect_vreg.gather @!p0 [hbm4b:s8+s17], $0x80, v3, vm1, $0xb8;
	[tilespmem:$0x12800] =	vst v63  }
0x1e1: {  	v3 =	vld @!p0 [tilespmem:s1+$0x2090];
	_ =	sdelay $0x4  }
0x1e2: {  	v7 =	vshll.u32 @!p0 v3, $0x2  }
0x1e3: {  	v3 =	vand.u32 @!p0 $0x7, v3;
	v7 =	vand.u32 @!p0 $0xFFFFFFE0, v7  }
0x1e4: {  	v3 =	vor.u32 @!p0 v3, v7  }
0x1e5: {  	v4 =	vperm.xlane @!p0 v3, v4;
	_ =	sdelay $0x1  }
0x1e6: {  	v4 =	vadd.s32 @!p0 v6, v4;
	_ =	sdelay $0x1  }
0x1e7: {  	v3 =	vperm.xlane @!p0 v3, v5;
	_ =	sdelay $0x1  }
0x1e8: {  	s20 =	simm.s32 @!p0 $0x4800;
	v3 =	vadd.s32 @!p0 v6, v3  }
0x1e9: {  	[tilespmem:s20], [sflag:$0x1] =	stream.indirect_vreg.gather @!p0 [hbm4b:s2+s17], $0x80, v4, vm1, $0xb8;
	[tilespmem:$0x12800] =	vst v63  }
0x1ea: {  	s20 =	simm.s32 @!p0 $0x5000  }
0x1eb: {  	[tilespmem:s20], [sflag:$0x1] =	stream.indirect_vreg.gather @!p0 [hbm4b:s8+s17], $0x80, v4, vm1, $0xb8;
	[tilespmem:$0x12800] =	vst v63  }
0x1ec: {  	s21 =	simm.s32 $0x0;
	s20 =	simm.s32 @!p0 $0x5800  }
0x1ed: {  	[tilespmem:s20], [sflag:$0x1] =	stream.indirect_vreg.gather @!p0 [hbm4b:s2+s17], $0x80, v3, vm1, $0xb8;
	[tilespmem:$0x12800] =	vst v63  }
0x1ee: {  	s23 =	sand.u32 $0x3000, s21;
	s25 =	sand.u32 $0x380, s21;
	s20 =	simm.s32 @!p0 $0x6000  }
0x1ef: {  	[tilespmem:s20], [sflag:$0x1] =	stream.indirect_vreg.gather @!p0 [hbm4b:s8+s17], $0x80, v3, vm1, $0xb8;
	[tilespmem:$0x12800] =	vst v63  }
0x1f0: {  	s20 =	sor.u32 s25, s23;
	s17 =	sand.u32 $0x1000, s21  }
0x1f1: {  	s17 =	sor.u32 s25, s17;
	v3 =	vld [tilespmem:s20+$0x6800]  }
0x1f2: {  	v4 =	vld [tilespmem:s17+$0x0];
	_ =	sdelay $0x4  }
0x1f3: {  	v3 =	vadd.f32 v4, v3;
	_ =	sdelay $0x1  }
0x1f4: {  	[tilespmem:s20+$0x6800] =	vst v3;
	v3 =	vld [tilespmem:s20+$0x6810]  }
0x1f5: {  	v4 =	vld [tilespmem:s17+$0x10];
	_ =	sdelay $0x4  }
0x1f6: {  	v3 =	vadd.f32 v4, v3;
	_ =	sdelay $0x1  }
0x1f7: {  	[tilespmem:s20+$0x6810] =	vst v3;
	v3 =	vld [tilespmem:s20+$0x6820]  }
0x1f8: {  	v4 =	vld [tilespmem:s17+$0x20];
	_ =	sdelay $0x4  }
0x1f9: {  	v3 =	vadd.f32 v4, v3;
	_ =	sdelay $0x1  }
0x1fa: {  	[tilespmem:s20+$0x6820] =	vst v3;
	v3 =	vld [tilespmem:s20+$0x6830]  }
0x1fb: {  	v4 =	vld [tilespmem:s17+$0x30];
	_ =	sdelay $0x4  }
0x1fc: {  	v3 =	vadd.f32 v4, v3;
	_ =	sdelay $0x1  }
0x1fd: {  	[tilespmem:s20+$0x6830] =	vst v3;
	v3 =	vld [tilespmem:s20+$0x6840]  }
0x1fe: {  	v4 =	vld [tilespmem:s17+$0x40];
	_ =	sdelay $0x4  }
0x1ff: {  	v3 =	vadd.f32 v4, v3;
	_ =	sdelay $0x1  }
0x200: {  	[tilespmem:s20+$0x6840] =	vst v3;
	v3 =	vld [tilespmem:s20+$0x6850]  }
0x201: {  	v4 =	vld [tilespmem:s17+$0x50];
	_ =	sdelay $0x4  }
0x202: {  	v3 =	vadd.f32 v4, v3;
	_ =	sdelay $0x1  }
0x203: {  	[tilespmem:s20+$0x6850] =	vst v3;
	v3 =	vld [tilespmem:s20+$0x6860]  }
0x204: {  	v4 =	vld [tilespmem:s17+$0x60];
	_ =	sdelay $0x4  }
0x205: {  	v3 =	vadd.f32 v4, v3;
	_ =	sdelay $0x1  }
0x206: {  	[tilespmem:s20+$0x6860] =	vst v3;
	v3 =	vld [tilespmem:s20+$0x6870]  }
0x207: {  	v4 =	vld [tilespmem:s17+$0x70];
	_ =	sdelay $0x4  }
0x208: {  	v3 =	vadd.f32 v4, v3;
	_ =	sdelay $0x1  }
0x209: {  	[tilespmem:s20+$0x6870] =	vst v3;
	v3 =	vld [tilespmem:s20+$0x6C00]  }
0x20a: {  	v4 =	vld [tilespmem:s17+$0x400];
	_ =	sdelay $0x4  }
0x20b: {  	v3 =	vadd.f32 v4, v3;
	_ =	sdelay $0x1  }
0x20c: {  	[tilespmem:s20+$0x6C00] =	vst v3;
	v3 =	vld [tilespmem:s20+$0x6C10]  }
0x20d: {  	v4 =	vld [tilespmem:s17+$0x410];
	_ =	sdelay $0x4  }
0x20e: {  	v3 =	vadd.f32 v4, v3;
	_ =	sdelay $0x1  }
0x20f: {  	[tilespmem:s20+$0x6C10] =	vst v3;
	v3 =	vld [tilespmem:s20+$0x6C20]  }
0x210: {  	v4 =	vld [tilespmem:s17+$0x420];
	_ =	sdelay $0x4  }
0x211: {  	v3 =	vadd.f32 v4, v3;
	_ =	sdelay $0x1  }
0x212: {  	[tilespmem:s20+$0x6C20] =	vst v3;
	v3 =	vld [tilespmem:s20+$0x6C30]  }
0x213: {  	v4 =	vld [tilespmem:s17+$0x430];
	_ =	sdelay $0x4  }
0x214: {  	v3 =	vadd.f32 v4, v3;
	_ =	sdelay $0x1  }
0x215: {  	[tilespmem:s20+$0x6C30] =	vst v3;
	v3 =	vld [tilespmem:s20+$0x6C40]  }
0x216: {  	v4 =	vld [tilespmem:s17+$0x440];
	_ =	sdelay $0x4  }
0x217: {  	v3 =	vadd.f32 v4, v3;
	_ =	sdelay $0x1  }
0x218: {  	[tilespmem:s20+$0x6C40] =	vst v3;
	v3 =	vld [tilespmem:s20+$0x6C50]  }
0x219: {  	v4 =	vld [tilespmem:s17+$0x450];
	_ =	sdelay $0x4  }
0x21a: {  	v3 =	vadd.f32 v4, v3;
	_ =	sdelay $0x1  }
0x21b: {  	[tilespmem:s20+$0x6C50] =	vst v3;
	v3 =	vld [tilespmem:s20+$0x6C60]  }
0x21c: {  	v4 =	vld [tilespmem:s17+$0x460];
	_ =	sdelay $0x4  }
0x21d: {  	v3 =	vadd.f32 v4, v3;
	_ =	sdelay $0x1  }
0x21e: {  	[tilespmem:s20+$0x6C60] =	vst v3;
	v3 =	vld [tilespmem:s20+$0x6C70]  }
0x21f: {  	v4 =	vld [tilespmem:s17+$0x470];
	_ =	sdelay $0x4  }
0x220: {  	v3 =	vadd.f32 v4, v3;
	_ =	sdelay $0x1  }
0x221: {  	[tilespmem:s20+$0x6C70] =	vst v3;
	v3 =	vld [tilespmem:s20+$0x7000]  }
0x222: {  	v4 =	vld [tilespmem:s17+$0x800];
	_ =	sdelay $0x4  }
0x223: {  	v3 =	vadd.f32 v4, v3;
	_ =	sdelay $0x1  }
0x224: {  	[tilespmem:s20+$0x7000] =	vst v3;
	v3 =	vld [tilespmem:s20+$0x7010]  }
0x225: {  	v4 =	vld [tilespmem:s17+$0x810];
	_ =	sdelay $0x4  }
0x226: {  	v3 =	vadd.f32 v4, v3;
	_ =	sdelay $0x1  }
0x227: {  	[tilespmem:s20+$0x7010] =	vst v3;
	v3 =	vld [tilespmem:s20+$0x7020]  }
0x228: {  	v4 =	vld [tilespmem:s17+$0x820];
	_ =	sdelay $0x4  }
0x229: {  	v3 =	vadd.f32 v4, v3;
	_ =	sdelay $0x1  }
0x22a: {  	[tilespmem:s20+$0x7020] =	vst v3;
	v3 =	vld [tilespmem:s20+$0x7030]  }
0x22b: {  	v4 =	vld [tilespmem:s17+$0x830];
	_ =	sdelay $0x4  }
0x22c: {  	v3 =	vadd.f32 v4, v3;
	_ =	sdelay $0x1  }
0x22d: {  	[tilespmem:s20+$0x7030] =	vst v3;
	v3 =	vld [tilespmem:s20+$0x7040]  }
0x22e: {  	v4 =	vld [tilespmem:s17+$0x840];
	_ =	sdelay $0x4  }
0x22f: {  	v3 =	vadd.f32 v4, v3;
	_ =	sdelay $0x1  }
0x230: {  	[tilespmem:s20+$0x7040] =	vst v3;
	v3 =	vld [tilespmem:s20+$0x7050]  }
0x231: {  	v4 =	vld [tilespmem:s17+$0x850];
	_ =	sdelay $0x4  }
0x232: {  	v3 =	vadd.f32 v4, v3;
	_ =	sdelay $0x1  }
0x233: {  	[tilespmem:s20+$0x7050] =	vst v3;
	v3 =	vld [tilespmem:s20+$0x7060]  }
0x234: {  	v4 =	vld [tilespmem:s17+$0x860];
	_ =	sdelay $0x4  }
0x235: {  	v3 =	vadd.f32 v4, v3;
	_ =	sdelay $0x1  }
0x236: {  	[tilespmem:s20+$0x7060] =	vst v3;
	v3 =	vld [tilespmem:s20+$0x7070]  }
0x237: {  	v4 =	vld [tilespmem:s17+$0x870];
	_ =	sdelay $0x4  }
0x238: {  	v3 =	vadd.f32 v4, v3;
	_ =	sdelay $0x1  }
0x239: {  	[tilespmem:s20+$0x7070] =	vst v3;
	v3 =	vld [tilespmem:s20+$0x7400]  }
0x23a: {  	v4 =	vld [tilespmem:s17+$0xC00];
	_ =	sdelay $0x4  }
0x23b: {  	v3 =	vadd.f32 v4, v3;
	_ =	sdelay $0x1  }
0x23c: {  	[tilespmem:s20+$0x7400] =	vst v3;
	v3 =	vld [tilespmem:s20+$0x7410]  }
0x23d: {  	v4 =	vld [tilespmem:s17+$0xC10];
	_ =	sdelay $0x4  }
0x23e: {  	v3 =	vadd.f32 v4, v3;
	_ =	sdelay $0x1  }
0x23f: {  	[tilespmem:s20+$0x7410] =	vst v3;
	v3 =	vld [tilespmem:s20+$0x7420]  }
0x240: {  	v4 =	vld [tilespmem:s17+$0xC20];
	_ =	sdelay $0x4  }
0x241: {  	v3 =	vadd.f32 v4, v3;
	_ =	sdelay $0x1  }
0x242: {  	[tilespmem:s20+$0x7420] =	vst v3;
	v3 =	vld [tilespmem:s20+$0x7430]  }
0x243: {  	v4 =	vld [tilespmem:s17+$0xC30];
	_ =	sdelay $0x4  }
0x244: {  	v3 =	vadd.f32 v4, v3;
	_ =	sdelay $0x1  }
0x245: {  	[tilespmem:s20+$0x7430] =	vst v3;
	v3 =	vld [tilespmem:s20+$0x7440]  }
0x246: {  	v4 =	vld [tilespmem:s17+$0xC40];
	_ =	sdelay $0x4  }
0x247: {  	v3 =	vadd.f32 v4, v3;
	_ =	sdelay $0x1  }
0x248: {  	[tilespmem:s20+$0x7440] =	vst v3;
	v3 =	vld [tilespmem:s20+$0x7450]  }
0x249: {  	v4 =	vld [tilespmem:s17+$0xC50];
	_ =	sdelay $0x4  }
0x24a: {  	v3 =	vadd.f32 v4, v3;
	_ =	sdelay $0x1  }
0x24b: {  	[tilespmem:s20+$0x7450] =	vst v3;
	v3 =	vld [tilespmem:s20+$0x7460]  }
0x24c: {  	v4 =	vld [tilespmem:s17+$0xC60];
	_ =	sdelay $0x4  }
0x24d: {  	v3 =	vadd.f32 v4, v3;
	_ =	sdelay $0x1  }
0x24e: {  	[tilespmem:s20+$0x7460] =	vst v3;
	v3 =	vld [tilespmem:s20+$0x7470]  }
0x24f: {  	v4 =	vld [tilespmem:s17+$0xC70];
	_ =	sdelay $0x3  }
0x250: {  	s23 =	simm.s32 $0x80;
	s17 =	simm.s32 $0x200  }
0x251: {  	s21 =	sand.u32 $0x380, s23;
	s25 =	sand.u32 $0x3000, s17;
	v3 =	vadd.f32 v4, v3  }
0x252: {  	s30 =	sand.u32 $0x1000, s17;
	s17 =	simm.s32 $0x400;
	s25 =	sor.u32 s21, s25  }
.LBB2_5:
0x253: {  	p1 =	sne.s32 s17, $0x3E00;
	s21 =	sor.u32 s21, s30;
	v4 =	vld [tilespmem:s25+$0x6800];
	[tilespmem:s20+$0x7470] =	vst v3;
	s20 =	smov.u32 s25  }
0x254: {  	v3 =	vld [tilespmem:s21+$0x0];
	_ =	sdelay $0x4  }
0x255: {  	v3 =	vadd.f32 v3, v4;
	_ =	sdelay $0x1  }
0x256: {  	[tilespmem:s20+$0x6800] =	vst v3;
	v3 =	vld [tilespmem:s20+$0x6810]  }
0x257: {  	v4 =	vld [tilespmem:s21+$0x10];
	_ =	sdelay $0x4  }
0x258: {  	v3 =	vadd.f32 v4, v3;
	_ =	sdelay $0x1  }
0x259: {  	[tilespmem:s20+$0x6810] =	vst v3;
	v3 =	vld [tilespmem:s20+$0x6820]  }
0x25a: {  	v4 =	vld [tilespmem:s21+$0x20];
	_ =	sdelay $0x4  }
0x25b: {  	v3 =	vadd.f32 v4, v3;
	_ =	sdelay $0x1  }
0x25c: {  	[tilespmem:s20+$0x6820] =	vst v3;
	v3 =	vld [tilespmem:s20+$0x6830]  }
0x25d: {  	v4 =	vld [tilespmem:s21+$0x30];
	_ =	sdelay $0x4  }
0x25e: {  	v3 =	vadd.f32 v4, v3;
	_ =	sdelay $0x1  }
0x25f: {  	[tilespmem:s20+$0x6830] =	vst v3;
	v3 =	vld [tilespmem:s20+$0x6840]  }
0x260: {  	v4 =	vld [tilespmem:s21+$0x40];
	_ =	sdelay $0x4  }
0x261: {  	v3 =	vadd.f32 v4, v3;
	_ =	sdelay $0x1  }
0x262: {  	[tilespmem:s20+$0x6840] =	vst v3;
	v3 =	vld [tilespmem:s20+$0x6850]  }
0x263: {  	v4 =	vld [tilespmem:s21+$0x50];
	_ =	sdelay $0x4  }
0x264: {  	v3 =	vadd.f32 v4, v3;
	_ =	sdelay $0x1  }
0x265: {  	[tilespmem:s20+$0x6850] =	vst v3;
	v3 =	vld [tilespmem:s20+$0x6860]  }
0x266: {  	v4 =	vld [tilespmem:s21+$0x60];
	_ =	sdelay $0x4  }
0x267: {  	v3 =	vadd.f32 v4, v3;
	_ =	sdelay $0x1  }
0x268: {  	[tilespmem:s20+$0x6860] =	vst v3;
	v3 =	vld [tilespmem:s20+$0x6870]  }
0x269: {  	v4 =	vld [tilespmem:s21+$0x70];
	_ =	sdelay $0x4  }
0x26a: {  	v3 =	vadd.f32 v4, v3;
	_ =	sdelay $0x1  }
0x26b: {  	[tilespmem:s20+$0x6870] =	vst v3;
	v3 =	vld [tilespmem:s20+$0x6C00]  }
0x26c: {  	v4 =	vld [tilespmem:s21+$0x400];
	_ =	sdelay $0x4  }
0x26d: {  	v3 =	vadd.f32 v4, v3;
	_ =	sdelay $0x1  }
0x26e: {  	[tilespmem:s20+$0x6C00] =	vst v3;
	v3 =	vld [tilespmem:s20+$0x6C10]  }
0x26f: {  	v4 =	vld [tilespmem:s21+$0x410];
	_ =	sdelay $0x4  }
0x270: {  	v3 =	vadd.f32 v4, v3;
	_ =	sdelay $0x1  }
0x271: {  	[tilespmem:s20+$0x6C10] =	vst v3;
	v3 =	vld [tilespmem:s20+$0x6C20]  }
0x272: {  	v4 =	vld [tilespmem:s21+$0x420];
	_ =	sdelay $0x4  }
0x273: {  	v3 =	vadd.f32 v4, v3;
	_ =	sdelay $0x1  }
0x274: {  	[tilespmem:s20+$0x6C20] =	vst v3;
	v3 =	vld [tilespmem:s20+$0x6C30]  }
0x275: {  	v4 =	vld [tilespmem:s21+$0x430];
	_ =	sdelay $0x4  }
0x276: {  	v3 =	vadd.f32 v4, v3;
	_ =	sdelay $0x1  }
0x277: {  	[tilespmem:s20+$0x6C30] =	vst v3;
	v3 =	vld [tilespmem:s20+$0x6C40]  }
0x278: {  	v4 =	vld [tilespmem:s21+$0x440];
	_ =	sdelay $0x4  }
0x279: {  	v3 =	vadd.f32 v4, v3;
	_ =	sdelay $0x1  }
0x27a: {  	[tilespmem:s20+$0x6C40] =	vst v3;
	v3 =	vld [tilespmem:s20+$0x6C50]  }
0x27b: {  	v4 =	vld [tilespmem:s21+$0x450];
	_ =	sdelay $0x4  }
0x27c: {  	v3 =	vadd.f32 v4, v3;
	_ =	sdelay $0x1  }
0x27d: {  	[tilespmem:s20+$0x6C50] =	vst v3;
	v3 =	vld [tilespmem:s20+$0x6C60]  }
0x27e: {  	v4 =	vld [tilespmem:s21+$0x460];
	_ =	sdelay $0x4  }
0x27f: {  	v3 =	vadd.f32 v4, v3;
	_ =	sdelay $0x1  }
0x280: {  	[tilespmem:s20+$0x6C60] =	vst v3;
	v3 =	vld [tilespmem:s20+$0x6C70]  }
0x281: {  	v4 =	vld [tilespmem:s21+$0x470];
	_ =	sdelay $0x4  }
0x282: {  	v3 =	vadd.f32 v4, v3;
	_ =	sdelay $0x1  }
0x283: {  	[tilespmem:s20+$0x6C70] =	vst v3;
	v3 =	vld [tilespmem:s20+$0x7000]  }
0x284: {  	v4 =	vld [tilespmem:s21+$0x800];
	_ =	sdelay $0x4  }
0x285: {  	v3 =	vadd.f32 v4, v3;
	_ =	sdelay $0x1  }
0x286: {  	[tilespmem:s20+$0x7000] =	vst v3;
	v3 =	vld [tilespmem:s20+$0x7010]  }
0x287: {  	v4 =	vld [tilespmem:s21+$0x810];
	_ =	sdelay $0x4  }
0x288: {  	v3 =	vadd.f32 v4, v3;
	_ =	sdelay $0x1  }
0x289: {  	[tilespmem:s20+$0x7010] =	vst v3;
	v3 =	vld [tilespmem:s20+$0x7020]  }
0x28a: {  	v4 =	vld [tilespmem:s21+$0x820];
	_ =	sdelay $0x4  }
0x28b: {  	v3 =	vadd.f32 v4, v3;
	_ =	sdelay $0x1  }
0x28c: {  	[tilespmem:s20+$0x7020] =	vst v3;
	v3 =	vld [tilespmem:s20+$0x7030]  }
0x28d: {  	v4 =	vld [tilespmem:s21+$0x830];
	_ =	sdelay $0x4  }
0x28e: {  	v3 =	vadd.f32 v4, v3;
	_ =	sdelay $0x1  }
0x28f: {  	[tilespmem:s20+$0x7030] =	vst v3;
	v3 =	vld [tilespmem:s20+$0x7040]  }
0x290: {  	v4 =	vld [tilespmem:s21+$0x840];
	_ =	sdelay $0x4  }
0x291: {  	v3 =	vadd.f32 v4, v3;
	_ =	sdelay $0x1  }
0x292: {  	[tilespmem:s20+$0x7040] =	vst v3;
	v3 =	vld [tilespmem:s20+$0x7050]  }
0x293: {  	v4 =	vld [tilespmem:s21+$0x850];
	_ =	sdelay $0x4  }
0x294: {  	v3 =	vadd.f32 v4, v3;
	_ =	sdelay $0x1  }
0x295: {  	[tilespmem:s20+$0x7050] =	vst v3;
	v3 =	vld [tilespmem:s20+$0x7060]  }
0x296: {  	v4 =	vld [tilespmem:s21+$0x860];
	_ =	sdelay $0x4  }
0x297: {  	v3 =	vadd.f32 v4, v3;
	_ =	sdelay $0x1  }
0x298: {  	[tilespmem:s20+$0x7060] =	vst v3;
	v3 =	vld [tilespmem:s20+$0x7070]  }
0x299: {  	v4 =	vld [tilespmem:s21+$0x870];
	_ =	sdelay $0x4  }
0x29a: {  	v3 =	vadd.f32 v4, v3;
	_ =	sdelay $0x1  }
0x29b: {  	[tilespmem:s20+$0x7070] =	vst v3;
	v3 =	vld [tilespmem:s20+$0x7400]  }
0x29c: {  	v4 =	vld [tilespmem:s21+$0xC00];
	_ =	sdelay $0x4  }
0x29d: {  	v3 =	vadd.f32 v4, v3;
	_ =	sdelay $0x1  }
0x29e: {  	[tilespmem:s20+$0x7400] =	vst v3;
	v3 =	vld [tilespmem:s20+$0x7410]  }
0x29f: {  	v4 =	vld [tilespmem:s21+$0xC10];
	_ =	sdelay $0x4  }
0x2a0: {  	v3 =	vadd.f32 v4, v3;
	_ =	sdelay $0x1  }
0x2a1: {  	[tilespmem:s20+$0x7410] =	vst v3;
	v3 =	vld [tilespmem:s20+$0x7420]  }
0x2a2: {  	v4 =	vld [tilespmem:s21+$0xC20];
	_ =	sdelay $0x4  }
0x2a3: {  	v3 =	vadd.f32 v4, v3;
	_ =	sdelay $0x1  }
0x2a4: {  	[tilespmem:s20+$0x7420] =	vst v3;
	v3 =	vld [tilespmem:s20+$0x7430]  }
0x2a5: {  	v4 =	vld [tilespmem:s21+$0xC30];
	_ =	sdelay $0x4  }
0x2a6: {  	v3 =	vadd.f32 v4, v3;
	_ =	sdelay $0x1  }
0x2a7: {  	[tilespmem:s20+$0x7430] =	vst v3;
	v3 =	vld [tilespmem:s20+$0x7440]  }
0x2a8: {  	v4 =	vld [tilespmem:s21+$0xC40];
	_ =	sdelay $0x4  }
0x2a9: {  	v3 =	vadd.f32 v4, v3;
	_ =	sdelay $0x1  }
0x2aa: {  	[tilespmem:s20+$0x7440] =	vst v3;
	v3 =	vld [tilespmem:s20+$0x7450]  }
0x2ab: {  	v4 =	vld [tilespmem:s21+$0xC50];
	_ =	sdelay $0x4  }
0x2ac: {  	v3 =	vadd.f32 v4, v3;
	_ =	sdelay $0x1  }
0x2ad: {  	[tilespmem:s20+$0x7450] =	vst v3;
	v3 =	vld [tilespmem:s20+$0x7460]  }
0x2ae: {  	v4 =	vld [tilespmem:s21+$0xC60];
	_ =	sdelay $0x4  }
0x2af: {  	v3 =	vadd.f32 v4, v3;
	_ =	sdelay $0x1  }
0x2b0: {  	[tilespmem:s20+$0x7460] =	vst v3;
	v3 =	vld [tilespmem:s20+$0x7470]  }
0x2b1: {  	v4 =	vld [tilespmem:s21+$0xC70];
	_ =	sdelay $0x1  }
.Ltmp1:
0x2b2: {  	(pc) =	sbr.rel @p1 .LBB2_5-.Ltmp1, $4  }
0x2b3: {  	_ = 	snop  }
0x2b4: {  	s23 =	sadd.s32 $0x80, s23  }
0x2b5: {  	s25 =	sand.u32 $0x3000, s17;
	s21 =	sand.u32 $0x380, s23;
	v3 =	vadd.f32 v4, v3  }
0x2b6: {  	s30 =	sand.u32 $0x1000, s17;
	s17 =	sadd.s32 $0x200, s17;
	s25 =	sor.u32 s21, s25  }
0x2b7: {  	s17 =	sor.u32 s21, s30;
	v4 =	vld [tilespmem:s25+$0x6800];
	[tilespmem:s20+$0x7470] =	vst v3  }
0x2b8: {  	v3 =	vld [tilespmem:s17+$0x0];
	_ =	sdelay $0x4  }
0x2b9: {  	v3 =	vadd.f32 v3, v4;
	_ =	sdelay $0x1  }
0x2ba: {  	[tilespmem:s25+$0x6800] =	vst v3;
	v3 =	vld [tilespmem:s25+$0x6810]  }
0x2bb: {  	v4 =	vld [tilespmem:s17+$0x10];
	_ =	sdelay $0x4  }
0x2bc: {  	v3 =	vadd.f32 v4, v3;
	_ =	sdelay $0x1  }
0x2bd: {  	[tilespmem:s25+$0x6810] =	vst v3;
	v3 =	vld [tilespmem:s25+$0x6820]  }
0x2be: {  	v4 =	vld [tilespmem:s17+$0x20];
	_ =	sdelay $0x4  }
0x2bf: {  	v3 =	vadd.f32 v4, v3;
	_ =	sdelay $0x1  }
0x2c0: {  	[tilespmem:s25+$0x6820] =	vst v3;
	v3 =	vld [tilespmem:s25+$0x6830]  }
0x2c1: {  	v4 =	vld [tilespmem:s17+$0x30];
	_ =	sdelay $0x4  }
0x2c2: {  	v3 =	vadd.f32 v4, v3;
	_ =	sdelay $0x1  }
0x2c3: {  	[tilespmem:s25+$0x6830] =	vst v3;
	v3 =	vld [tilespmem:s25+$0x6840]  }
0x2c4: {  	v4 =	vld [tilespmem:s17+$0x40];
	_ =	sdelay $0x4  }
0x2c5: {  	v3 =	vadd.f32 v4, v3;
	_ =	sdelay $0x1  }
0x2c6: {  	[tilespmem:s25+$0x6840] =	vst v3;
	v3 =	vld [tilespmem:s25+$0x6850]  }
0x2c7: {  	v4 =	vld [tilespmem:s17+$0x50];
	_ =	sdelay $0x4  }
0x2c8: {  	v3 =	vadd.f32 v4, v3;
	_ =	sdelay $0x1  }
0x2c9: {  	[tilespmem:s25+$0x6850] =	vst v3;
	v3 =	vld [tilespmem:s25+$0x6860]  }
0x2ca: {  	v4 =	vld [tilespmem:s17+$0x60];
	_ =	sdelay $0x4  }
0x2cb: {  	v3 =	vadd.f32 v4, v3;
	_ =	sdelay $0x1  }
0x2cc: {  	[tilespmem:s25+$0x6860] =	vst v3;
	v3 =	vld [tilespmem:s25+$0x6870]  }
0x2cd: {  	v4 =	vld [tilespmem:s17+$0x70];
	_ =	sdelay $0x4  }
0x2ce: {  	v3 =	vadd.f32 v4, v3;
	_ =	sdelay $0x1  }
0x2cf: {  	[tilespmem:s25+$0x6870] =	vst v3;
	v3 =	vld [tilespmem:s25+$0x6C00]  }
0x2d0: {  	v4 =	vld [tilespmem:s17+$0x400];
	_ =	sdelay $0x4  }
0x2d1: {  	v3 =	vadd.f32 v4, v3;
	_ =	sdelay $0x1  }
0x2d2: {  	[tilespmem:s25+$0x6C00] =	vst v3;
	v3 =	vld [tilespmem:s25+$0x6C10]  }
0x2d3: {  	v4 =	vld [tilespmem:s17+$0x410];
	_ =	sdelay $0x4  }
0x2d4: {  	v3 =	vadd.f32 v4, v3;
	_ =	sdelay $0x1  }
0x2d5: {  	[tilespmem:s25+$0x6C10] =	vst v3;
	v3 =	vld [tilespmem:s25+$0x6C20]  }
0x2d6: {  	v4 =	vld [tilespmem:s17+$0x420];
	_ =	sdelay $0x4  }
0x2d7: {  	v3 =	vadd.f32 v4, v3;
	_ =	sdelay $0x1  }
0x2d8: {  	[tilespmem:s25+$0x6C20] =	vst v3;
	v3 =	vld [tilespmem:s25+$0x6C30]  }
0x2d9: {  	v4 =	vld [tilespmem:s17+$0x430];
	_ =	sdelay $0x4  }
0x2da: {  	v3 =	vadd.f32 v4, v3;
	_ =	sdelay $0x1  }
0x2db: {  	[tilespmem:s25+$0x6C30] =	vst v3;
	v3 =	vld [tilespmem:s25+$0x6C40]  }
0x2dc: {  	v4 =	vld [tilespmem:s17+$0x440];
	_ =	sdelay $0x4  }
0x2dd: {  	v3 =	vadd.f32 v4, v3;
	_ =	sdelay $0x1  }
0x2de: {  	[tilespmem:s25+$0x6C40] =	vst v3;
	v3 =	vld [tilespmem:s25+$0x6C50]  }
0x2df: {  	v4 =	vld [tilespmem:s17+$0x450];
	_ =	sdelay $0x4  }
0x2e0: {  	v3 =	vadd.f32 v4, v3;
	_ =	sdelay $0x1  }
0x2e1: {  	[tilespmem:s25+$0x6C50] =	vst v3;
	v3 =	vld [tilespmem:s25+$0x6C60]  }
0x2e2: {  	v4 =	vld [tilespmem:s17+$0x460];
	_ =	sdelay $0x4  }
0x2e3: {  	v3 =	vadd.f32 v4, v3;
	_ =	sdelay $0x1  }
0x2e4: {  	[tilespmem:s25+$0x6C60] =	vst v3;
	v3 =	vld [tilespmem:s25+$0x6C70]  }
0x2e5: {  	v4 =	vld [tilespmem:s17+$0x470];
	_ =	sdelay $0x4  }
0x2e6: {  	v3 =	vadd.f32 v4, v3;
	_ =	sdelay $0x1  }
0x2e7: {  	[tilespmem:s25+$0x6C70] =	vst v3;
	v3 =	vld [tilespmem:s25+$0x7000]  }
0x2e8: {  	v4 =	vld [tilespmem:s17+$0x800];
	_ =	sdelay $0x4  }
0x2e9: {  	v3 =	vadd.f32 v4, v3;
	_ =	sdelay $0x1  }
0x2ea: {  	[tilespmem:s25+$0x7000] =	vst v3;
	v3 =	vld [tilespmem:s25+$0x7010]  }
0x2eb: {  	v4 =	vld [tilespmem:s17+$0x810];
	_ =	sdelay $0x4  }
0x2ec: {  	v3 =	vadd.f32 v4, v3;
	_ =	sdelay $0x1  }
0x2ed: {  	[tilespmem:s25+$0x7010] =	vst v3;
	v3 =	vld [tilespmem:s25+$0x7020]  }
0x2ee: {  	v4 =	vld [tilespmem:s17+$0x820];
	_ =	sdelay $0x4  }
0x2ef: {  	v3 =	vadd.f32 v4, v3;
	_ =	sdelay $0x1  }
0x2f0: {  	[tilespmem:s25+$0x7020] =	vst v3;
	v3 =	vld [tilespmem:s25+$0x7030]  }
0x2f1: {  	v4 =	vld [tilespmem:s17+$0x830];
	_ =	sdelay $0x4  }
0x2f2: {  	v3 =	vadd.f32 v4, v3;
	_ =	sdelay $0x1  }
0x2f3: {  	[tilespmem:s25+$0x7030] =	vst v3;
	v3 =	vld [tilespmem:s25+$0x7040]  }
0x2f4: {  	v4 =	vld [tilespmem:s17+$0x840];
	_ =	sdelay $0x4  }
0x2f5: {  	v3 =	vadd.f32 v4, v3;
	_ =	sdelay $0x1  }
0x2f6: {  	[tilespmem:s25+$0x7040] =	vst v3;
	v3 =	vld [tilespmem:s25+$0x7050]  }
0x2f7: {  	v4 =	vld [tilespmem:s17+$0x850];
	_ =	sdelay $0x4  }
0x2f8: {  	v3 =	vadd.f32 v4, v3;
	_ =	sdelay $0x1  }
0x2f9: {  	[tilespmem:s25+$0x7050] =	vst v3;
	v3 =	vld [tilespmem:s25+$0x7060]  }
0x2fa: {  	v4 =	vld [tilespmem:s17+$0x860];
	_ =	sdelay $0x4  }
0x2fb: {  	v3 =	vadd.f32 v4, v3;
	_ =	sdelay $0x1  }
0x2fc: {  	[tilespmem:s25+$0x7060] =	vst v3;
	v3 =	vld [tilespmem:s25+$0x7070]  }
0x2fd: {  	v4 =	vld [tilespmem:s17+$0x870];
	_ =	sdelay $0x4  }
0x2fe: {  	v3 =	vadd.f32 v4, v3;
	_ =	sdelay $0x1  }
0x2ff: {  	[tilespmem:s25+$0x7070] =	vst v3;
	v3 =	vld [tilespmem:s25+$0x7400]  }
0x300: {  	v4 =	vld [tilespmem:s17+$0xC00];
	_ =	sdelay $0x4  }
0x301: {  	v3 =	vadd.f32 v4, v3;
	_ =	sdelay $0x1  }
0x302: {  	[tilespmem:s25+$0x7400] =	vst v3;
	v3 =	vld [tilespmem:s25+$0x7410]  }
0x303: {  	v4 =	vld [tilespmem:s17+$0xC10];
	_ =	sdelay $0x4  }
0x304: {  	v3 =	vadd.f32 v4, v3;
	_ =	sdelay $0x1  }
0x305: {  	[tilespmem:s25+$0x7410] =	vst v3;
	v3 =	vld [tilespmem:s25+$0x7420]  }
0x306: {  	v4 =	vld [tilespmem:s17+$0xC20];
	_ =	sdelay $0x4  }
0x307: {  	v3 =	vadd.f32 v4, v3;
	_ =	sdelay $0x1  }
0x308: {  	[tilespmem:s25+$0x7420] =	vst v3;
	v3 =	vld [tilespmem:s25+$0x7430]  }
0x309: {  	v4 =	vld [tilespmem:s17+$0xC30];
	_ =	sdelay $0x4  }
0x30a: {  	v3 =	vadd.f32 v4, v3;
	_ =	sdelay $0x1  }
0x30b: {  	[tilespmem:s25+$0x7430] =	vst v3;
	v3 =	vld [tilespmem:s25+$0x7440]  }
0x30c: {  	v4 =	vld [tilespmem:s17+$0xC40];
	_ =	sdelay $0x4  }
0x30d: {  	v3 =	vadd.f32 v4, v3;
	_ =	sdelay $0x1  }
0x30e: {  	[tilespmem:s25+$0x7440] =	vst v3;
	v3 =	vld [tilespmem:s25+$0x7450]  }
0x30f: {  	v4 =	vld [tilespmem:s17+$0xC50];
	_ =	sdelay $0x4  }
0x310: {  	v3 =	vadd.f32 v4, v3;
	_ =	sdelay $0x1  }
0x311: {  	[tilespmem:s25+$0x7450] =	vst v3;
	v3 =	vld [tilespmem:s25+$0x7460]  }
0x312: {  	v4 =	vld [tilespmem:s17+$0xC60];
	_ =	sdelay $0x4  }
0x313: {  	v3 =	vadd.f32 v4, v3;
	_ =	sdelay $0x1  }
0x314: {  	[tilespmem:s25+$0x7460] =	vst v3;
	v3 =	vld [tilespmem:s25+$0x7470]  }
0x315: {  	v4 =	vld [tilespmem:s17+$0xC70];
	_ =	sdelay $0x4  }
0x316: {  	v3 =	vadd.f32 v4, v3;
	_ =	sdelay $0x1  }
0x317: {  	s20 =	sadd.s32 s19, s10;
	s21 =	simm.s32 $0x6800;
	[tilespmem:s25+$0x7470] =	vst v3  }
0x318: {  	[hbm4b:s20+s4] =	stream.linear.scatter [tilespmem:s21], [sflag:$0x6], $0x2000, $0x38;
	[tilespmem:$0x12800] =	vst v63  }
0x319: {  	s23 =	sadd.s32 s19, s11;
	s25 =	simm.s32 $0x8800  }
0x31a: {  	[hbm4b:s23+s4] =	stream.linear.scatter [tilespmem:s25], [sflag:$0x6], $0x2000, $0x38;
	[tilespmem:$0x12800] =	vst v63  }
0x31b: {  	_ =	swait.ge [sflag:s6], $0x4000  }
0x31c: {  	[sflag:s6] =	ssyncset.done $0x0  }
0x31d: {  	[sflag:s6] =	ssyncadd.s32 $0xFFFFC000  }
0x31e: {  	_ =	swait.ge [sflag:s7], $0x2000  }
0x31f: {  	[sflag:s7] =	ssyncset.done $0x0  }
0x320: {  	[sflag:s7] =	ssyncadd.s32 $0xFFFFE000  }
0x321: {  	_ =	swait.ge [sflag:s7], $0x2000  }
0x322: {  	[sflag:s7] =	ssyncset.done $0x0  }
0x323: {  	[sflag:s7] =	ssyncadd.s32 $0xFFFFE000  }
0x324: {  	v3 =	vld @!p0 [tilespmem:s1+$0x20A0];
	_ =	sdelay $0x4  }
0x325: {  	v4 =	vshll.u32 @!p0 v3, $0x2  }
0x326: {  	v5 =	vlaneseq.u32 @!p0;
	v3 =	vand.u32 @!p0 $0x7, v3;
	v4 =	vand.u32 @!p0 $0xFFFFFFE0, v4  }
0x327: {  	v6 =	vshrl.u32 @!p0 v5, $0x3;
	v3 =	vor.u32 @!p0 v3, v4;
	v4 =	vand.u32 @!p0 $0x7, v5  }
0x328: {  	v6 =	vmul.u32 @!p0 $0x8, v6;
	v7 =	vperm.xlane @!p0 v3, v4;
	_ =	sdelay $0x1  }
0x329: {  	v7 =	vadd.s32 @!p0 v6, v7  }
0x32a: {  	v5 =	vor.u32 @!p0 $0x8, v5  }
0x32b: {  	v3 =	vperm.xlane @!p0 v3, v5;
	_ =	sdelay $0x1  }
0x32c: {  	s17 =	simm.s32 @!p0 $0x0;
	s20 =	simm.s32 @!p0 $0x6800;
	v3 =	vadd.s32 @!p0 v6, v3  }
0x32d: {  	[tilespmem:s20], [sflag:$0x2] =	stream.indirect_vreg.gather @!p0 [hbm4b:s2+s17], $0x80, v7, vm1, $0xb8;
	[tilespmem:$0x12800] =	vst v63  }
0x32e: {  	s20 =	simm.s32 @!p0 $0x7000  }
0x32f: {  	[tilespmem:s20], [sflag:$0x2] =	stream.indirect_vreg.gather @!p0 [hbm4b:s8+s17], $0x80, v7, vm1, $0xb8;
	[tilespmem:$0x12800] =	vst v63  }
0x330: {  	s20 =	simm.s32 @!p0 $0x7800  }
0x331: {  	[tilespmem:s20], [sflag:$0x2] =	stream.indirect_vreg.gather @!p0 [hbm4b:s2+s17], $0x80, v3, vm1, $0xb8;
	[tilespmem:$0x12800] =	vst v63  }
0x332: {  	s20 =	simm.s32 @!p0 $0x8000  }
0x333: {  	[tilespmem:s20], [sflag:$0x2] =	stream.indirect_vreg.gather @!p0 [hbm4b:s8+s17], $0x80, v3, vm1, $0xb8;
	[tilespmem:$0x12800] =	vst v63  }
0x334: {  	v3 =	vld @!p0 [tilespmem:s1+$0x20B0];
	_ =	sdelay $0x4  }
0x335: {  	v7 =	vshll.u32 @!p0 v3, $0x2  }
0x336: {  	v3 =	vand.u32 @!p0 $0x7, v3;
	v7 =	vand.u32 @!p0 $0xFFFFFFE0, v7  }
0x337: {  	v3 =	vor.u32 @!p0 v3, v7  }
0x338: {  	v4 =	vperm.xlane @!p0 v3, v4;
	_ =	sdelay $0x1  }
0x339: {  	v4 =	vadd.s32 @!p0 v6, v4;
	_ =	sdelay $0x1  }
0x33a: {  	v3 =	vperm.xlane @!p0 v3, v5;
	_ =	sdelay $0x1  }
0x33b: {  	s20 =	simm.s32 @!p0 $0x8800;
	v3 =	vadd.s32 @!p0 v6, v3  }
0x33c: {  	[tilespmem:s20], [sflag:$0x2] =	stream.indirect_vreg.gather @!p0 [hbm4b:s2+s17], $0x80, v4, vm1, $0xb8;
	[tilespmem:$0x12800] =	vst v63  }
0x33d: {  	s20 =	simm.s32 @!p0 $0x9000  }
0x33e: {  	[tilespmem:s20], [sflag:$0x2] =	stream.indirect_vreg.gather @!p0 [hbm4b:s8+s17], $0x80, v4, vm1, $0xb8;
	[tilespmem:$0x12800] =	vst v63  }
0x33f: {  	s21 =	simm.s32 $0x0;
	s20 =	simm.s32 @!p0 $0x9800  }
0x340: {  	[tilespmem:s20], [sflag:$0x2] =	stream.indirect_vreg.gather @!p0 [hbm4b:s2+s17], $0x80, v3, vm1, $0xb8;
	[tilespmem:$0x12800] =	vst v63  }
0x341: {  	s23 =	sand.u32 $0x3000, s21;
	s25 =	sand.u32 $0x380, s21;
	s20 =	simm.s32 @!p0 $0xA000  }
0x342: {  	[tilespmem:s20], [sflag:$0x2] =	stream.indirect_vreg.gather @!p0 [hbm4b:s8+s17], $0x80, v3, vm1, $0xb8;
	[tilespmem:$0x12800] =	vst v63  }
0x343: {  	s20 =	sor.u32 s25, s23;
	s17 =	sand.u32 $0x1000, s21  }
0x344: {  	s17 =	sor.u32 s25, s17;
	v3 =	vld [tilespmem:s20+$0xA800]  }
0x345: {  	v4 =	vld [tilespmem:s17+$0x0];
	_ =	sdelay $0x4  }
0x346: {  	v3 =	vadd.f32 v4, v3;
	_ =	sdelay $0x1  }
0x347: {  	[tilespmem:s20+$0xA800] =	vst v3;
	v3 =	vld [tilespmem:s20+$0xA810]  }
0x348: {  	v4 =	vld [tilespmem:s17+$0x10];
	_ =	sdelay $0x4  }
0x349: {  	v3 =	vadd.f32 v4, v3;
	_ =	sdelay $0x1  }
0x34a: {  	[tilespmem:s20+$0xA810] =	vst v3;
	v3 =	vld [tilespmem:s20+$0xA820]  }
0x34b: {  	v4 =	vld [tilespmem:s17+$0x20];
	_ =	sdelay $0x4  }
0x34c: {  	v3 =	vadd.f32 v4, v3;
	_ =	sdelay $0x1  }
0x34d: {  	[tilespmem:s20+$0xA820] =	vst v3;
	v3 =	vld [tilespmem:s20+$0xA830]  }
0x34e: {  	v4 =	vld [tilespmem:s17+$0x30];
	_ =	sdelay $0x4  }
0x34f: {  	v3 =	vadd.f32 v4, v3;
	_ =	sdelay $0x1  }
0x350: {  	[tilespmem:s20+$0xA830] =	vst v3;
	v3 =	vld [tilespmem:s20+$0xA840]  }
0x351: {  	v4 =	vld [tilespmem:s17+$0x40];
	_ =	sdelay $0x4  }
0x352: {  	v3 =	vadd.f32 v4, v3;
	_ =	sdelay $0x1  }
0x353: {  	[tilespmem:s20+$0xA840] =	vst v3;
	v3 =	vld [tilespmem:s20+$0xA850]  }
0x354: {  	v4 =	vld [tilespmem:s17+$0x50];
	_ =	sdelay $0x4  }
0x355: {  	v3 =	vadd.f32 v4, v3;
	_ =	sdelay $0x1  }
0x356: {  	[tilespmem:s20+$0xA850] =	vst v3;
	v3 =	vld [tilespmem:s20+$0xA860]  }
0x357: {  	v4 =	vld [tilespmem:s17+$0x60];
	_ =	sdelay $0x4  }
0x358: {  	v3 =	vadd.f32 v4, v3;
	_ =	sdelay $0x1  }
0x359: {  	[tilespmem:s20+$0xA860] =	vst v3;
	v3 =	vld [tilespmem:s20+$0xA870]  }
0x35a: {  	v4 =	vld [tilespmem:s17+$0x70];
	_ =	sdelay $0x4  }
0x35b: {  	v3 =	vadd.f32 v4, v3;
	_ =	sdelay $0x1  }
0x35c: {  	[tilespmem:s20+$0xA870] =	vst v3;
	v3 =	vld [tilespmem:s20+$0xAC00]  }
0x35d: {  	v4 =	vld [tilespmem:s17+$0x400];
	_ =	sdelay $0x4  }
0x35e: {  	v3 =	vadd.f32 v4, v3;
	_ =	sdelay $0x1  }
0x35f: {  	[tilespmem:s20+$0xAC00] =	vst v3;
	v3 =	vld [tilespmem:s20+$0xAC10]  }
0x360: {  	v4 =	vld [tilespmem:s17+$0x410];
	_ =	sdelay $0x4  }
0x361: {  	v3 =	vadd.f32 v4, v3;
	_ =	sdelay $0x1  }
0x362: {  	[tilespmem:s20+$0xAC10] =	vst v3;
	v3 =	vld [tilespmem:s20+$0xAC20]  }
0x363: {  	v4 =	vld [tilespmem:s17+$0x420];
	_ =	sdelay $0x4  }
0x364: {  	v3 =	vadd.f32 v4, v3;
	_ =	sdelay $0x1  }
0x365: {  	[tilespmem:s20+$0xAC20] =	vst v3;
	v3 =	vld [tilespmem:s20+$0xAC30]  }
0x366: {  	v4 =	vld [tilespmem:s17+$0x430];
	_ =	sdelay $0x4  }
0x367: {  	v3 =	vadd.f32 v4, v3;
	_ =	sdelay $0x1  }
0x368: {  	[tilespmem:s20+$0xAC30] =	vst v3;
	v3 =	vld [tilespmem:s20+$0xAC40]  }
0x369: {  	v4 =	vld [tilespmem:s17+$0x440];
	_ =	sdelay $0x4  }
0x36a: {  	v3 =	vadd.f32 v4, v3;
	_ =	sdelay $0x1  }
0x36b: {  	[tilespmem:s20+$0xAC40] =	vst v3;
	v3 =	vld [tilespmem:s20+$0xAC50]  }
0x36c: {  	v4 =	vld [tilespmem:s17+$0x450];
	_ =	sdelay $0x4  }
0x36d: {  	v3 =	vadd.f32 v4, v3;
	_ =	sdelay $0x1  }
0x36e: {  	[tilespmem:s20+$0xAC50] =	vst v3;
	v3 =	vld [tilespmem:s20+$0xAC60]  }
0x36f: {  	v4 =	vld [tilespmem:s17+$0x460];
	_ =	sdelay $0x4  }
0x370: {  	v3 =	vadd.f32 v4, v3;
	_ =	sdelay $0x1  }
0x371: {  	[tilespmem:s20+$0xAC60] =	vst v3;
	v3 =	vld [tilespmem:s20+$0xAC70]  }
0x372: {  	v4 =	vld [tilespmem:s17+$0x470];
	_ =	sdelay $0x4  }
0x373: {  	v3 =	vadd.f32 v4, v3;
	_ =	sdelay $0x1  }
0x374: {  	[tilespmem:s20+$0xAC70] =	vst v3;
	v3 =	vld [tilespmem:s20+$0xB000]  }
0x375: {  	v4 =	vld [tilespmem:s17+$0x800];
	_ =	sdelay $0x4  }
0x376: {  	v3 =	vadd.f32 v4, v3;
	_ =	sdelay $0x1  }
0x377: {  	[tilespmem:s20+$0xB000] =	vst v3;
	v3 =	vld [tilespmem:s20+$0xB010]  }
0x378: {  	v4 =	vld [tilespmem:s17+$0x810];
	_ =	sdelay $0x4  }
0x379: {  	v3 =	vadd.f32 v4, v3;
	_ =	sdelay $0x1  }
0x37a: {  	[tilespmem:s20+$0xB010] =	vst v3;
	v3 =	vld [tilespmem:s20+$0xB020]  }
0x37b: {  	v4 =	vld [tilespmem:s17+$0x820];
	_ =	sdelay $0x4  }
0x37c: {  	v3 =	vadd.f32 v4, v3;
	_ =	sdelay $0x1  }
0x37d: {  	[tilespmem:s20+$0xB020] =	vst v3;
	v3 =	vld [tilespmem:s20+$0xB030]  }
0x37e: {  	v4 =	vld [tilespmem:s17+$0x830];
	_ =	sdelay $0x4  }
0x37f: {  	v3 =	vadd.f32 v4, v3;
	_ =	sdelay $0x1  }
0x380: {  	[tilespmem:s20+$0xB030] =	vst v3;
	v3 =	vld [tilespmem:s20+$0xB040]  }
0x381: {  	v4 =	vld [tilespmem:s17+$0x840];
	_ =	sdelay $0x4  }
0x382: {  	v3 =	vadd.f32 v4, v3;
	_ =	sdelay $0x1  }
0x383: {  	[tilespmem:s20+$0xB040] =	vst v3;
	v3 =	vld [tilespmem:s20+$0xB050]  }
0x384: {  	v4 =	vld [tilespmem:s17+$0x850];
	_ =	sdelay $0x4  }
0x385: {  	v3 =	vadd.f32 v4, v3;
	_ =	sdelay $0x1  }
0x386: {  	[tilespmem:s20+$0xB050] =	vst v3;
	v3 =	vld [tilespmem:s20+$0xB060]  }
0x387: {  	v4 =	vld [tilespmem:s17+$0x860];
	_ =	sdelay $0x4  }
0x388: {  	v3 =	vadd.f32 v4, v3;
	_ =	sdelay $0x1  }
0x389: {  	[tilespmem:s20+$0xB060] =	vst v3;
	v3 =	vld [tilespmem:s20+$0xB070]  }
0x38a: {  	v4 =	vld [tilespmem:s17+$0x870];
	_ =	sdelay $0x4  }
0x38b: {  	v3 =	vadd.f32 v4, v3;
	_ =	sdelay $0x1  }
0x38c: {  	[tilespmem:s20+$0xB070] =	vst v3;
	v3 =	vld [tilespmem:s20+$0xB400]  }
0x38d: {  	v4 =	vld [tilespmem:s17+$0xC00];
	_ =	sdelay $0x4  }
0x38e: {  	v3 =	vadd.f32 v4, v3;
	_ =	sdelay $0x1  }
0x38f: {  	[tilespmem:s20+$0xB400] =	vst v3;
	v3 =	vld [tilespmem:s20+$0xB410]  }
0x390: {  	v4 =	vld [tilespmem:s17+$0xC10];
	_ =	sdelay $0x4  }
0x391: {  	v3 =	vadd.f32 v4, v3;
	_ =	sdelay $0x1  }
0x392: {  	[tilespmem:s20+$0xB410] =	vst v3;
	v3 =	vld [tilespmem:s20+$0xB420]  }
0x393: {  	v4 =	vld [tilespmem:s17+$0xC20];
	_ =	sdelay $0x4  }
0x394: {  	v3 =	vadd.f32 v4, v3;
	_ =	sdelay $0x1  }
0x395: {  	[tilespmem:s20+$0xB420] =	vst v3;
	v3 =	vld [tilespmem:s20+$0xB430]  }
0x396: {  	v4 =	vld [tilespmem:s17+$0xC30];
	_ =	sdelay $0x4  }
0x397: {  	v3 =	vadd.f32 v4, v3;
	_ =	sdelay $0x1  }
0x398: {  	[tilespmem:s20+$0xB430] =	vst v3;
	v3 =	vld [tilespmem:s20+$0xB440]  }
0x399: {  	v4 =	vld [tilespmem:s17+$0xC40];
	_ =	sdelay $0x4  }
0x39a: {  	v3 =	vadd.f32 v4, v3;
	_ =	sdelay $0x1  }
0x39b: {  	[tilespmem:s20+$0xB440] =	vst v3;
	v3 =	vld [tilespmem:s20+$0xB450]  }
0x39c: {  	v4 =	vld [tilespmem:s17+$0xC50];
	_ =	sdelay $0x4  }
0x39d: {  	v3 =	vadd.f32 v4, v3;
	_ =	sdelay $0x1  }
0x39e: {  	[tilespmem:s20+$0xB450] =	vst v3;
	v3 =	vld [tilespmem:s20+$0xB460]  }
0x39f: {  	v4 =	vld [tilespmem:s17+$0xC60];
	_ =	sdelay $0x4  }
0x3a0: {  	v3 =	vadd.f32 v4, v3;
	_ =	sdelay $0x1  }
0x3a1: {  	[tilespmem:s20+$0xB460] =	vst v3;
	v3 =	vld [tilespmem:s20+$0xB470]  }
0x3a2: {  	v4 =	vld [tilespmem:s17+$0xC70];
	_ =	sdelay $0x3  }
0x3a3: {  	s23 =	simm.s32 $0x80;
	s17 =	simm.s32 $0x200  }
0x3a4: {  	s21 =	sand.u32 $0x380, s23;
	s25 =	sand.u32 $0x3000, s17;
	v3 =	vadd.f32 v4, v3  }
0x3a5: {  	s30 =	sand.u32 $0x1000, s17;
	s17 =	simm.s32 $0x400;
	s25 =	sor.u32 s21, s25  }
.LBB2_7:
0x3a6: {  	p1 =	sne.s32 s17, $0x3E00;
	s21 =	sor.u32 s21, s30;
	v4 =	vld [tilespmem:s25+$0xA800];
	[tilespmem:s20+$0xB470] =	vst v3;
	s20 =	smov.u32 s25  }
0x3a7: {  	v3 =	vld [tilespmem:s21+$0x0];
	_ =	sdelay $0x4  }
0x3a8: {  	v3 =	vadd.f32 v3, v4;
	_ =	sdelay $0x1  }
0x3a9: {  	[tilespmem:s20+$0xA800] =	vst v3;
	v3 =	vld [tilespmem:s20+$0xA810]  }
0x3aa: {  	v4 =	vld [tilespmem:s21+$0x10];
	_ =	sdelay $0x4  }
0x3ab: {  	v3 =	vadd.f32 v4, v3;
	_ =	sdelay $0x1  }
0x3ac: {  	[tilespmem:s20+$0xA810] =	vst v3;
	v3 =	vld [tilespmem:s20+$0xA820]  }
0x3ad: {  	v4 =	vld [tilespmem:s21+$0x20];
	_ =	sdelay $0x4  }
0x3ae: {  	v3 =	vadd.f32 v4, v3;
	_ =	sdelay $0x1  }
0x3af: {  	[tilespmem:s20+$0xA820] =	vst v3;
	v3 =	vld [tilespmem:s20+$0xA830]  }
0x3b0: {  	v4 =	vld [tilespmem:s21+$0x30];
	_ =	sdelay $0x4  }
0x3b1: {  	v3 =	vadd.f32 v4, v3;
	_ =	sdelay $0x1  }
0x3b2: {  	[tilespmem:s20+$0xA830] =	vst v3;
	v3 =	vld [tilespmem:s20+$0xA840]  }
0x3b3: {  	v4 =	vld [tilespmem:s21+$0x40];
	_ =	sdelay $0x4  }
0x3b4: {  	v3 =	vadd.f32 v4, v3;
	_ =	sdelay $0x1  }
0x3b5: {  	[tilespmem:s20+$0xA840] =	vst v3;
	v3 =	vld [tilespmem:s20+$0xA850]  }
0x3b6: {  	v4 =	vld [tilespmem:s21+$0x50];
	_ =	sdelay $0x4  }
0x3b7: {  	v3 =	vadd.f32 v4, v3;
	_ =	sdelay $0x1  }
0x3b8: {  	[tilespmem:s20+$0xA850] =	vst v3;
	v3 =	vld [tilespmem:s20+$0xA860]  }
0x3b9: {  	v4 =	vld [tilespmem:s21+$0x60];
	_ =	sdelay $0x4  }
0x3ba: {  	v3 =	vadd.f32 v4, v3;
	_ =	sdelay $0x1  }
0x3bb: {  	[tilespmem:s20+$0xA860] =	vst v3;
	v3 =	vld [tilespmem:s20+$0xA870]  }
0x3bc: {  	v4 =	vld [tilespmem:s21+$0x70];
	_ =	sdelay $0x4  }
0x3bd: {  	v3 =	vadd.f32 v4, v3;
	_ =	sdelay $0x1  }
0x3be: {  	[tilespmem:s20+$0xA870] =	vst v3;
	v3 =	vld [tilespmem:s20+$0xAC00]  }
0x3bf: {  	v4 =	vld [tilespmem:s21+$0x400];
	_ =	sdelay $0x4  }
0x3c0: {  	v3 =	vadd.f32 v4, v3;
	_ =	sdelay $0x1  }
0x3c1: {  	[tilespmem:s20+$0xAC00] =	vst v3;
	v3 =	vld [tilespmem:s20+$0xAC10]  }
0x3c2: {  	v4 =	vld [tilespmem:s21+$0x410];
	_ =	sdelay $0x4  }
0x3c3: {  	v3 =	vadd.f32 v4, v3;
	_ =	sdelay $0x1  }
0x3c4: {  	[tilespmem:s20+$0xAC10] =	vst v3;
	v3 =	vld [tilespmem:s20+$0xAC20]  }
0x3c5: {  	v4 =	vld [tilespmem:s21+$0x420];
	_ =	sdelay $0x4  }
0x3c6: {  	v3 =	vadd.f32 v4, v3;
	_ =	sdelay $0x1  }
0x3c7: {  	[tilespmem:s20+$0xAC20] =	vst v3;
	v3 =	vld [tilespmem:s20+$0xAC30]  }
0x3c8: {  	v4 =	vld [tilespmem:s21+$0x430];
	_ =	sdelay $0x4  }
0x3c9: {  	v3 =	vadd.f32 v4, v3;
	_ =	sdelay $0x1  }
0x3ca: {  	[tilespmem:s20+$0xAC30] =	vst v3;
	v3 =	vld [tilespmem:s20+$0xAC40]  }
0x3cb: {  	v4 =	vld [tilespmem:s21+$0x440];
	_ =	sdelay $0x4  }
0x3cc: {  	v3 =	vadd.f32 v4, v3;
	_ =	sdelay $0x1  }
0x3cd: {  	[tilespmem:s20+$0xAC40] =	vst v3;
	v3 =	vld [tilespmem:s20+$0xAC50]  }
0x3ce: {  	v4 =	vld [tilespmem:s21+$0x450];
	_ =	sdelay $0x4  }
0x3cf: {  	v3 =	vadd.f32 v4, v3;
	_ =	sdelay $0x1  }
0x3d0: {  	[tilespmem:s20+$0xAC50] =	vst v3;
	v3 =	vld [tilespmem:s20+$0xAC60]  }
0x3d1: {  	v4 =	vld [tilespmem:s21+$0x460];
	_ =	sdelay $0x4  }
0x3d2: {  	v3 =	vadd.f32 v4, v3;
	_ =	sdelay $0x1  }
0x3d3: {  	[tilespmem:s20+$0xAC60] =	vst v3;
	v3 =	vld [tilespmem:s20+$0xAC70]  }
0x3d4: {  	v4 =	vld [tilespmem:s21+$0x470];
	_ =	sdelay $0x4  }
0x3d5: {  	v3 =	vadd.f32 v4, v3;
	_ =	sdelay $0x1  }
0x3d6: {  	[tilespmem:s20+$0xAC70] =	vst v3;
	v3 =	vld [tilespmem:s20+$0xB000]  }
0x3d7: {  	v4 =	vld [tilespmem:s21+$0x800];
	_ =	sdelay $0x4  }
0x3d8: {  	v3 =	vadd.f32 v4, v3;
	_ =	sdelay $0x1  }
0x3d9: {  	[tilespmem:s20+$0xB000] =	vst v3;
	v3 =	vld [tilespmem:s20+$0xB010]  }
0x3da: {  	v4 =	vld [tilespmem:s21+$0x810];
	_ =	sdelay $0x4  }
0x3db: {  	v3 =	vadd.f32 v4, v3;
	_ =	sdelay $0x1  }
0x3dc: {  	[tilespmem:s20+$0xB010] =	vst v3;
	v3 =	vld [tilespmem:s20+$0xB020]  }
0x3dd: {  	v4 =	vld [tilespmem:s21+$0x820];
	_ =	sdelay $0x4  }
0x3de: {  	v3 =	vadd.f32 v4, v3;
	_ =	sdelay $0x1  }
0x3df: {  	[tilespmem:s20+$0xB020] =	vst v3;
	v3 =	vld [tilespmem:s20+$0xB030]  }
0x3e0: {  	v4 =	vld [tilespmem:s21+$0x830];
	_ =	sdelay $0x4  }
0x3e1: {  	v3 =	vadd.f32 v4, v3;
	_ =	sdelay $0x1  }
0x3e2: {  	[tilespmem:s20+$0xB030] =	vst v3;
	v3 =	vld [tilespmem:s20+$0xB040]  }
0x3e3: {  	v4 =	vld [tilespmem:s21+$0x840];
	_ =	sdelay $0x4  }
0x3e4: {  	v3 =	vadd.f32 v4, v3;
	_ =	sdelay $0x1  }
0x3e5: {  	[tilespmem:s20+$0xB040] =	vst v3;
	v3 =	vld [tilespmem:s20+$0xB050]  }
0x3e6: {  	v4 =	vld [tilespmem:s21+$0x850];
	_ =	sdelay $0x4  }
0x3e7: {  	v3 =	vadd.f32 v4, v3;
	_ =	sdelay $0x1  }
0x3e8: {  	[tilespmem:s20+$0xB050] =	vst v3;
	v3 =	vld [tilespmem:s20+$0xB060]  }
0x3e9: {  	v4 =	vld [tilespmem:s21+$0x860];
	_ =	sdelay $0x4  }
0x3ea: {  	v3 =	vadd.f32 v4, v3;
	_ =	sdelay $0x1  }
0x3eb: {  	[tilespmem:s20+$0xB060] =	vst v3;
	v3 =	vld [tilespmem:s20+$0xB070]  }
0x3ec: {  	v4 =	vld [tilespmem:s21+$0x870];
	_ =	sdelay $0x4  }
0x3ed: {  	v3 =	vadd.f32 v4, v3;
	_ =	sdelay $0x1  }
0x3ee: {  	[tilespmem:s20+$0xB070] =	vst v3;
	v3 =	vld [tilespmem:s20+$0xB400]  }
0x3ef: {  	v4 =	vld [tilespmem:s21+$0xC00];
	_ =	sdelay $0x4  }
0x3f0: {  	v3 =	vadd.f32 v4, v3;
	_ =	sdelay $0x1  }
0x3f1: {  	[tilespmem:s20+$0xB400] =	vst v3;
	v3 =	vld [tilespmem:s20+$0xB410]  }
0x3f2: {  	v4 =	vld [tilespmem:s21+$0xC10];
	_ =	sdelay $0x4  }
0x3f3: {  	v3 =	vadd.f32 v4, v3;
	_ =	sdelay $0x1  }
0x3f4: {  	[tilespmem:s20+$0xB410] =	vst v3;
	v3 =	vld [tilespmem:s20+$0xB420]  }
0x3f5: {  	v4 =	vld [tilespmem:s21+$0xC20];
	_ =	sdelay $0x4  }
0x3f6: {  	v3 =	vadd.f32 v4, v3;
	_ =	sdelay $0x1  }
0x3f7: {  	[tilespmem:s20+$0xB420] =	vst v3;
	v3 =	vld [tilespmem:s20+$0xB430]  }
0x3f8: {  	v4 =	vld [tilespmem:s21+$0xC30];
	_ =	sdelay $0x4  }
0x3f9: {  	v3 =	vadd.f32 v4, v3;
	_ =	sdelay $0x1  }
0x3fa: {  	[tilespmem:s20+$0xB430] =	vst v3;
	v3 =	vld [tilespmem:s20+$0xB440]  }
0x3fb: {  	v4 =	vld [tilespmem:s21+$0xC40];
	_ =	sdelay $0x4  }
0x3fc: {  	v3 =	vadd.f32 v4, v3;
	_ =	sdelay $0x1  }
0x3fd: {  	[tilespmem:s20+$0xB440] =	vst v3;
	v3 =	vld [tilespmem:s20+$0xB450]  }
0x3fe: {  	v4 =	vld [tilespmem:s21+$0xC50];
	_ =	sdelay $0x4  }
0x3ff: {  	v3 =	vadd.f32 v4, v3;
	_ =	sdelay $0x1  }
0x400: {  	[tilespmem:s20+$0xB450] =	vst v3;
	v3 =	vld [tilespmem:s20+$0xB460]  }
0x401: {  	v4 =	vld [tilespmem:s21+$0xC60];
	_ =	sdelay $0x4  }
0x402: {  	v3 =	vadd.f32 v4, v3;
	_ =	sdelay $0x1  }
0x403: {  	[tilespmem:s20+$0xB460] =	vst v3;
	v3 =	vld [tilespmem:s20+$0xB470]  }
0x404: {  	v4 =	vld [tilespmem:s21+$0xC70];
	_ =	sdelay $0x1  }
.Ltmp2:
0x405: {  	(pc) =	sbr.rel @p1 .LBB2_7-.Ltmp2, $4  }
0x406: {  	_ = 	snop  }
0x407: {  	s23 =	sadd.s32 $0x80, s23  }
0x408: {  	s25 =	sand.u32 $0x3000, s17;
	s21 =	sand.u32 $0x380, s23;
	v3 =	vadd.f32 v4, v3  }
0x409: {  	s30 =	sand.u32 $0x1000, s17;
	s17 =	sadd.s32 $0x200, s17;
	s25 =	sor.u32 s21, s25  }
0x40a: {  	s17 =	sor.u32 s21, s30;
	v4 =	vld [tilespmem:s25+$0xA800];
	[tilespmem:s20+$0xB470] =	vst v3  }
0x40b: {  	v3 =	vld [tilespmem:s17+$0x0];
	_ =	sdelay $0x4  }
0x40c: {  	v3 =	vadd.f32 v3, v4;
	_ =	sdelay $0x1  }
0x40d: {  	[tilespmem:s25+$0xA800] =	vst v3;
	v3 =	vld [tilespmem:s25+$0xA810]  }
0x40e: {  	v4 =	vld [tilespmem:s17+$0x10];
	_ =	sdelay $0x4  }
0x40f: {  	v3 =	vadd.f32 v4, v3;
	_ =	sdelay $0x1  }
0x410: {  	[tilespmem:s25+$0xA810] =	vst v3;
	v3 =	vld [tilespmem:s25+$0xA820]  }
0x411: {  	v4 =	vld [tilespmem:s17+$0x20];
	_ =	sdelay $0x4  }
0x412: {  	v3 =	vadd.f32 v4, v3;
	_ =	sdelay $0x1  }
0x413: {  	[tilespmem:s25+$0xA820] =	vst v3;
	v3 =	vld [tilespmem:s25+$0xA830]  }
0x414: {  	v4 =	vld [tilespmem:s17+$0x30];
	_ =	sdelay $0x4  }
0x415: {  	v3 =	vadd.f32 v4, v3;
	_ =	sdelay $0x1  }
0x416: {  	[tilespmem:s25+$0xA830] =	vst v3;
	v3 =	vld [tilespmem:s25+$0xA840]  }
0x417: {  	v4 =	vld [tilespmem:s17+$0x40];
	_ =	sdelay $0x4  }
0x418: {  	v3 =	vadd.f32 v4, v3;
	_ =	sdelay $0x1  }
0x419: {  	[tilespmem:s25+$0xA840] =	vst v3;
	v3 =	vld [tilespmem:s25+$0xA850]  }
0x41a: {  	v4 =	vld [tilespmem:s17+$0x50];
	_ =	sdelay $0x4  }
0x41b: {  	v3 =	vadd.f32 v4, v3;
	_ =	sdelay $0x1  }
0x41c: {  	[tilespmem:s25+$0xA850] =	vst v3;
	v3 =	vld [tilespmem:s25+$0xA860]  }
0x41d: {  	v4 =	vld [tilespmem:s17+$0x60];
	_ =	sdelay $0x4  }
0x41e: {  	v3 =	vadd.f32 v4, v3;
	_ =	sdelay $0x1  }
0x41f: {  	[tilespmem:s25+$0xA860] =	vst v3;
	v3 =	vld [tilespmem:s25+$0xA870]  }
0x420: {  	v4 =	vld [tilespmem:s17+$0x70];
	_ =	sdelay $0x4  }
0x421: {  	v3 =	vadd.f32 v4, v3;
	_ =	sdelay $0x1  }
0x422: {  	[tilespmem:s25+$0xA870] =	vst v3;
	v3 =	vld [tilespmem:s25+$0xAC00]  }
0x423: {  	v4 =	vld [tilespmem:s17+$0x400];
	_ =	sdelay $0x4  }
0x424: {  	v3 =	vadd.f32 v4, v3;
	_ =	sdelay $0x1  }
0x425: {  	[tilespmem:s25+$0xAC00] =	vst v3;
	v3 =	vld [tilespmem:s25+$0xAC10]  }
0x426: {  	v4 =	vld [tilespmem:s17+$0x410];
	_ =	sdelay $0x4  }
0x427: {  	v3 =	vadd.f32 v4, v3;
	_ =	sdelay $0x1  }
0x428: {  	[tilespmem:s25+$0xAC10] =	vst v3;
	v3 =	vld [tilespmem:s25+$0xAC20]  }
0x429: {  	v4 =	vld [tilespmem:s17+$0x420];
	_ =	sdelay $0x4  }
0x42a: {  	v3 =	vadd.f32 v4, v3;
	_ =	sdelay $0x1  }
0x42b: {  	[tilespmem:s25+$0xAC20] =	vst v3;
	v3 =	vld [tilespmem:s25+$0xAC30]  }
0x42c: {  	v4 =	vld [tilespmem:s17+$0x430];
	_ =	sdelay $0x4  }
0x42d: {  	v3 =	vadd.f32 v4, v3;
	_ =	sdelay $0x1  }
0x42e: {  	[tilespmem:s25+$0xAC30] =	vst v3;
	v3 =	vld [tilespmem:s25+$0xAC40]  }
0x42f: {  	v4 =	vld [tilespmem:s17+$0x440];
	_ =	sdelay $0x4  }
0x430: {  	v3 =	vadd.f32 v4, v3;
	_ =	sdelay $0x1  }
0x431: {  	[tilespmem:s25+$0xAC40] =	vst v3;
	v3 =	vld [tilespmem:s25+$0xAC50]  }
0x432: {  	v4 =	vld [tilespmem:s17+$0x450];
	_ =	sdelay $0x4  }
0x433: {  	v3 =	vadd.f32 v4, v3;
	_ =	sdelay $0x1  }
0x434: {  	[tilespmem:s25+$0xAC50] =	vst v3;
	v3 =	vld [tilespmem:s25+$0xAC60]  }
0x435: {  	v4 =	vld [tilespmem:s17+$0x460];
	_ =	sdelay $0x4  }
0x436: {  	v3 =	vadd.f32 v4, v3;
	_ =	sdelay $0x1  }
0x437: {  	[tilespmem:s25+$0xAC60] =	vst v3;
	v3 =	vld [tilespmem:s25+$0xAC70]  }
0x438: {  	v4 =	vld [tilespmem:s17+$0x470];
	_ =	sdelay $0x4  }
0x439: {  	v3 =	vadd.f32 v4, v3;
	_ =	sdelay $0x1  }
0x43a: {  	[tilespmem:s25+$0xAC70] =	vst v3;
	v3 =	vld [tilespmem:s25+$0xB000]  }
0x43b: {  	v4 =	vld [tilespmem:s17+$0x800];
	_ =	sdelay $0x4  }
0x43c: {  	v3 =	vadd.f32 v4, v3;
	_ =	sdelay $0x1  }
0x43d: {  	[tilespmem:s25+$0xB000] =	vst v3;
	v3 =	vld [tilespmem:s25+$0xB010]  }
0x43e: {  	v4 =	vld [tilespmem:s17+$0x810];
	_ =	sdelay $0x4  }
0x43f: {  	v3 =	vadd.f32 v4, v3;
	_ =	sdelay $0x1  }
0x440: {  	[tilespmem:s25+$0xB010] =	vst v3;
	v3 =	vld [tilespmem:s25+$0xB020]  }
0x441: {  	v4 =	vld [tilespmem:s17+$0x820];
	_ =	sdelay $0x4  }
0x442: {  	v3 =	vadd.f32 v4, v3;
	_ =	sdelay $0x1  }
0x443: {  	[tilespmem:s25+$0xB020] =	vst v3;
	v3 =	vld [tilespmem:s25+$0xB030]  }
0x444: {  	v4 =	vld [tilespmem:s17+$0x830];
	_ =	sdelay $0x4  }
0x445: {  	v3 =	vadd.f32 v4, v3;
	_ =	sdelay $0x1  }
0x446: {  	[tilespmem:s25+$0xB030] =	vst v3;
	v3 =	vld [tilespmem:s25+$0xB040]  }
0x447: {  	v4 =	vld [tilespmem:s17+$0x840];
	_ =	sdelay $0x4  }
0x448: {  	v3 =	vadd.f32 v4, v3;
	_ =	sdelay $0x1  }
0x449: {  	[tilespmem:s25+$0xB040] =	vst v3;
	v3 =	vld [tilespmem:s25+$0xB050]  }
0x44a: {  	v4 =	vld [tilespmem:s17+$0x850];
	_ =	sdelay $0x4  }
0x44b: {  	v3 =	vadd.f32 v4, v3;
	_ =	sdelay $0x1  }
0x44c: {  	[tilespmem:s25+$0xB050] =	vst v3;
	v3 =	vld [tilespmem:s25+$0xB060]  }
0x44d: {  	v4 =	vld [tilespmem:s17+$0x860];
	_ =	sdelay $0x4  }
0x44e: {  	v3 =	vadd.f32 v4, v3;
	_ =	sdelay $0x1  }
0x44f: {  	[tilespmem:s25+$0xB060] =	vst v3;
	v3 =	vld [tilespmem:s25+$0xB070]  }
0x450: {  	v4 =	vld [tilespmem:s17+$0x870];
	_ =	sdelay $0x4  }
0x451: {  	v3 =	vadd.f32 v4, v3;
	_ =	sdelay $0x1  }
0x452: {  	[tilespmem:s25+$0xB070] =	vst v3;
	v3 =	vld [tilespmem:s25+$0xB400]  }
0x453: {  	v4 =	vld [tilespmem:s17+$0xC00];
	_ =	sdelay $0x4  }
0x454: {  	v3 =	vadd.f32 v4, v3;
	_ =	sdelay $0x1  }
0x455: {  	[tilespmem:s25+$0xB400] =	vst v3;
	v3 =	vld [tilespmem:s25+$0xB410]  }
0x456: {  	v4 =	vld [tilespmem:s17+$0xC10];
	_ =	sdelay $0x4  }
0x457: {  	v3 =	vadd.f32 v4, v3;
	_ =	sdelay $0x1  }
0x458: {  	[tilespmem:s25+$0xB410] =	vst v3;
	v3 =	vld [tilespmem:s25+$0xB420]  }
0x459: {  	v4 =	vld [tilespmem:s17+$0xC20];
	_ =	sdelay $0x4  }
0x45a: {  	v3 =	vadd.f32 v4, v3;
	_ =	sdelay $0x1  }
0x45b: {  	[tilespmem:s25+$0xB420] =	vst v3;
	v3 =	vld [tilespmem:s25+$0xB430]  }
0x45c: {  	v4 =	vld [tilespmem:s17+$0xC30];
	_ =	sdelay $0x4  }
0x45d: {  	v3 =	vadd.f32 v4, v3;
	_ =	sdelay $0x1  }
0x45e: {  	[tilespmem:s25+$0xB430] =	vst v3;
	v3 =	vld [tilespmem:s25+$0xB440]  }
0x45f: {  	v4 =	vld [tilespmem:s17+$0xC40];
	_ =	sdelay $0x4  }
0x460: {  	v3 =	vadd.f32 v4, v3;
	_ =	sdelay $0x1  }
0x461: {  	[tilespmem:s25+$0xB440] =	vst v3;
	v3 =	vld [tilespmem:s25+$0xB450]  }
0x462: {  	v4 =	vld [tilespmem:s17+$0xC50];
	_ =	sdelay $0x4  }
0x463: {  	v3 =	vadd.f32 v4, v3;
	_ =	sdelay $0x1  }
0x464: {  	[tilespmem:s25+$0xB450] =	vst v3;
	v3 =	vld [tilespmem:s25+$0xB460]  }
0x465: {  	v4 =	vld [tilespmem:s17+$0xC60];
	_ =	sdelay $0x4  }
0x466: {  	v3 =	vadd.f32 v4, v3;
	_ =	sdelay $0x1  }
0x467: {  	[tilespmem:s25+$0xB460] =	vst v3;
	v3 =	vld [tilespmem:s25+$0xB470]  }
0x468: {  	v4 =	vld [tilespmem:s17+$0xC70];
	_ =	sdelay $0x4  }
0x469: {  	v3 =	vadd.f32 v4, v3;
	_ =	sdelay $0x1  }
0x46a: {  	s30 =	sadd.s32 s19, s12;
	[tilespmem:s25+$0xB470] =	vst v3  }
0x46b: {  	[hbm4b:s30+s4] =	stream.linear.scatter [tilespmem:s16], [sflag:$0x7], $0x2000, $0x38;
	[tilespmem:$0x12800] =	vst v63  }
0x46c: {  	s19 =	sadd.s32 s19, s13  }
0x46d: {  	[hbm4b:s19+s4] =	stream.linear.scatter [tilespmem:s22], [sflag:$0x7], $0x2000, $0x38;
	[tilespmem:$0x12800] =	vst v63  }
0x46e: {  	_ =	swait.ge [sflag:s14], $0x4000  }
0x46f: {  	[sflag:s14] =	ssyncset.done $0x0  }
0x470: {  	[sflag:s14] =	ssyncadd.s32 $0xFFFFC000  }
0x471: {  	_ =	swait.ge [sflag:s15], $0x2000  }
0x472: {  	[sflag:s15] =	ssyncset.done $0x0  }
0x473: {  	[sflag:s15] =	ssyncadd.s32 $0xFFFFE000  }
0x474: {  	_ =	swait.ge [sflag:s15], $0x2000  }
0x475: {  	[sflag:s15] =	ssyncset.done $0x0  }
0x476: {  	[sflag:s15] =	ssyncadd.s32 $0xFFFFE000  }
0x477: {  	v3 =	vld @!p0 [tilespmem:s1+$0x20C0];
	_ =	sdelay $0x4  }
0x478: {  	v4 =	vshll.u32 @!p0 v3, $0x2  }
0x479: {  	v5 =	vlaneseq.u32 @!p0;
	v3 =	vand.u32 @!p0 $0x7, v3;
	v4 =	vand.u32 @!p0 $0xFFFFFFE0, v4  }
0x47a: {  	v6 =	vshrl.u32 @!p0 v5, $0x3;
	v3 =	vor.u32 @!p0 v3, v4;
	v4 =	vand.u32 @!p0 $0x7, v5  }
0x47b: {  	v6 =	vmul.u32 @!p0 $0x8, v6;
	v7 =	vperm.xlane @!p0 v3, v4;
	_ =	sdelay $0x1  }
0x47c: {  	v7 =	vadd.s32 @!p0 v6, v7  }
0x47d: {  	v5 =	vor.u32 @!p0 $0x8, v5  }
0x47e: {  	v3 =	vperm.xlane @!p0 v3, v5;
	_ =	sdelay $0x1  }
0x47f: {  	s17 =	simm.s32 @!p0 $0x0;
	s19 =	simm.s32 @!p0 $0xA800;
	v3 =	vadd.s32 @!p0 v6, v3  }
0x480: {  	[tilespmem:s19], [sflag:$0x3] =	stream.indirect_vreg.gather @!p0 [hbm4b:s2+s17], $0x80, v7, vm1, $0xb8;
	[tilespmem:$0x12800] =	vst v63  }
0x481: {  	s19 =	simm.s32 @!p0 $0xB000  }
0x482: {  	[tilespmem:s19], [sflag:$0x3] =	stream.indirect_vreg.gather @!p0 [hbm4b:s8+s17], $0x80, v7, vm1, $0xb8;
	[tilespmem:$0x12800] =	vst v63  }
0x483: {  	s19 =	simm.s32 @!p0 $0xB800  }
0x484: {  	[tilespmem:s19], [sflag:$0x3] =	stream.indirect_vreg.gather @!p0 [hbm4b:s2+s17], $0x80, v3, vm1, $0xb8;
	[tilespmem:$0x12800] =	vst v63  }
0x485: {  	s19 =	simm.s32 @!p0 $0xC000  }
0x486: {  	[tilespmem:s19], [sflag:$0x3] =	stream.indirect_vreg.gather @!p0 [hbm4b:s8+s17], $0x80, v3, vm1, $0xb8;
	[tilespmem:$0x12800] =	vst v63  }
0x487: {  	v3 =	vld @!p0 [tilespmem:s1+$0x20D0];
	_ =	sdelay $0x4  }
0x488: {  	v7 =	vshll.u32 @!p0 v3, $0x2  }
0x489: {  	v3 =	vand.u32 @!p0 $0x7, v3;
	v7 =	vand.u32 @!p0 $0xFFFFFFE0, v7  }
0x48a: {  	v3 =	vor.u32 @!p0 v3, v7  }
0x48b: {  	v4 =	vperm.xlane @!p0 v3, v4;
	_ =	sdelay $0x1  }
0x48c: {  	v4 =	vadd.s32 @!p0 v6, v4;
	_ =	sdelay $0x1  }
0x48d: {  	v3 =	vperm.xlane @!p0 v3, v5;
	_ =	sdelay $0x1  }
0x48e: {  	s1 =	simm.s32 @!p0 $0xC800;
	v3 =	vadd.s32 @!p0 v6, v3  }
0x48f: {  	[tilespmem:s1], [sflag:$0x3] =	stream.indirect_vreg.gather @!p0 [hbm4b:s2+s17], $0x80, v4, vm1, $0xb8;
	[tilespmem:$0x12800] =	vst v63  }
0x490: {  	s1 =	simm.s32 @!p0 $0xD000  }
0x491: {  	[tilespmem:s1], [sflag:$0x3] =	stream.indirect_vreg.gather @!p0 [hbm4b:s8+s17], $0x80, v4, vm1, $0xb8;
	[tilespmem:$0x12800] =	vst v63  }
0x492: {  	s20 =	simm.s32 $0x0;
	s1 =	simm.s32 @!p0 $0xD800  }
0x493: {  	[tilespmem:s1], [sflag:$0x3] =	stream.indirect_vreg.gather @!p0 [hbm4b:s2+s17], $0x80, v3, vm1, $0xb8;
	[tilespmem:$0x12800] =	vst v63  }
0x494: {  	s21 =	sand.u32 $0x3000, s20;
	s23 =	sand.u32 $0x380, s20;
	s1 =	simm.s32 @!p0 $0xE000  }
0x495: {  	[tilespmem:s1], [sflag:$0x3] =	stream.indirect_vreg.gather @!p0 [hbm4b:s8+s17], $0x80, v3, vm1, $0xb8;
	[tilespmem:$0x12800] =	vst v63  }
0x496: {  	s1 =	sor.u32 s23, s21;
	s17 =	sand.u32 $0x1000, s20  }
0x497: {  	s17 =	sor.u32 s23, s17;
	v3 =	vld [tilespmem:s1+$0xE800]  }
0x498: {  	v4 =	vld [tilespmem:s17+$0x0];
	_ =	sdelay $0x4  }
0x499: {  	v3 =	vadd.f32 v4, v3;
	_ =	sdelay $0x1  }
0x49a: {  	[tilespmem:s1+$0xE800] =	vst v3;
	v3 =	vld [tilespmem:s1+$0xE810]  }
0x49b: {  	v4 =	vld [tilespmem:s17+$0x10];
	_ =	sdelay $0x4  }
0x49c: {  	v3 =	vadd.f32 v4, v3;
	_ =	sdelay $0x1  }
0x49d: {  	[tilespmem:s1+$0xE810] =	vst v3;
	v3 =	vld [tilespmem:s1+$0xE820]  }
0x49e: {  	v4 =	vld [tilespmem:s17+$0x20];
	_ =	sdelay $0x4  }
0x49f: {  	v3 =	vadd.f32 v4, v3;
	_ =	sdelay $0x1  }
0x4a0: {  	[tilespmem:s1+$0xE820] =	vst v3;
	v3 =	vld [tilespmem:s1+$0xE830]  }
0x4a1: {  	v4 =	vld [tilespmem:s17+$0x30];
	_ =	sdelay $0x4  }
0x4a2: {  	v3 =	vadd.f32 v4, v3;
	_ =	sdelay $0x1  }
0x4a3: {  	[tilespmem:s1+$0xE830] =	vst v3;
	v3 =	vld [tilespmem:s1+$0xE840]  }
0x4a4: {  	v4 =	vld [tilespmem:s17+$0x40];
	_ =	sdelay $0x4  }
0x4a5: {  	v3 =	vadd.f32 v4, v3;
	_ =	sdelay $0x1  }
0x4a6: {  	[tilespmem:s1+$0xE840] =	vst v3;
	v3 =	vld [tilespmem:s1+$0xE850]  }
0x4a7: {  	v4 =	vld [tilespmem:s17+$0x50];
	_ =	sdelay $0x4  }
0x4a8: {  	v3 =	vadd.f32 v4, v3;
	_ =	sdelay $0x1  }
0x4a9: {  	[tilespmem:s1+$0xE850] =	vst v3;
	v3 =	vld [tilespmem:s1+$0xE860]  }
0x4aa: {  	v4 =	vld [tilespmem:s17+$0x60];
	_ =	sdelay $0x4  }
0x4ab: {  	v3 =	vadd.f32 v4, v3;
	_ =	sdelay $0x1  }
0x4ac: {  	[tilespmem:s1+$0xE860] =	vst v3;
	v3 =	vld [tilespmem:s1+$0xE870]  }
0x4ad: {  	v4 =	vld [tilespmem:s17+$0x70];
	_ =	sdelay $0x4  }
0x4ae: {  	v3 =	vadd.f32 v4, v3;
	_ =	sdelay $0x1  }
0x4af: {  	[tilespmem:s1+$0xE870] =	vst v3;
	v3 =	vld [tilespmem:s1+$0xEC00]  }
0x4b0: {  	v4 =	vld [tilespmem:s17+$0x400];
	_ =	sdelay $0x4  }
0x4b1: {  	v3 =	vadd.f32 v4, v3;
	_ =	sdelay $0x1  }
0x4b2: {  	[tilespmem:s1+$0xEC00] =	vst v3;
	v3 =	vld [tilespmem:s1+$0xEC10]  }
0x4b3: {  	v4 =	vld [tilespmem:s17+$0x410];
	_ =	sdelay $0x4  }
0x4b4: {  	v3 =	vadd.f32 v4, v3;
	_ =	sdelay $0x1  }
0x4b5: {  	[tilespmem:s1+$0xEC10] =	vst v3;
	v3 =	vld [tilespmem:s1+$0xEC20]  }
0x4b6: {  	v4 =	vld [tilespmem:s17+$0x420];
	_ =	sdelay $0x4  }
0x4b7: {  	v3 =	vadd.f32 v4, v3;
	_ =	sdelay $0x1  }
0x4b8: {  	[tilespmem:s1+$0xEC20] =	vst v3;
	v3 =	vld [tilespmem:s1+$0xEC30]  }
0x4b9: {  	v4 =	vld [tilespmem:s17+$0x430];
	_ =	sdelay $0x4  }
0x4ba: {  	v3 =	vadd.f32 v4, v3;
	_ =	sdelay $0x1  }
0x4bb: {  	[tilespmem:s1+$0xEC30] =	vst v3;
	v3 =	vld [tilespmem:s1+$0xEC40]  }
0x4bc: {  	v4 =	vld [tilespmem:s17+$0x440];
	_ =	sdelay $0x4  }
0x4bd: {  	v3 =	vadd.f32 v4, v3;
	_ =	sdelay $0x1  }
0x4be: {  	[tilespmem:s1+$0xEC40] =	vst v3;
	v3 =	vld [tilespmem:s1+$0xEC50]  }
0x4bf: {  	v4 =	vld [tilespmem:s17+$0x450];
	_ =	sdelay $0x4  }
0x4c0: {  	v3 =	vadd.f32 v4, v3;
	_ =	sdelay $0x1  }
0x4c1: {  	[tilespmem:s1+$0xEC50] =	vst v3;
	v3 =	vld [tilespmem:s1+$0xEC60]  }
0x4c2: {  	v4 =	vld [tilespmem:s17+$0x460];
	_ =	sdelay $0x4  }
0x4c3: {  	v3 =	vadd.f32 v4, v3;
	_ =	sdelay $0x1  }
0x4c4: {  	[tilespmem:s1+$0xEC60] =	vst v3;
	v3 =	vld [tilespmem:s1+$0xEC70]  }
0x4c5: {  	v4 =	vld [tilespmem:s17+$0x470];
	_ =	sdelay $0x4  }
0x4c6: {  	v3 =	vadd.f32 v4, v3;
	_ =	sdelay $0x1  }
0x4c7: {  	[tilespmem:s1+$0xEC70] =	vst v3;
	v3 =	vld [tilespmem:s1+$0xF000]  }
0x4c8: {  	v4 =	vld [tilespmem:s17+$0x800];
	_ =	sdelay $0x4  }
0x4c9: {  	v3 =	vadd.f32 v4, v3;
	_ =	sdelay $0x1  }
0x4ca: {  	[tilespmem:s1+$0xF000] =	vst v3;
	v3 =	vld [tilespmem:s1+$0xF010]  }
0x4cb: {  	v4 =	vld [tilespmem:s17+$0x810];
	_ =	sdelay $0x4  }
0x4cc: {  	v3 =	vadd.f32 v4, v3;
	_ =	sdelay $0x1  }
0x4cd: {  	[tilespmem:s1+$0xF010] =	vst v3;
	v3 =	vld [tilespmem:s1+$0xF020]  }
0x4ce: {  	v4 =	vld [tilespmem:s17+$0x820];
	_ =	sdelay $0x4  }
0x4cf: {  	v3 =	vadd.f32 v4, v3;
	_ =	sdelay $0x1  }
0x4d0: {  	[tilespmem:s1+$0xF020] =	vst v3;
	v3 =	vld [tilespmem:s1+$0xF030]  }
0x4d1: {  	v4 =	vld [tilespmem:s17+$0x830];
	_ =	sdelay $0x4  }
0x4d2: {  	v3 =	vadd.f32 v4, v3;
	_ =	sdelay $0x1  }
0x4d3: {  	[tilespmem:s1+$0xF030] =	vst v3;
	v3 =	vld [tilespmem:s1+$0xF040]  }
0x4d4: {  	v4 =	vld [tilespmem:s17+$0x840];
	_ =	sdelay $0x4  }
0x4d5: {  	v3 =	vadd.f32 v4, v3;
	_ =	sdelay $0x1  }
0x4d6: {  	[tilespmem:s1+$0xF040] =	vst v3;
	v3 =	vld [tilespmem:s1+$0xF050]  }
0x4d7: {  	v4 =	vld [tilespmem:s17+$0x850];
	_ =	sdelay $0x4  }
0x4d8: {  	v3 =	vadd.f32 v4, v3;
	_ =	sdelay $0x1  }
0x4d9: {  	[tilespmem:s1+$0xF050] =	vst v3;
	v3 =	vld [tilespmem:s1+$0xF060]  }
0x4da: {  	v4 =	vld [tilespmem:s17+$0x860];
	_ =	sdelay $0x4  }
0x4db: {  	v3 =	vadd.f32 v4, v3;
	_ =	sdelay $0x1  }
0x4dc: {  	[tilespmem:s1+$0xF060] =	vst v3;
	v3 =	vld [tilespmem:s1+$0xF070]  }
0x4dd: {  	v4 =	vld [tilespmem:s17+$0x870];
	_ =	sdelay $0x4  }
0x4de: {  	v3 =	vadd.f32 v4, v3;
	_ =	sdelay $0x1  }
0x4df: {  	[tilespmem:s1+$0xF070] =	vst v3;
	v3 =	vld [tilespmem:s1+$0xF400]  }
0x4e0: {  	v4 =	vld [tilespmem:s17+$0xC00];
	_ =	sdelay $0x4  }
0x4e1: {  	v3 =	vadd.f32 v4, v3;
	_ =	sdelay $0x1  }
0x4e2: {  	[tilespmem:s1+$0xF400] =	vst v3;
	v3 =	vld [tilespmem:s1+$0xF410]  }
0x4e3: {  	v4 =	vld [tilespmem:s17+$0xC10];
	_ =	sdelay $0x4  }
0x4e4: {  	v3 =	vadd.f32 v4, v3;
	_ =	sdelay $0x1  }
0x4e5: {  	[tilespmem:s1+$0xF410] =	vst v3;
	v3 =	vld [tilespmem:s1+$0xF420]  }
0x4e6: {  	v4 =	vld [tilespmem:s17+$0xC20];
	_ =	sdelay $0x4  }
0x4e7: {  	v3 =	vadd.f32 v4, v3;
	_ =	sdelay $0x1  }
0x4e8: {  	[tilespmem:s1+$0xF420] =	vst v3;
	v3 =	vld [tilespmem:s1+$0xF430]  }
0x4e9: {  	v4 =	vld [tilespmem:s17+$0xC30];
	_ =	sdelay $0x4  }
0x4ea: {  	v3 =	vadd.f32 v4, v3;
	_ =	sdelay $0x1  }
0x4eb: {  	[tilespmem:s1+$0xF430] =	vst v3;
	v3 =	vld [tilespmem:s1+$0xF440]  }
0x4ec: {  	v4 =	vld [tilespmem:s17+$0xC40];
	_ =	sdelay $0x4  }
0x4ed: {  	v3 =	vadd.f32 v4, v3;
	_ =	sdelay $0x1  }
0x4ee: {  	[tilespmem:s1+$0xF440] =	vst v3;
	v3 =	vld [tilespmem:s1+$0xF450]  }
0x4ef: {  	v4 =	vld [tilespmem:s17+$0xC50];
	_ =	sdelay $0x4  }
0x4f0: {  	v3 =	vadd.f32 v4, v3;
	_ =	sdelay $0x1  }
0x4f1: {  	[tilespmem:s1+$0xF450] =	vst v3;
	v3 =	vld [tilespmem:s1+$0xF460]  }
0x4f2: {  	v4 =	vld [tilespmem:s17+$0xC60];
	_ =	sdelay $0x4  }
0x4f3: {  	v3 =	vadd.f32 v4, v3;
	_ =	sdelay $0x1  }
0x4f4: {  	[tilespmem:s1+$0xF460] =	vst v3;
	v3 =	vld [tilespmem:s1+$0xF470]  }
0x4f5: {  	v4 =	vld [tilespmem:s17+$0xC70];
	_ =	sdelay $0x3  }
0x4f6: {  	s25 =	simm.s32 $0x200;
	s19 =	simm.s32 $0x80  }
0x4f7: {  	s30 =	sand.u32 $0x3000, s25;
	s20 =	sand.u32 $0x380, s19;
	v3 =	vadd.f32 v4, v3  }
0x4f8: {  	s21 =	sor.u32 s20, s30;
	s23 =	sand.u32 $0x1000, s25;
	s17 =	simm.s32 $0x400  }
.LBB2_9:
0x4f9: {  	p0 =	sne.s32 s17, $0x3E00;
	s20 =	sor.u32 s20, s23;
	v4 =	vld [tilespmem:s21+$0xE800];
	[tilespmem:s1+$0xF470] =	vst v3;
	s1 =	smov.u32 s21  }
0x4fa: {  	v3 =	vld [tilespmem:s20+$0x0];
	_ =	sdelay $0x4  }
0x4fb: {  	v3 =	vadd.f32 v3, v4;
	_ =	sdelay $0x1  }
0x4fc: {  	[tilespmem:s1+$0xE800] =	vst v3;
	v3 =	vld [tilespmem:s1+$0xE810]  }
0x4fd: {  	v4 =	vld [tilespmem:s20+$0x10];
	_ =	sdelay $0x4  }
0x4fe: {  	v3 =	vadd.f32 v4, v3;
	_ =	sdelay $0x1  }
0x4ff: {  	[tilespmem:s1+$0xE810] =	vst v3;
	v3 =	vld [tilespmem:s1+$0xE820]  }
0x500: {  	v4 =	vld [tilespmem:s20+$0x20];
	_ =	sdelay $0x4  }
0x501: {  	v3 =	vadd.f32 v4, v3;
	_ =	sdelay $0x1  }
0x502: {  	[tilespmem:s1+$0xE820] =	vst v3;
	v3 =	vld [tilespmem:s1+$0xE830]  }
0x503: {  	v4 =	vld [tilespmem:s20+$0x30];
	_ =	sdelay $0x4  }
0x504: {  	v3 =	vadd.f32 v4, v3;
	_ =	sdelay $0x1  }
0x505: {  	[tilespmem:s1+$0xE830] =	vst v3;
	v3 =	vld [tilespmem:s1+$0xE840]  }
0x506: {  	v4 =	vld [tilespmem:s20+$0x40];
	_ =	sdelay $0x4  }
0x507: {  	v3 =	vadd.f32 v4, v3;
	_ =	sdelay $0x1  }
0x508: {  	[tilespmem:s1+$0xE840] =	vst v3;
	v3 =	vld [tilespmem:s1+$0xE850]  }
0x509: {  	v4 =	vld [tilespmem:s20+$0x50];
	_ =	sdelay $0x4  }
0x50a: {  	v3 =	vadd.f32 v4, v3;
	_ =	sdelay $0x1  }
0x50b: {  	[tilespmem:s1+$0xE850] =	vst v3;
	v3 =	vld [tilespmem:s1+$0xE860]  }
0x50c: {  	v4 =	vld [tilespmem:s20+$0x60];
	_ =	sdelay $0x4  }
0x50d: {  	v3 =	vadd.f32 v4, v3;
	_ =	sdelay $0x1  }
0x50e: {  	[tilespmem:s1+$0xE860] =	vst v3;
	v3 =	vld [tilespmem:s1+$0xE870]  }
0x50f: {  	v4 =	vld [tilespmem:s20+$0x70];
	_ =	sdelay $0x4  }
0x510: {  	v3 =	vadd.f32 v4, v3;
	_ =	sdelay $0x1  }
0x511: {  	[tilespmem:s1+$0xE870] =	vst v3;
	v3 =	vld [tilespmem:s1+$0xEC00]  }
0x512: {  	v4 =	vld [tilespmem:s20+$0x400];
	_ =	sdelay $0x4  }
0x513: {  	v3 =	vadd.f32 v4, v3;
	_ =	sdelay $0x1  }
0x514: {  	[tilespmem:s1+$0xEC00] =	vst v3;
	v3 =	vld [tilespmem:s1+$0xEC10]  }
0x515: {  	v4 =	vld [tilespmem:s20+$0x410];
	_ =	sdelay $0x4  }
0x516: {  	v3 =	vadd.f32 v4, v3;
	_ =	sdelay $0x1  }
0x517: {  	[tilespmem:s1+$0xEC10] =	vst v3;
	v3 =	vld [tilespmem:s1+$0xEC20]  }
0x518: {  	v4 =	vld [tilespmem:s20+$0x420];
	_ =	sdelay $0x4  }
0x519: {  	v3 =	vadd.f32 v4, v3;
	_ =	sdelay $0x1  }
0x51a: {  	[tilespmem:s1+$0xEC20] =	vst v3;
	v3 =	vld [tilespmem:s1+$0xEC30]  }
0x51b: {  	v4 =	vld [tilespmem:s20+$0x430];
	_ =	sdelay $0x4  }
0x51c: {  	v3 =	vadd.f32 v4, v3;
	_ =	sdelay $0x1  }
0x51d: {  	[tilespmem:s1+$0xEC30] =	vst v3;
	v3 =	vld [tilespmem:s1+$0xEC40]  }
0x51e: {  	v4 =	vld [tilespmem:s20+$0x440];
	_ =	sdelay $0x4  }
0x51f: {  	v3 =	vadd.f32 v4, v3;
	_ =	sdelay $0x1  }
0x520: {  	[tilespmem:s1+$0xEC40] =	vst v3;
	v3 =	vld [tilespmem:s1+$0xEC50]  }
0x521: {  	v4 =	vld [tilespmem:s20+$0x450];
	_ =	sdelay $0x4  }
0x522: {  	v3 =	vadd.f32 v4, v3;
	_ =	sdelay $0x1  }
0x523: {  	[tilespmem:s1+$0xEC50] =	vst v3;
	v3 =	vld [tilespmem:s1+$0xEC60]  }
0x524: {  	v4 =	vld [tilespmem:s20+$0x460];
	_ =	sdelay $0x4  }
0x525: {  	v3 =	vadd.f32 v4, v3;
	_ =	sdelay $0x1  }
0x526: {  	[tilespmem:s1+$0xEC60] =	vst v3;
	v3 =	vld [tilespmem:s1+$0xEC70]  }
0x527: {  	v4 =	vld [tilespmem:s20+$0x470];
	_ =	sdelay $0x4  }
0x528: {  	v3 =	vadd.f32 v4, v3;
	_ =	sdelay $0x1  }
0x529: {  	[tilespmem:s1+$0xEC70] =	vst v3;
	v3 =	vld [tilespmem:s1+$0xF000]  }
0x52a: {  	v4 =	vld [tilespmem:s20+$0x800];
	_ =	sdelay $0x4  }
0x52b: {  	v3 =	vadd.f32 v4, v3;
	_ =	sdelay $0x1  }
0x52c: {  	[tilespmem:s1+$0xF000] =	vst v3;
	v3 =	vld [tilespmem:s1+$0xF010]  }
0x52d: {  	v4 =	vld [tilespmem:s20+$0x810];
	_ =	sdelay $0x4  }
0x52e: {  	v3 =	vadd.f32 v4, v3;
	_ =	sdelay $0x1  }
0x52f: {  	[tilespmem:s1+$0xF010] =	vst v3;
	v3 =	vld [tilespmem:s1+$0xF020]  }
0x530: {  	v4 =	vld [tilespmem:s20+$0x820];
	_ =	sdelay $0x4  }
0x531: {  	v3 =	vadd.f32 v4, v3;
	_ =	sdelay $0x1  }
0x532: {  	[tilespmem:s1+$0xF020] =	vst v3;
	v3 =	vld [tilespmem:s1+$0xF030]  }
0x533: {  	v4 =	vld [tilespmem:s20+$0x830];
	_ =	sdelay $0x4  }
0x534: {  	v3 =	vadd.f32 v4, v3;
	_ =	sdelay $0x1  }
0x535: {  	[tilespmem:s1+$0xF030] =	vst v3;
	v3 =	vld [tilespmem:s1+$0xF040]  }
0x536: {  	v4 =	vld [tilespmem:s20+$0x840];
	_ =	sdelay $0x4  }
0x537: {  	v3 =	vadd.f32 v4, v3;
	_ =	sdelay $0x1  }
0x538: {  	[tilespmem:s1+$0xF040] =	vst v3;
	v3 =	vld [tilespmem:s1+$0xF050]  }
0x539: {  	v4 =	vld [tilespmem:s20+$0x850];
	_ =	sdelay $0x4  }
0x53a: {  	v3 =	vadd.f32 v4, v3;
	_ =	sdelay $0x1  }
0x53b: {  	[tilespmem:s1+$0xF050] =	vst v3;
	v3 =	vld [tilespmem:s1+$0xF060]  }
0x53c: {  	v4 =	vld [tilespmem:s20+$0x860];
	_ =	sdelay $0x4  }
0x53d: {  	v3 =	vadd.f32 v4, v3;
	_ =	sdelay $0x1  }
0x53e: {  	[tilespmem:s1+$0xF060] =	vst v3;
	v3 =	vld [tilespmem:s1+$0xF070]  }
0x53f: {  	v4 =	vld [tilespmem:s20+$0x870];
	_ =	sdelay $0x4  }
0x540: {  	v3 =	vadd.f32 v4, v3;
	_ =	sdelay $0x1  }
0x541: {  	[tilespmem:s1+$0xF070] =	vst v3;
	v3 =	vld [tilespmem:s1+$0xF400]  }
0x542: {  	v4 =	vld [tilespmem:s20+$0xC00];
	_ =	sdelay $0x4  }
0x543: {  	v3 =	vadd.f32 v4, v3;
	_ =	sdelay $0x1  }
0x544: {  	[tilespmem:s1+$0xF400] =	vst v3;
	v3 =	vld [tilespmem:s1+$0xF410]  }
0x545: {  	v4 =	vld [tilespmem:s20+$0xC10];
	_ =	sdelay $0x4  }
0x546: {  	v3 =	vadd.f32 v4, v3;
	_ =	sdelay $0x1  }
0x547: {  	[tilespmem:s1+$0xF410] =	vst v3;
	v3 =	vld [tilespmem:s1+$0xF420]  }
0x548: {  	v4 =	vld [tilespmem:s20+$0xC20];
	_ =	sdelay $0x4  }
0x549: {  	v3 =	vadd.f32 v4, v3;
	_ =	sdelay $0x1  }
0x54a: {  	[tilespmem:s1+$0xF420] =	vst v3;
	v3 =	vld [tilespmem:s1+$0xF430]  }
0x54b: {  	v4 =	vld [tilespmem:s20+$0xC30];
	_ =	sdelay $0x4  }
0x54c: {  	v3 =	vadd.f32 v4, v3;
	_ =	sdelay $0x1  }
0x54d: {  	[tilespmem:s1+$0xF430] =	vst v3;
	v3 =	vld [tilespmem:s1+$0xF440]  }
0x54e: {  	v4 =	vld [tilespmem:s20+$0xC40];
	_ =	sdelay $0x4  }
0x54f: {  	v3 =	vadd.f32 v4, v3;
	_ =	sdelay $0x1  }
0x550: {  	[tilespmem:s1+$0xF440] =	vst v3;
	v3 =	vld [tilespmem:s1+$0xF450]  }
0x551: {  	v4 =	vld [tilespmem:s20+$0xC50];
	_ =	sdelay $0x4  }
0x552: {  	v3 =	vadd.f32 v4, v3;
	_ =	sdelay $0x1  }
0x553: {  	[tilespmem:s1+$0xF450] =	vst v3;
	v3 =	vld [tilespmem:s1+$0xF460]  }
0x554: {  	v4 =	vld [tilespmem:s20+$0xC60];
	_ =	sdelay $0x4  }
0x555: {  	v3 =	vadd.f32 v4, v3;
	_ =	sdelay $0x1  }
0x556: {  	[tilespmem:s1+$0xF460] =	vst v3;
	v3 =	vld [tilespmem:s1+$0xF470]  }
0x557: {  	v4 =	vld [tilespmem:s20+$0xC70];
	_ =	sdelay $0x1  }
.Ltmp3:
0x558: {  	(pc) =	sbr.rel @p0 .LBB2_9-.Ltmp3, $4  }
0x559: {  	_ = 	snop  }
0x55a: {  	s19 =	sadd.s32 $0x80, s19  }
0x55b: {  	s21 =	sand.u32 $0x3000, s17;
	s20 =	sand.u32 $0x380, s19;
	v3 =	vadd.f32 v4, v3  }
0x55c: {  	s23 =	sand.u32 $0x1000, s17;
	s17 =	sadd.s32 $0x200, s17;
	s21 =	sor.u32 s20, s21  }
0x55d: {  	s17 =	sor.u32 s20, s23;
	v4 =	vld [tilespmem:s21+$0xE800];
	[tilespmem:s1+$0xF470] =	vst v3  }
0x55e: {  	v3 =	vld [tilespmem:s17+$0x0];
	_ =	sdelay $0x4  }
0x55f: {  	v3 =	vadd.f32 v3, v4;
	_ =	sdelay $0x1  }
0x560: {  	[tilespmem:s21+$0xE800] =	vst v3;
	v3 =	vld [tilespmem:s21+$0xE810]  }
0x561: {  	v33 =	vld [tilespmem:s17+$0x10];
	_ =	sdelay $0x4  }
0x562: {  	v3 =	vadd.f32 v33, v3;
	_ =	sdelay $0x1  }
0x563: {  	[tilespmem:s21+$0xE810] =	vst v3;
	v3 =	vld [tilespmem:s21+$0xE820]  }
0x564: {  	v34 =	vld [tilespmem:s17+$0x20];
	_ =	sdelay $0x4  }
0x565: {  	v3 =	vadd.f32 v34, v3;
	_ =	sdelay $0x1  }
0x566: {  	[tilespmem:s21+$0xE820] =	vst v3;
	v3 =	vld [tilespmem:s21+$0xE830]  }
0x567: {  	v35 =	vld [tilespmem:s17+$0x30];
	_ =	sdelay $0x4  }
0x568: {  	v3 =	vadd.f32 v35, v3;
	_ =	sdelay $0x1  }
0x569: {  	[tilespmem:s21+$0xE830] =	vst v3;
	v3 =	vld [tilespmem:s21+$0xE840]  }
0x56a: {  	v36 =	vld [tilespmem:s17+$0x40];
	_ =	sdelay $0x4  }
0x56b: {  	v3 =	vadd.f32 v36, v3;
	_ =	sdelay $0x1  }
0x56c: {  	[tilespmem:s21+$0xE840] =	vst v3;
	v3 =	vld [tilespmem:s21+$0xE850]  }
0x56d: {  	v37 =	vld [tilespmem:s17+$0x50];
	_ =	sdelay $0x4  }
0x56e: {  	v3 =	vadd.f32 v37, v3;
	_ =	sdelay $0x1  }
0x56f: {  	[tilespmem:s21+$0xE850] =	vst v3;
	v3 =	vld [tilespmem:s21+$0xE860]  }
0x570: {  	v38 =	vld [tilespmem:s17+$0x60];
	_ =	sdelay $0x4  }
0x571: {  	v3 =	vadd.f32 v38, v3;
	_ =	sdelay $0x1  }
0x572: {  	[tilespmem:s21+$0xE860] =	vst v3;
	v3 =	vld [tilespmem:s21+$0xE870]  }
0x573: {  	v39 =	vld [tilespmem:s17+$0x70];
	_ =	sdelay $0x4  }
0x574: {  	v3 =	vadd.f32 v39, v3;
	_ =	sdelay $0x1  }
0x575: {  	[tilespmem:s21+$0xE870] =	vst v3;
	v3 =	vld [tilespmem:s21+$0xEC00]  }
0x576: {  	v40 =	vld [tilespmem:s17+$0x400];
	_ =	sdelay $0x4  }
0x577: {  	v3 =	vadd.f32 v40, v3;
	_ =	sdelay $0x1  }
0x578: {  	[tilespmem:s21+$0xEC00] =	vst v3;
	v3 =	vld [tilespmem:s21+$0xEC10]  }
0x579: {  	v41 =	vld [tilespmem:s17+$0x410];
	_ =	sdelay $0x4  }
0x57a: {  	v3 =	vadd.f32 v41, v3;
	_ =	sdelay $0x1  }
0x57b: {  	[tilespmem:s21+$0xEC10] =	vst v3;
	v3 =	vld [tilespmem:s21+$0xEC20]  }
0x57c: {  	v42 =	vld [tilespmem:s17+$0x420];
	_ =	sdelay $0x4  }
0x57d: {  	v3 =	vadd.f32 v42, v3;
	_ =	sdelay $0x1  }
0x57e: {  	[tilespmem:s21+$0xEC20] =	vst v3;
	v3 =	vld [tilespmem:s21+$0xEC30]  }
0x57f: {  	v43 =	vld [tilespmem:s17+$0x430];
	_ =	sdelay $0x4  }
0x580: {  	v3 =	vadd.f32 v43, v3;
	_ =	sdelay $0x1  }
0x581: {  	[tilespmem:s21+$0xEC30] =	vst v3;
	v3 =	vld [tilespmem:s21+$0xEC40]  }
0x582: {  	v44 =	vld [tilespmem:s17+$0x440];
	_ =	sdelay $0x4  }
0x583: {  	v3 =	vadd.f32 v44, v3;
	_ =	sdelay $0x1  }
0x584: {  	[tilespmem:s21+$0xEC40] =	vst v3;
	v3 =	vld [tilespmem:s21+$0xEC50]  }
0x585: {  	v45 =	vld [tilespmem:s17+$0x450];
	_ =	sdelay $0x4  }
0x586: {  	v3 =	vadd.f32 v45, v3;
	_ =	sdelay $0x1  }
0x587: {  	[tilespmem:s21+$0xEC50] =	vst v3;
	v3 =	vld [tilespmem:s21+$0xEC60]  }
0x588: {  	v46 =	vld [tilespmem:s17+$0x460];
	_ =	sdelay $0x4  }
0x589: {  	v3 =	vadd.f32 v46, v3;
	_ =	sdelay $0x1  }
0x58a: {  	[tilespmem:s21+$0xEC60] =	vst v3;
	v3 =	vld [tilespmem:s21+$0xEC70]  }
0x58b: {  	v47 =	vld [tilespmem:s17+$0x470];
	_ =	sdelay $0x4  }
0x58c: {  	v3 =	vadd.f32 v47, v3;
	_ =	sdelay $0x1  }
0x58d: {  	[tilespmem:s21+$0xEC70] =	vst v3;
	v3 =	vld [tilespmem:s21+$0xF000]  }
0x58e: {  	v48 =	vld [tilespmem:s17+$0x800];
	_ =	sdelay $0x4  }
0x58f: {  	v3 =	vadd.f32 v48, v3;
	_ =	sdelay $0x1  }
0x590: {  	[tilespmem:s21+$0xF000] =	vst v3;
	v3 =	vld [tilespmem:s21+$0xF010]  }
0x591: {  	v49 =	vld [tilespmem:s17+$0x810];
	_ =	sdelay $0x4  }
0x592: {  	v3 =	vadd.f32 v49, v3;
	_ =	sdelay $0x1  }
0x593: {  	[tilespmem:s21+$0xF010] =	vst v3;
	v3 =	vld [tilespmem:s21+$0xF020]  }
0x594: {  	v50 =	vld [tilespmem:s17+$0x820];
	_ =	sdelay $0x4  }
0x595: {  	v3 =	vadd.f32 v50, v3;
	_ =	sdelay $0x1  }
0x596: {  	[tilespmem:s21+$0xF020] =	vst v3;
	v3 =	vld [tilespmem:s21+$0xF030]  }
0x597: {  	v51 =	vld [tilespmem:s17+$0x830];
	_ =	sdelay $0x4  }
0x598: {  	v3 =	vadd.f32 v51, v3;
	_ =	sdelay $0x1  }
0x599: {  	[tilespmem:s21+$0xF030] =	vst v3;
	v3 =	vld [tilespmem:s21+$0xF040]  }
0x59a: {  	v52 =	vld [tilespmem:s17+$0x840];
	_ =	sdelay $0x4  }
0x59b: {  	v3 =	vadd.f32 v52, v3;
	_ =	sdelay $0x1  }
0x59c: {  	[tilespmem:s21+$0xF040] =	vst v3;
	v3 =	vld [tilespmem:s21+$0xF050]  }
0x59d: {  	v53 =	vld [tilespmem:s17+$0x850];
	_ =	sdelay $0x4  }
0x59e: {  	v3 =	vadd.f32 v53, v3;
	_ =	sdelay $0x1  }
0x59f: {  	[tilespmem:s21+$0xF050] =	vst v3;
	v3 =	vld [tilespmem:s21+$0xF060]  }
0x5a0: {  	v54 =	vld [tilespmem:s17+$0x860];
	_ =	sdelay $0x4  }
0x5a1: {  	v3 =	vadd.f32 v54, v3;
	_ =	sdelay $0x1  }
0x5a2: {  	[tilespmem:s21+$0xF060] =	vst v3;
	v3 =	vld [tilespmem:s21+$0xF070]  }
0x5a3: {  	v55 =	vld [tilespmem:s17+$0x870];
	_ =	sdelay $0x4  }
0x5a4: {  	v3 =	vadd.f32 v55, v3;
	_ =	sdelay $0x1  }
0x5a5: {  	[tilespmem:s21+$0xF070] =	vst v3;
	v3 =	vld [tilespmem:s21+$0xF400]  }
0x5a6: {  	v56 =	vld [tilespmem:s17+$0xC00];
	_ =	sdelay $0x4  }
0x5a7: {  	v3 =	vadd.f32 v56, v3;
	_ =	sdelay $0x1  }
0x5a8: {  	[tilespmem:s21+$0xF400] =	vst v3;
	v3 =	vld [tilespmem:s21+$0xF410]  }
0x5a9: {  	v57 =	vld [tilespmem:s17+$0xC10];
	_ =	sdelay $0x4  }
0x5aa: {  	v3 =	vadd.f32 v57, v3;
	_ =	sdelay $0x1  }
0x5ab: {  	[tilespmem:s21+$0xF410] =	vst v3;
	v3 =	vld [tilespmem:s21+$0xF420]  }
0x5ac: {  	v58 =	vld [tilespmem:s17+$0xC20];
	_ =	sdelay $0x4  }
0x5ad: {  	v3 =	vadd.f32 v58, v3;
	_ =	sdelay $0x1  }
0x5ae: {  	[tilespmem:s21+$0xF420] =	vst v3;
	v3 =	vld [tilespmem:s21+$0xF430]  }
0x5af: {  	v59 =	vld [tilespmem:s17+$0xC30];
	_ =	sdelay $0x4  }
0x5b0: {  	v3 =	vadd.f32 v59, v3;
	_ =	sdelay $0x1  }
0x5b1: {  	[tilespmem:s21+$0xF430] =	vst v3;
	v3 =	vld [tilespmem:s21+$0xF440]  }
0x5b2: {  	v60 =	vld [tilespmem:s17+$0xC40];
	_ =	sdelay $0x4  }
0x5b3: {  	v3 =	vadd.f32 v60, v3;
	_ =	sdelay $0x1  }
0x5b4: {  	[tilespmem:s21+$0xF440] =	vst v3;
	v3 =	vld [tilespmem:s21+$0xF450]  }
0x5b5: {  	v61 =	vld [tilespmem:s17+$0xC50];
	_ =	sdelay $0x4  }
0x5b6: {  	v3 =	vadd.f32 v61, v3;
	_ =	sdelay $0x1  }
0x5b7: {  	[tilespmem:s21+$0xF450] =	vst v3;
	v3 =	vld [tilespmem:s21+$0xF460]  }
0x5b8: {  	v62 =	vld [tilespmem:s17+$0xC60];
	_ =	sdelay $0x4  }
0x5b9: {  	v3 =	vadd.f32 v62, v3;
	_ =	sdelay $0x1  }
0x5ba: {  	[tilespmem:s21+$0xF460] =	vst v3;
	v3 =	vld [tilespmem:s21+$0xF470]  }
0x5bb: {  	v63 =	vld [tilespmem:s17+$0xC70];
	_ =	sdelay $0x3  }
0x5bc: {  	s31 =	sadd.s32 $0x1, s31  }
0x5bd: {  	s0 =	sshll.u32 s0, $0x10;
	p0 =	sne.s32 s31, $0x10;
	v3 =	vadd.f32 v63, v3  }
.Ltmp4:
0x5be: {  	s0 =	sor.u32 s5, s0;
	(pc) =	sbr.rel @p0 .LBB2_2-.Ltmp4, $4  }
0x5bf: {  	s30 =	sadd.s32 s3, s0;
	[tilespmem:s21+$0xF470] =	vst v3  }
0x5c0: {  	[hbm4b:s30+s4] =	stream.linear.scatter [tilespmem:s29], [sflag:$0x8], $0x2000, $0x38;
	[tilespmem:$0x12800] =	vst v63  }
0x5c1: {  	s0 =	sadd.s32 s0, s9  }
0x5c2: {  	[hbm4b:s0+s4] =	stream.linear.scatter [tilespmem:s18], [sflag:$0x8], $0x2000, $0x38;
	[tilespmem:$0x12800] =	vst v63  }
0x5c3: {  	s1 =	simm.s32 $0x8  }
0x5c4: {  	_ =	swait.ge [sflag:s1], $0x2000  }
0x5c5: {  	[sflag:s1] =	ssyncset.done $0x0  }
0x5c6: {  	[sflag:s1] =	ssyncadd.s32 $0xFFFFE000  }
0x5c7: {  	_ =	swait.ge [sflag:s1], $0x2000  }
0x5c8: {  	s17 =	rddreg [dreg:$0x7]  }
0x5c9: {  	s0 =	rddreg [dreg:$0x6];
	s17 =	sadd.s32 $0x1, s17  }
0x5ca: {  	p0 =	sne.s32 s17, s0  }
.Ltmp5:
0x5cb: {  	_ = 	snop;
	(pc) =	sbr.rel @p0 .LBB2_1-.Ltmp5, $3  }
0x5cc: {  	_ =	sdelay $0x1  }
0x5cd: {  	[sflag:s1] =	ssyncset.done $0x0  }
0x5ce: {  	[sflag:s1] =	ssyncadd.s32 $0xFFFFE000  }
0x5cf: {  	_ =	sfence.sel $0x180000  }
0x5d0: {  	[bflag:$0x0] =	sbarrier.arrive $0xFFFF  }
0x5d1: {  	_ =	strace $0x90000047  }
0x5d2: {  	s0 =	stileid.u32;
	[bflag:$0x2] =	sbarrier.arrive $0xFFFF  }
0x5d3: {  	p0 =	sne.s32 s0, $0x0;
	s0 =	rddreg [dreg:$0x3]  }
0x5d4: {  	s0 =	sadd.s32 @!p0 $0x100000, s0  }
0x5d5: {  	[sflag:s0] =	ssyncadd.tile.s32 @!p0 $0x1;
	_ =	shalt  }
.Lfunc_end2:
_tile_overlayer_lowered:
.L_overlay_start_2:
0x5d6: {  	(tag) =	ssettag $0x2  }
0x5d7: {  	s0 =	rddreg [dreg:$0x0];
	s2 =	stileid.u32  }
0x5d8: {  	s1 =	rddreg [dreg:$0x1];
	p0 =	sne.s32 s2, $0x0  }
0x5d9: {  	s3 =	rddreg [dreg:$0x2];
	[bflag:$0x3] =	sbarrier.arrive $0xFFFF;
	s2 =	simm.s32 @!p0 $0x1C09  }
0x5da: {  	[timem:s3], [sflag:s2] =	dma.local @!p0 [hbm:s0], s1  }
0x5db: {  	s0 =	simm.s32 @!p0 $0x9  }
0x5dc: {  	_ =	swait.ge @!p0 [sflag:s0], s1  }
0x5dd: {  	s1 =	ssub.s32 @!p0 $0x0, s1;
	[sflag:s0] =	ssyncset.done @!p0 $0x0  }
0x5de: {  	[sflag:s0] =	ssyncadd.s32 @!p0 s1  }
0x5df: {  	[bflag:$0x3] =	sbarrier.arrive $0xFFFF  }
0x5e0: {  	_ =	shalt  }

</sc_bundles>
